<compile_context>
chip_gen: v7x
topology: tpu7x:2x2x1
jax: 0.10.2.dev20260603
libtpu: 0.0.44.dev20260713+nightly
codegen_flags: <defaults>
</compile_context>

<pallas_src>
import functools

import jax
import jax.numpy as jnp
from jax import lax
from jax.experimental import pallas as pl
from jax.experimental.pallas import tpu as pltpu
from jax.experimental.pallas import tpu_sc as plsc

N = 8192
D = 256
C = 32
NC = 2
NS = 16
NW = NC * NS
R = N // NW
L = 16
NCH = D // L
NB = 2
CPB = NCH // NB


def _sc_body(logt_hbm, emb_hbm, acc_hbm, cnt_hbm,
             logt_v, emb_v, cnt_v, asg_v, sem, *acc_refs):
    sid = lax.axis_index("s")
    cid = lax.axis_index("c")
    wid = sid * NC + cid
    base = wid * R

    emb_cp = pltpu.async_copy(emb_hbm.at[pl.ds(base, R)], emb_v, sem)
    pltpu.sync_copy(logt_hbm.at[:, pl.ds(base, R)], logt_v)

    zf = jnp.zeros((L,), jnp.float32)
    ones = jnp.ones((L,), jnp.float32)

    def zero_body(i, carry):
        for b in range(NB):
            for k in range(CPB):
                acc_refs[b][i, pl.ds(k * L, L)] = zf
        return carry

    lax.fori_loop(0, C, zero_body, 0)
    cnt_v[pl.ds(0, L)] = zf
    cnt_v[pl.ds(L, L)] = zf

    def am_body(g, carry):
        off = g * L
        m = logt_v[0, pl.ds(off, L)]
        a = jnp.zeros((L,), jnp.int32)
        for c in range(1, C):
            v = logt_v[c, pl.ds(off, L)]
            p = v > m
            m = jnp.where(p, v, m)
            a = jnp.where(p, jnp.full((L,), c, jnp.int32), a)
        asg_v[pl.ds(off, L)] = a
        plsc.addupdate_scatter(cnt_v, [a], ones)
        return carry

    lax.fori_loop(0, R // L, am_body, 0)

    emb_cp.wait()

    st_order = [0, 8, 1, 9, 2, 10, 3, 11, 4, 12, 5, 13, 6, 14, 7, 15]

    def _row_stores(a, vals):
        for j in st_order:
            plsc.addupdate(acc_refs[j // CPB].at[a, pl.ds((j % CPB) * L, L)],
                           vals[j])

    def grp_body(g, carry):
        avec = asg_v[pl.ds(g * L, L)]
        r0 = g * L
        prev_a = avec[0]
        prev_vals = [emb_v[r0, pl.ds(j * L, L)] for j in range(NCH)]
        for l in range(1, L):
            a = avec[l]
            vals = [None] * NCH
            for k in range(NCH):
                vals[k] = emb_v[r0 + l, pl.ds(k * L, L)]
                j = st_order[k]
                plsc.addupdate(acc_refs[j // CPB].at[prev_a, pl.ds((j % CPB) * L, L)],
                               prev_vals[j])
            prev_a, prev_vals = a, vals
        _row_stores(prev_a, prev_vals)
        return carry

    lax.fori_loop(0, R // L, grp_body, 0)

    for b in range(NB):
        pltpu.sync_copy(acc_refs[b],
                        acc_hbm.at[wid, :, pl.ds(b * CPB * L, CPB * L)])
    pltpu.sync_copy(cnt_v, cnt_hbm.at[wid])


@functools.cache
def _sc_partials():
    return pl.kernel(
        _sc_body,
        out_type=(
            jax.ShapeDtypeStruct((NW, C, D), jnp.float32),
            jax.ShapeDtypeStruct((NW, C), jnp.float32),
        ),
        mesh=plsc.VectorSubcoreMesh(core_axis_name="c", subcore_axis_name="s",
                                    num_cores=NC, num_subcores=NS),
        scratch_types=[
            pltpu.VMEM((C, R), jnp.float32),
            pltpu.VMEM((R, D), jnp.float32),
            pltpu.VMEM((C,), jnp.float32),
            pltpu.VMEM((R,), jnp.int32),
            pltpu.SemaphoreType.DMA,
        ] + [pltpu.VMEM((C, CPB * L), jnp.float32) for _ in range(NB)],
        compiler_params=pltpu.CompilerParams(needs_layout_passes=False),
    )


def _tc_body(acc_ref, cnt_ref, c_ref, o_ref):
    w = jnp.sum(cnt_ref[...], axis=0)[:, None]
    inv = 1.0 / (w + 1e-8)
    seg = jnp.sum(acc_ref[...], axis=0)
    m = (seg - w * c_ref[...]) * inv
    o_ref[...] = jnp.sqrt(jnp.sum(m * m, axis=1))


def kernel(embedding, centers, logits):
    logt = logits.T
    acc, cnt = _sc_partials()(logt, embedding)
    return pl.pallas_call(
        _tc_body,
        out_shape=jax.ShapeDtypeStruct((C,), jnp.float32),
    )(acc, cnt, centers)

# --- scband reference (transcript-rebuilt; emitter-appended) ---
"""Pipeline reference for scband-mean-60748017435178 (READ-ONLY COPY).

The authoritative reference and input builder live on the scoring server;
editing this copy changes nothing except your own understanding.
"""

import jax, jax.numpy as jnp
import numpy as np


def setup_inputs(seed: int = 0) -> dict:
    key = jax.random.key(seed)
    k1, k2, k3 = jax.random.split(key, 3)
    embedding = jax.random.normal(k1, (8192, 256), dtype=jnp.float32)
    centers = jax.random.normal(k2, (32, 256), dtype=jnp.float32)
    logits = jax.random.normal(k3, (8192, 32), dtype=jnp.float32)
    return {"embedding": embedding, "centers": centers, "logits": logits}


def reference(embedding, centers, logits):
    num_classes = logits.shape[-1]
    cluster_assignment = jnp.argmax(logits, axis=-1)
    cluster_assignment_onehot = jax.nn.one_hot(cluster_assignment, logits.shape[1], dtype=embedding.dtype)
    embedding_rep = jnp.repeat(embedding[:, None, :], num_classes, axis=1)
    x_mu_rep = embedding_rep - centers[None, :, :]
    cluster_weight = jnp.sum(cluster_assignment_onehot, axis=0)
    diff_onehot = x_mu_rep * cluster_assignment_onehot[:, :, None]
    empirical_total = jnp.sum(diff_onehot, axis=0)
    moment1 = empirical_total / (cluster_weight[:, None] + 1e-08)
    moment_penalty = jnp.linalg.norm(moment1, ord=2, axis=1)
    return moment_penalty

if __name__ == "__main__":
    import jax
    _d = setup_inputs()
    print(jax.jit(kernel)(*tuple(_d.values())))

</pallas_src>

<mosaic_0001>
#map = affine_map<(d0, d1) -> (0, 0)>
#map1 = affine_map<(d0, d1) -> (0, 0, 0)>
module attributes {stable_mosaic.version = 14 : i64} {
  func.func @_sc_body(%arg0: i32, %arg1: i32, %arg2: memref<32x8192xf32, #tpu.memory_space<hbm>>, %arg3: memref<8192x256xf32, #tpu.memory_space<hbm>>, %arg4: memref<32x32x256xf32, #tpu.memory_space<hbm>>, %arg5: memref<32x32xf32, #tpu.memory_space<hbm>>, %arg6: memref<32x256xf32, #tpu.memory_space<vmem>>, %arg7: memref<256x256xf32, #tpu.memory_space<vmem>>, %arg8: memref<32xf32, #tpu.memory_space<vmem>>, %arg9: memref<256xi32, #tpu.memory_space<vmem>>, %arg10: memref<!tpu.dma_semaphore, #tpu.memory_space<semaphore_mem>>, %arg11: memref<32x128xf32, #tpu.memory_space<vmem>>, %arg12: memref<32x128xf32, #tpu.memory_space<vmem>>) attributes {dimension_semantics = [#tpu.dimension_semantics<core_parallel>, #tpu.dimension_semantics<subcore_parallel>], iteration_bounds = array<i64: 2, 16>, scalar_prefetch = 0 : i64, scratch_operands = 7 : i64, tpu.core_type = #tpu.core_type<sc_vector_subcore>, window_params = [{transform_indices = #map}, {transform_indices = #map}, {transform_indices = #map1}, {transform_indices = #map}]} {
    %mul3A = arith.constant 2 : i32
    %mul3A_0 = arith.muli %arg1, %mul3A : i32
    %add3A = arith.addi %mul3A_0, %arg0 : i32
    %mul3A_1 = arith.constant 256 : i32
    %mul3A_2 = arith.muli %add3A, %mul3A_1 : i32
    %dma_start3A = arith.constant 0 : i32
    %dma_start3A_3 = tpu.memref_slice %arg3[%mul3A_2, %dma_start3A] : memref<8192x256xf32, #tpu.memory_space<hbm>> -> memref<256x256xf32, #tpu.memory_space<hbm>>
    %dma_start3A_4 = arith.constant 0 : i32
    %dma_start3A_5 = tpu.memref_slice %arg3[%mul3A_2, %dma_start3A_4] : memref<8192x256xf32, #tpu.memory_space<hbm>> -> memref<256x256xf32, #tpu.memory_space<hbm>>
    tpu.enqueue_dma source(%dma_start3A_5 : memref<256x256xf32, #tpu.memory_space<hbm>>) target(%arg7 : memref<256x256xf32, #tpu.memory_space<vmem>>) target_semaphore(%arg10 : memref<!tpu.dma_semaphore, #tpu.memory_space<semaphore_mem>>)
    "tpu.region"() ({
      %run_scoped3A = tpu.sem_alloc : memref<!tpu.dma_semaphore, #tpu.memory_space<semaphore_mem>>
      %dma_start3A_32 = arith.constant 0 : i32
      %dma_start3A_33 = tpu.memref_slice %arg2[%dma_start3A_32, %mul3A_2] : memref<32x8192xf32, #tpu.memory_space<hbm>> -> memref<32x256xf32, #tpu.memory_space<hbm>>
      %dma_start3A_34 = arith.constant 0 : i32
      %dma_start3A_35 = tpu.memref_slice %arg2[%dma_start3A_34, %mul3A_2] : memref<32x8192xf32, #tpu.memory_space<hbm>> -> memref<32x256xf32, #tpu.memory_space<hbm>>
      tpu.enqueue_dma source(%dma_start3A_35 : memref<32x256xf32, #tpu.memory_space<hbm>>) target(%arg6 : memref<32x256xf32, #tpu.memory_space<vmem>>) target_semaphore(%run_scoped3A : memref<!tpu.dma_semaphore, #tpu.memory_space<semaphore_mem>>)
      %dma_wait3A_36 = arith.constant 0 : i32
      %dma_wait3A_37 = tpu.memref_slice %arg2[%dma_wait3A_36, %mul3A_2] : memref<32x8192xf32, #tpu.memory_space<hbm>> -> memref<32x256xf32, #tpu.memory_space<hbm>>
      %dma_wait3A_38 = arith.constant 0 : i32
      %dma_wait3A_39 = tpu.memref_slice %arg2[%dma_wait3A_38, %mul3A_2] : memref<32x8192xf32, #tpu.memory_space<hbm>> -> memref<32x256xf32, #tpu.memory_space<hbm>>
      tpu.wait_dma2 semaphore(%run_scoped3A : memref<!tpu.dma_semaphore, #tpu.memory_space<semaphore_mem>>) src(%dma_wait3A_39 : memref<32x256xf32, #tpu.memory_space<hbm>>) dst(%arg6 : memref<32x256xf32, #tpu.memory_space<vmem>>)
      tpu.yield
    }) : () -> ()
    %broadcast_in_dim3A = arith.constant 0.000000e+00 : f32
    %broadcast_in_dim3A_6 = vector.broadcast %broadcast_in_dim3A : f32 to vector<16xf32>
    %broadcast_in_dim3A_7 = arith.constant 1.000000e+00 : f32
    %broadcast_in_dim3A_8 = vector.broadcast %broadcast_in_dim3A_7 : f32 to vector<16xf32>
    %scan3A = arith.constant 0 : i32
    %scan3A_9 = arith.constant 0 : i32
    %scan3A_10 = arith.constant 32 : i32
    %scan3A_11 = arith.addi %scan3A_9, %scan3A_10 : i32
    %scan3A_12 = arith.constant 1 : i32
    scf.for %scan3A_32 = %scan3A_9 to %scan3A_11 step %scan3A_12  : i32 {
      %swap3A_33 = arith.index_cast %scan3A_32 : i32 to index
      %swap3A_34 = arith.constant 0 : index
      %swap3A_35 = tpu.vector_load %arg11[%swap3A_33, %swap3A_34] {strides = array<i32>} : memref<32x128xf32, #tpu.memory_space<vmem>>, vector<16xf32>,
      tpu.vector_store %arg11[%swap3A_33, %swap3A_34], %broadcast_in_dim3A_6 {strides = array<i32>} : memref<32x128xf32, #tpu.memory_space<vmem>>, vector<16xf32>,
      %swap3A_36 = arith.index_cast %scan3A_32 : i32 to index
      %swap3A_37 = arith.constant 16 : index
      %swap3A_38 = tpu.vector_load %arg11[%swap3A_36, %swap3A_37] {strides = array<i32>} : memref<32x128xf32, #tpu.memory_space<vmem>>, vector<16xf32>,
      tpu.vector_store %arg11[%swap3A_36, %swap3A_37], %broadcast_in_dim3A_6 {strides = array<i32>} : memref<32x128xf32, #tpu.memory_space<vmem>>, vector<16xf32>,
      %swap3A_39 = arith.index_cast %scan3A_32 : i32 to index
      %swap3A_40 = arith.constant 32 : index
      %swap3A_41 = tpu.vector_load %arg11[%swap3A_39, %swap3A_40] {strides = array<i32>} : memref<32x128xf32, #tpu.memory_space<vmem>>, vector<16xf32>,
      tpu.vector_store %arg11[%swap3A_39, %swap3A_40], %broadcast_in_dim3A_6 {strides = array<i32>} : memref<32x128xf32, #tpu.memory_space<vmem>>, vector<16xf32>,
      %swap3A_42 = arith.index_cast %scan3A_32 : i32 to index
      %swap3A_43 = arith.constant 48 : index
      %swap3A_44 = tpu.vector_load %arg11[%swap3A_42, %swap3A_43] {strides = array<i32>} : memref<32x128xf32, #tpu.memory_space<vmem>>, vector<16xf32>,
      tpu.vector_store %arg11[%swap3A_42, %swap3A_43], %broadcast_in_dim3A_6 {strides = array<i32>} : memref<32x128xf32, #tpu.memory_space<vmem>>, vector<16xf32>,
      %swap3A_45 = arith.index_cast %scan3A_32 : i32 to index
      %swap3A_46 = arith.constant 64 : index
      %swap3A_47 = tpu.vector_load %arg11[%swap3A_45, %swap3A_46] {strides = array<i32>} : memref<32x128xf32, #tpu.memory_space<vmem>>, vector<16xf32>,
      tpu.vector_store %arg11[%swap3A_45, %swap3A_46], %broadcast_in_dim3A_6 {strides = array<i32>} : memref<32x128xf32, #tpu.memory_space<vmem>>, vector<16xf32>,
      %swap3A_48 = arith.index_cast %scan3A_32 : i32 to index
      %swap3A_49 = arith.constant 80 : index
      %swap3A_50 = tpu.vector_load %arg11[%swap3A_48, %swap3A_49] {strides = array<i32>} : memref<32x128xf32, #tpu.memory_space<vmem>>, vector<16xf32>,
      tpu.vector_store %arg11[%swap3A_48, %swap3A_49], %broadcast_in_dim3A_6 {strides = array<i32>} : memref<32x128xf32, #tpu.memory_space<vmem>>, vector<16xf32>,
      %swap3A_51 = arith.index_cast %scan3A_32 : i32 to index
      %swap3A_52 = arith.constant 96 : index
      %swap3A_53 = tpu.vector_load %arg11[%swap3A_51, %swap3A_52] {strides = array<i32>} : memref<32x128xf32, #tpu.memory_space<vmem>>, vector<16xf32>,
      tpu.vector_store %arg11[%swap3A_51, %swap3A_52], %broadcast_in_dim3A_6 {strides = array<i32>} : memref<32x128xf32, #tpu.memory_space<vmem>>, vector<16xf32>,
      %swap3A_54 = arith.index_cast %scan3A_32 : i32 to index
      %swap3A_55 = arith.constant 112 : index
      %swap3A_56 = tpu.vector_load %arg11[%swap3A_54, %swap3A_55] {strides = array<i32>} : memref<32x128xf32, #tpu.memory_space<vmem>>, vector<16xf32>,
      tpu.vector_store %arg11[%swap3A_54, %swap3A_55], %broadcast_in_dim3A_6 {strides = array<i32>} : memref<32x128xf32, #tpu.memory_space<vmem>>, vector<16xf32>,
      %swap3A_57 = arith.index_cast %scan3A_32 : i32 to index
      %swap3A_58 = arith.constant 0 : index
      %swap3A_59 = tpu.vector_load %arg12[%swap3A_57, %swap3A_58] {strides = array<i32>} : memref<32x128xf32, #tpu.memory_space<vmem>>, vector<16xf32>,
      tpu.vector_store %arg12[%swap3A_57, %swap3A_58], %broadcast_in_dim3A_6 {strides = array<i32>} : memref<32x128xf32, #tpu.memory_space<vmem>>, vector<16xf32>,
      %swap3A_60 = arith.index_cast %scan3A_32 : i32 to index
      %swap3A_61 = arith.constant 16 : index
      %swap3A_62 = tpu.vector_load %arg12[%swap3A_60, %swap3A_61] {strides = array<i32>} : memref<32x128xf32, #tpu.memory_space<vmem>>, vector<16xf32>,
      tpu.vector_store %arg12[%swap3A_60, %swap3A_61], %broadcast_in_dim3A_6 {strides = array<i32>} : memref<32x128xf32, #tpu.memory_space<vmem>>, vector<16xf32>,
      %swap3A_63 = arith.index_cast %scan3A_32 : i32 to index
      %swap3A_64 = arith.constant 32 : index
      %swap3A_65 = tpu.vector_load %arg12[%swap3A_63, %swap3A_64] {strides = array<i32>} : memref<32x128xf32, #tpu.memory_space<vmem>>, vector<16xf32>,
      tpu.vector_store %arg12[%swap3A_63, %swap3A_64], %broadcast_in_dim3A_6 {strides = array<i32>} : memref<32x128xf32, #tpu.memory_space<vmem>>, vector<16xf32>,
      %swap3A_66 = arith.index_cast %scan3A_32 : i32 to index
      %swap3A_67 = arith.constant 48 : index
      %swap3A_68 = tpu.vector_load %arg12[%swap3A_66, %swap3A_67] {strides = array<i32>} : memref<32x128xf32, #tpu.memory_space<vmem>>, vector<16xf32>,
      tpu.vector_store %arg12[%swap3A_66, %swap3A_67], %broadcast_in_dim3A_6 {strides = array<i32>} : memref<32x128xf32, #tpu.memory_space<vmem>>, vector<16xf32>,
      %swap3A_69 = arith.index_cast %scan3A_32 : i32 to index
      %swap3A_70 = arith.constant 64 : index
      %swap3A_71 = tpu.vector_load %arg12[%swap3A_69, %swap3A_70] {strides = array<i32>} : memref<32x128xf32, #tpu.memory_space<vmem>>, vector<16xf32>,
      tpu.vector_store %arg12[%swap3A_69, %swap3A_70], %broadcast_in_dim3A_6 {strides = array<i32>} : memref<32x128xf32, #tpu.memory_space<vmem>>, vector<16xf32>,
      %swap3A_72 = arith.index_cast %scan3A_32 : i32 to index
      %swap3A_73 = arith.constant 80 : index
      %swap3A_74 = tpu.vector_load %arg12[%swap3A_72, %swap3A_73] {strides = array<i32>} : memref<32x128xf32, #tpu.memory_space<vmem>>, vector<16xf32>,
      tpu.vector_store %arg12[%swap3A_72, %swap3A_73], %broadcast_in_dim3A_6 {strides = array<i32>} : memref<32x128xf32, #tpu.memory_space<vmem>>, vector<16xf32>,
      %swap3A_75 = arith.index_cast %scan3A_32 : i32 to index
      %swap3A_76 = arith.constant 96 : index
      %swap3A_77 = tpu.vector_load %arg12[%swap3A_75, %swap3A_76] {strides = array<i32>} : memref<32x128xf32, #tpu.memory_space<vmem>>, vector<16xf32>,
      tpu.vector_store %arg12[%swap3A_75, %swap3A_76], %broadcast_in_dim3A_6 {strides = array<i32>} : memref<32x128xf32, #tpu.memory_space<vmem>>, vector<16xf32>,
      %swap3A_78 = arith.index_cast %scan3A_32 : i32 to index
      %swap3A_79 = arith.constant 112 : index
      %swap3A_80 = tpu.vector_load %arg12[%swap3A_78, %swap3A_79] {strides = array<i32>} : memref<32x128xf32, #tpu.memory_space<vmem>>, vector<16xf32>,
      tpu.vector_store %arg12[%swap3A_78, %swap3A_79], %broadcast_in_dim3A_6 {strides = array<i32>} : memref<32x128xf32, #tpu.memory_space<vmem>>, vector<16xf32>,
    }
    %scan3A_13 = arith.constant 32 : i32
    %swap3A = arith.constant 0 : index
    %swap3A_14 = tpu.vector_load %arg8[%swap3A] {strides = array<i32>} : memref<32xf32, #tpu.memory_space<vmem>>, vector<16xf32>,
    tpu.vector_store %arg8[%swap3A], %broadcast_in_dim3A_6 {strides = array<i32>} : memref<32xf32, #tpu.memory_space<vmem>>, vector<16xf32>,
    %swap3A_15 = arith.constant 16 : index
    %swap3A_16 = tpu.vector_load %arg8[%swap3A_15] {strides = array<i32>} : memref<32xf32, #tpu.memory_space<vmem>>, vector<16xf32>,
    tpu.vector_store %arg8[%swap3A_15], %broadcast_in_dim3A_6 {strides = array<i32>} : memref<32xf32, #tpu.memory_space<vmem>>, vector<16xf32>,
    %scan3A_17 = arith.constant 0 : i32
    %scan3A_18 = arith.constant 0 : i32
    %scan3A_19 = arith.constant 16 : i32
    %scan3A_20 = arith.addi %scan3A_18, %scan3A_19 : i32
    %scan3A_21 = arith.constant 1 : i32
    scf.for %scan3A_32 = %scan3A_18 to %scan3A_20 step %scan3A_21  : i32 {
      %mul3A_33 = arith.constant 16 : i32
      %mul3A_34 = arith.muli %scan3A_32, %mul3A_33 : i32
      %get3A = arith.constant 0 : i32
      %get3A_35 = arith.index_cast %get3A : i32 to index
      %get3A_36 = arith.index_cast %mul3A_34 : i32 to index
      %get3A_37 = tpu.vector_load %arg6[%get3A_35, %get3A_36] {strides = array<i32>} : memref<32x256xf32, #tpu.memory_space<vmem>>, vector<16xf32>,
      %broadcast_in_dim3A_38 = arith.constant 0 : i32
      %broadcast_in_dim3A_39 = vector.broadcast %broadcast_in_dim3A_38 : i32 to vector<16xi32>
      %get3A_40 = arith.constant 1 : i32
      %get3A_41 = arith.index_cast %get3A_40 : i32 to index
      %get3A_42 = arith.index_cast %mul3A_34 : i32 to index
      %get3A_43 = tpu.vector_load %arg6[%get3A_41, %get3A_42] {strides = array<i32>} : memref<32x256xf32, #tpu.memory_space<vmem>>, vector<16xf32>,
      %gt3A = arith.cmpf ogt, %get3A_43, %get3A_37 : vector<16xf32>
      %select_n3A = arith.select %gt3A, %get3A_43, %get3A_37 : vector<16xi1>, vector<16xf32>
      %broadcast_in_dim3A_44 = arith.constant 1 : i32
      %broadcast_in_dim3A_45 = vector.broadcast %broadcast_in_dim3A_44 : i32 to vector<16xi32>
      %select_n3A_46 = arith.select %gt3A, %broadcast_in_dim3A_45, %broadcast_in_dim3A_39 : vector<16xi1>, vector<16xi32>
      %get3A_47 = arith.constant 2 : i32
      %get3A_48 = arith.index_cast %get3A_47 : i32 to index
      %get3A_49 = arith.index_cast %mul3A_34 : i32 to index
      %get3A_50 = tpu.vector_load %arg6[%get3A_48, %get3A_49] {strides = array<i32>} : memref<32x256xf32, #tpu.memory_space<vmem>>, vector<16xf32>,
      %gt3A_51 = arith.cmpf ogt, %get3A_50, %select_n3A : vector<16xf32>
      %select_n3A_52 = arith.select %gt3A_51, %get3A_50, %select_n3A : vector<16xi1>, vector<16xf32>
      %broadcast_in_dim3A_53 = arith.constant 2 : i32
      %broadcast_in_dim3A_54 = vector.broadcast %broadcast_in_dim3A_53 : i32 to vector<16xi32>
      %select_n3A_55 = arith.select %gt3A_51, %broadcast_in_dim3A_54, %select_n3A_46 : vector<16xi1>, vector<16xi32>
      %get3A_56 = arith.constant 3 : i32
      %get3A_57 = arith.index_cast %get3A_56 : i32 to index
      %get3A_58 = arith.index_cast %mul3A_34 : i32 to index
      %get3A_59 = tpu.vector_load %arg6[%get3A_57, %get3A_58] {strides = array<i32>} : memref<32x256xf32, #tpu.memory_space<vmem>>, vector<16xf32>,
      %gt3A_60 = arith.cmpf ogt, %get3A_59, %select_n3A_52 : vector<16xf32>
      %select_n3A_61 = arith.select %gt3A_60, %get3A_59, %select_n3A_52 : vector<16xi1>, vector<16xf32>
      %broadcast_in_dim3A_62 = arith.constant 3 : i32
      %broadcast_in_dim3A_63 = vector.broadcast %broadcast_in_dim3A_62 : i32 to vector<16xi32>
      %select_n3A_64 = arith.select %gt3A_60, %broadcast_in_dim3A_63, %select_n3A_55 : vector<16xi1>, vector<16xi32>
      %get3A_65 = arith.constant 4 : i32
      %get3A_66 = arith.index_cast %get3A_65 : i32 to index
      %get3A_67 = arith.index_cast %mul3A_34 : i32 to index
      %get3A_68 = tpu.vector_load %arg6[%get3A_66, %get3A_67] {strides = array<i32>} : memref<32x256xf32, #tpu.memory_space<vmem>>, vector<16xf32>,
      %gt3A_69 = arith.cmpf ogt, %get3A_68, %select_n3A_61 : vector<16xf32>
      %select_n3A_70 = arith.select %gt3A_69, %get3A_68, %select_n3A_61 : vector<16xi1>, vector<16xf32>
      %broadcast_in_dim3A_71 = arith.constant 4 : i32
      %broadcast_in_dim3A_72 = vector.broadcast %broadcast_in_dim3A_71 : i32 to vector<16xi32>
      %select_n3A_73 = arith.select %gt3A_69, %broadcast_in_dim3A_72, %select_n3A_64 : vector<16xi1>, vector<16xi32>
      %get3A_74 = arith.constant 5 : i32
      %get3A_75 = arith.index_cast %get3A_74 : i32 to index
      %get3A_76 = arith.index_cast %mul3A_34 : i32 to index
      %get3A_77 = tpu.vector_load %arg6[%get3A_75, %get3A_76] {strides = array<i32>} : memref<32x256xf32, #tpu.memory_space<vmem>>, vector<16xf32>,
      %gt3A_78 = arith.cmpf ogt, %get3A_77, %select_n3A_70 : vector<16xf32>
      %select_n3A_79 = arith.select %gt3A_78, %get3A_77, %select_n3A_70 : vector<16xi1>, vector<16xf32>
      %broadcast_in_dim3A_80 = arith.constant 5 : i32
      %broadcast_in_dim3A_81 = vector.broadcast %broadcast_in_dim3A_80 : i32 to vector<16xi32>
      %select_n3A_82 = arith.select %gt3A_78, %broadcast_in_dim3A_81, %select_n3A_73 : vector<16xi1>, vector<16xi32>
      %get3A_83 = arith.constant 6 : i32
      %get3A_84 = arith.index_cast %get3A_83 : i32 to index
      %get3A_85 = arith.index_cast %mul3A_34 : i32 to index
      %get3A_86 = tpu.vector_load %arg6[%get3A_84, %get3A_85] {strides = array<i32>} : memref<32x256xf32, #tpu.memory_space<vmem>>, vector<16xf32>,
      %gt3A_87 = arith.cmpf ogt, %get3A_86, %select_n3A_79 : vector<16xf32>
      %select_n3A_88 = arith.select %gt3A_87, %get3A_86, %select_n3A_79 : vector<16xi1>, vector<16xf32>
      %broadcast_in_dim3A_89 = arith.constant 6 : i32
      %broadcast_in_dim3A_90 = vector.broadcast %broadcast_in_dim3A_89 : i32 to vector<16xi32>
      %select_n3A_91 = arith.select %gt3A_87, %broadcast_in_dim3A_90, %select_n3A_82 : vector<16xi1>, vector<16xi32>
      %get3A_92 = arith.constant 7 : i32
      %get3A_93 = arith.index_cast %get3A_92 : i32 to index
      %get3A_94 = arith.index_cast %mul3A_34 : i32 to index
      %get3A_95 = tpu.vector_load %arg6[%get3A_93, %get3A_94] {strides = array<i32>} : memref<32x256xf32, #tpu.memory_space<vmem>>, vector<16xf32>,
      %gt3A_96 = arith.cmpf ogt, %get3A_95, %select_n3A_88 : vector<16xf32>
      %select_n3A_97 = arith.select %gt3A_96, %get3A_95, %select_n3A_88 : vector<16xi1>, vector<16xf32>
      %broadcast_in_dim3A_98 = arith.constant 7 : i32
      %broadcast_in_dim3A_99 = vector.broadcast %broadcast_in_dim3A_98 : i32 to vector<16xi32>
      %select_n3A_100 = arith.select %gt3A_96, %broadcast_in_dim3A_99, %select_n3A_91 : vector<16xi1>, vector<16xi32>
      %get3A_101 = arith.constant 8 : i32
      %get3A_102 = arith.index_cast %get3A_101 : i32 to index
      %get3A_103 = arith.index_cast %mul3A_34 : i32 to index
      %get3A_104 = tpu.vector_load %arg6[%get3A_102, %get3A_103] {strides = array<i32>} : memref<32x256xf32, #tpu.memory_space<vmem>>, vector<16xf32>,
      %gt3A_105 = arith.cmpf ogt, %get3A_104, %select_n3A_97 : vector<16xf32>
      %select_n3A_106 = arith.select %gt3A_105, %get3A_104, %select_n3A_97 : vector<16xi1>, vector<16xf32>
      %broadcast_in_dim3A_107 = arith.constant 8 : i32
      %broadcast_in_dim3A_108 = vector.broadcast %broadcast_in_dim3A_107 : i32 to vector<16xi32>
      %select_n3A_109 = arith.select %gt3A_105, %broadcast_in_dim3A_108, %select_n3A_100 : vector<16xi1>, vector<16xi32>
      %get3A_110 = arith.constant 9 : i32
      %get3A_111 = arith.index_cast %get3A_110 : i32 to index
      %get3A_112 = arith.index_cast %mul3A_34 : i32 to index
      %get3A_113 = tpu.vector_load %arg6[%get3A_111, %get3A_112] {strides = array<i32>} : memref<32x256xf32, #tpu.memory_space<vmem>>, vector<16xf32>,
      %gt3A_114 = arith.cmpf ogt, %get3A_113, %select_n3A_106 : vector<16xf32>
      %select_n3A_115 = arith.select %gt3A_114, %get3A_113, %select_n3A_106 : vector<16xi1>, vector<16xf32>
      %broadcast_in_dim3A_116 = arith.constant 9 : i32
      %broadcast_in_dim3A_117 = vector.broadcast %broadcast_in_dim3A_116 : i32 to vector<16xi32>
      %select_n3A_118 = arith.select %gt3A_114, %broadcast_in_dim3A_117, %select_n3A_109 : vector<16xi1>, vector<16xi32>
      %get3A_119 = arith.constant 10 : i32
      %get3A_120 = arith.index_cast %get3A_119 : i32 to index
      %get3A_121 = arith.index_cast %mul3A_34 : i32 to index
      %get3A_122 = tpu.vector_load %arg6[%get3A_120, %get3A_121] {strides = array<i32>} : memref<32x256xf32, #tpu.memory_space<vmem>>, vector<16xf32>,
      %gt3A_123 = arith.cmpf ogt, %get3A_122, %select_n3A_115 : vector<16xf32>
      %select_n3A_124 = arith.select %gt3A_123, %get3A_122, %select_n3A_115 : vector<16xi1>, vector<16xf32>
      %broadcast_in_dim3A_125 = arith.constant 10 : i32
      %broadcast_in_dim3A_126 = vector.broadcast %broadcast_in_dim3A_125 : i32 to vector<16xi32>
      %select_n3A_127 = arith.select %gt3A_123, %broadcast_in_dim3A_126, %select_n3A_118 : vector<16xi1>, vector<16xi32>
      %get3A_128 = arith.constant 11 : i32
      %get3A_129 = arith.index_cast %get3A_128 : i32 to index
      %get3A_130 = arith.index_cast %mul3A_34 : i32 to index
      %get3A_131 = tpu.vector_load %arg6[%get3A_129, %get3A_130] {strides = array<i32>} : memref<32x256xf32, #tpu.memory_space<vmem>>, vector<16xf32>,
      %gt3A_132 = arith.cmpf ogt, %get3A_131, %select_n3A_124 : vector<16xf32>
      %select_n3A_133 = arith.select %gt3A_132, %get3A_131, %select_n3A_124 : vector<16xi1>, vector<16xf32>
      %broadcast_in_dim3A_134 = arith.constant 11 : i32
      %broadcast_in_dim3A_135 = vector.broadcast %broadcast_in_dim3A_134 : i32 to vector<16xi32>
      %select_n3A_136 = arith.select %gt3A_132, %broadcast_in_dim3A_135, %select_n3A_127 : vector<16xi1>, vector<16xi32>
      %get3A_137 = arith.constant 12 : i32
      %get3A_138 = arith.index_cast %get3A_137 : i32 to index
      %get3A_139 = arith.index_cast %mul3A_34 : i32 to index
      %get3A_140 = tpu.vector_load %arg6[%get3A_138, %get3A_139] {strides = array<i32>} : memref<32x256xf32, #tpu.memory_space<vmem>>, vector<16xf32>,
      %gt3A_141 = arith.cmpf ogt, %get3A_140, %select_n3A_133 : vector<16xf32>
      %select_n3A_142 = arith.select %gt3A_141, %get3A_140, %select_n3A_133 : vector<16xi1>, vector<16xf32>
      %broadcast_in_dim3A_143 = arith.constant 12 : i32
      %broadcast_in_dim3A_144 = vector.broadcast %broadcast_in_dim3A_143 : i32 to vector<16xi32>
      %select_n3A_145 = arith.select %gt3A_141, %broadcast_in_dim3A_144, %select_n3A_136 : vector<16xi1>, vector<16xi32>
      %get3A_146 = arith.constant 13 : i32
      %get3A_147 = arith.index_cast %get3A_146 : i32 to index
      %get3A_148 = arith.index_cast %mul3A_34 : i32 to index
      %get3A_149 = tpu.vector_load %arg6[%get3A_147, %get3A_148] {strides = array<i32>} : memref<32x256xf32, #tpu.memory_space<vmem>>, vector<16xf32>,
      %gt3A_150 = arith.cmpf ogt, %get3A_149, %select_n3A_142 : vector<16xf32>
      %select_n3A_151 = arith.select %gt3A_150, %get3A_149, %select_n3A_142 : vector<16xi1>, vector<16xf32>
      %broadcast_in_dim3A_152 = arith.constant 13 : i32
      %broadcast_in_dim3A_153 = vector.broadcast %broadcast_in_dim3A_152 : i32 to vector<16xi32>
      %select_n3A_154 = arith.select %gt3A_150, %broadcast_in_dim3A_153, %select_n3A_145 : vector<16xi1>, vector<16xi32>
      %get3A_155 = arith.constant 14 : i32
      %get3A_156 = arith.index_cast %get3A_155 : i32 to index
      %get3A_157 = arith.index_cast %mul3A_34 : i32 to index
      %get3A_158 = tpu.vector_load %arg6[%get3A_156, %get3A_157] {strides = array<i32>} : memref<32x256xf32, #tpu.memory_space<vmem>>, vector<16xf32>,
      %gt3A_159 = arith.cmpf ogt, %get3A_158, %select_n3A_151 : vector<16xf32>
      %select_n3A_160 = arith.select %gt3A_159, %get3A_158, %select_n3A_151 : vector<16xi1>, vector<16xf32>
      %broadcast_in_dim3A_161 = arith.constant 14 : i32
      %broadcast_in_dim3A_162 = vector.broadcast %broadcast_in_dim3A_161 : i32 to vector<16xi32>
      %select_n3A_163 = arith.select %gt3A_159, %broadcast_in_dim3A_162, %select_n3A_154 : vector<16xi1>, vector<16xi32>
      %get3A_164 = arith.constant 15 : i32
      %get3A_165 = arith.index_cast %get3A_164 : i32 to index
      %get3A_166 = arith.index_cast %mul3A_34 : i32 to index
      %get3A_167 = tpu.vector_load %arg6[%get3A_165, %get3A_166] {strides = array<i32>} : memref<32x256xf32, #tpu.memory_space<vmem>>, vector<16xf32>,
      %gt3A_168 = arith.cmpf ogt, %get3A_167, %select_n3A_160 : vector<16xf32>
      %select_n3A_169 = arith.select %gt3A_168, %get3A_167, %select_n3A_160 : vector<16xi1>, vector<16xf32>
      %broadcast_in_dim3A_170 = arith.constant 15 : i32
      %broadcast_in_dim3A_171 = vector.broadcast %broadcast_in_dim3A_170 : i32 to vector<16xi32>
      %select_n3A_172 = arith.select %gt3A_168, %broadcast_in_dim3A_171, %select_n3A_163 : vector<16xi1>, vector<16xi32>
      %get3A_173 = arith.constant 16 : i32
      %get3A_174 = arith.index_cast %get3A_173 : i32 to index
      %get3A_175 = arith.index_cast %mul3A_34 : i32 to index
      %get3A_176 = tpu.vector_load %arg6[%get3A_174, %get3A_175] {strides = array<i32>} : memref<32x256xf32, #tpu.memory_space<vmem>>, vector<16xf32>,
      %gt3A_177 = arith.cmpf ogt, %get3A_176, %select_n3A_169 : vector<16xf32>
      %select_n3A_178 = arith.select %gt3A_177, %get3A_176, %select_n3A_169 : vector<16xi1>, vector<16xf32>
      %broadcast_in_dim3A_179 = arith.constant 16 : i32
      %broadcast_in_dim3A_180 = vector.broadcast %broadcast_in_dim3A_179 : i32 to vector<16xi32>
      %select_n3A_181 = arith.select %gt3A_177, %broadcast_in_dim3A_180, %select_n3A_172 : vector<16xi1>, vector<16xi32>
      %get3A_182 = arith.constant 17 : i32
      %get3A_183 = arith.index_cast %get3A_182 : i32 to index
      %get3A_184 = arith.index_cast %mul3A_34 : i32 to index
      %get3A_185 = tpu.vector_load %arg6[%get3A_183, %get3A_184] {strides = array<i32>} : memref<32x256xf32, #tpu.memory_space<vmem>>, vector<16xf32>,
      %gt3A_186 = arith.cmpf ogt, %get3A_185, %select_n3A_178 : vector<16xf32>
      %select_n3A_187 = arith.select %gt3A_186, %get3A_185, %select_n3A_178 : vector<16xi1>, vector<16xf32>
      %broadcast_in_dim3A_188 = arith.constant 17 : i32
      %broadcast_in_dim3A_189 = vector.broadcast %broadcast_in_dim3A_188 : i32 to vector<16xi32>
      %select_n3A_190 = arith.select %gt3A_186, %broadcast_in_dim3A_189, %select_n3A_181 : vector<16xi1>, vector<16xi32>
      %get3A_191 = arith.constant 18 : i32
      %get3A_192 = arith.index_cast %get3A_191 : i32 to index
      %get3A_193 = arith.index_cast %mul3A_34 : i32 to index
      %get3A_194 = tpu.vector_load %arg6[%get3A_192, %get3A_193] {strides = array<i32>} : memref<32x256xf32, #tpu.memory_space<vmem>>, vector<16xf32>,
      %gt3A_195 = arith.cmpf ogt, %get3A_194, %select_n3A_187 : vector<16xf32>
      %select_n3A_196 = arith.select %gt3A_195, %get3A_194, %select_n3A_187 : vector<16xi1>, vector<16xf32>
      %broadcast_in_dim3A_197 = arith.constant 18 : i32
      %broadcast_in_dim3A_198 = vector.broadcast %broadcast_in_dim3A_197 : i32 to vector<16xi32>
      %select_n3A_199 = arith.select %gt3A_195, %broadcast_in_dim3A_198, %select_n3A_190 : vector<16xi1>, vector<16xi32>
      %get3A_200 = arith.constant 19 : i32
      %get3A_201 = arith.index_cast %get3A_200 : i32 to index
      %get3A_202 = arith.index_cast %mul3A_34 : i32 to index
      %get3A_203 = tpu.vector_load %arg6[%get3A_201, %get3A_202] {strides = array<i32>} : memref<32x256xf32, #tpu.memory_space<vmem>>, vector<16xf32>,
      %gt3A_204 = arith.cmpf ogt, %get3A_203, %select_n3A_196 : vector<16xf32>
      %select_n3A_205 = arith.select %gt3A_204, %get3A_203, %select_n3A_196 : vector<16xi1>, vector<16xf32>
      %broadcast_in_dim3A_206 = arith.constant 19 : i32
      %broadcast_in_dim3A_207 = vector.broadcast %broadcast_in_dim3A_206 : i32 to vector<16xi32>
      %select_n3A_208 = arith.select %gt3A_204, %broadcast_in_dim3A_207, %select_n3A_199 : vector<16xi1>, vector<16xi32>
      %get3A_209 = arith.constant 20 : i32
      %get3A_210 = arith.index_cast %get3A_209 : i32 to index
      %get3A_211 = arith.index_cast %mul3A_34 : i32 to index
      %get3A_212 = tpu.vector_load %arg6[%get3A_210, %get3A_211] {strides = array<i32>} : memref<32x256xf32, #tpu.memory_space<vmem>>, vector<16xf32>,
      %gt3A_213 = arith.cmpf ogt, %get3A_212, %select_n3A_205 : vector<16xf32>
      %select_n3A_214 = arith.select %gt3A_213, %get3A_212, %select_n3A_205 : vector<16xi1>, vector<16xf32>
      %broadcast_in_dim3A_215 = arith.constant 20 : i32
      %broadcast_in_dim3A_216 = vector.broadcast %broadcast_in_dim3A_215 : i32 to vector<16xi32>
      %select_n3A_217 = arith.select %gt3A_213, %broadcast_in_dim3A_216, %select_n3A_208 : vector<16xi1>, vector<16xi32>
      %get3A_218 = arith.constant 21 : i32
      %get3A_219 = arith.index_cast %get3A_218 : i32 to index
      %get3A_220 = arith.index_cast %mul3A_34 : i32 to index
      %get3A_221 = tpu.vector_load %arg6[%get3A_219, %get3A_220] {strides = array<i32>} : memref<32x256xf32, #tpu.memory_space<vmem>>, vector<16xf32>,
      %gt3A_222 = arith.cmpf ogt, %get3A_221, %select_n3A_214 : vector<16xf32>
      %select_n3A_223 = arith.select %gt3A_222, %get3A_221, %select_n3A_214 : vector<16xi1>, vector<16xf32>
      %broadcast_in_dim3A_224 = arith.constant 21 : i32
      %broadcast_in_dim3A_225 = vector.broadcast %broadcast_in_dim3A_224 : i32 to vector<16xi32>
      %select_n3A_226 = arith.select %gt3A_222, %broadcast_in_dim3A_225, %select_n3A_217 : vector<16xi1>, vector<16xi32>
      %get3A_227 = arith.constant 22 : i32
      %get3A_228 = arith.index_cast %get3A_227 : i32 to index
      %get3A_229 = arith.index_cast %mul3A_34 : i32 to index
      %get3A_230 = tpu.vector_load %arg6[%get3A_228, %get3A_229] {strides = array<i32>} : memref<32x256xf32, #tpu.memory_space<vmem>>, vector<16xf32>,
      %gt3A_231 = arith.cmpf ogt, %get3A_230, %select_n3A_223 : vector<16xf32>
      %select_n3A_232 = arith.select %gt3A_231, %get3A_230, %select_n3A_223 : vector<16xi1>, vector<16xf32>
      %broadcast_in_dim3A_233 = arith.constant 22 : i32
      %broadcast_in_dim3A_234 = vector.broadcast %broadcast_in_dim3A_233 : i32 to vector<16xi32>
      %select_n3A_235 = arith.select %gt3A_231, %broadcast_in_dim3A_234, %select_n3A_226 : vector<16xi1>, vector<16xi32>
      %get3A_236 = arith.constant 23 : i32
      %get3A_237 = arith.index_cast %get3A_236 : i32 to index
      %get3A_238 = arith.index_cast %mul3A_34 : i32 to index
      %get3A_239 = tpu.vector_load %arg6[%get3A_237, %get3A_238] {strides = array<i32>} : memref<32x256xf32, #tpu.memory_space<vmem>>, vector<16xf32>,
      %gt3A_240 = arith.cmpf ogt, %get3A_239, %select_n3A_232 : vector<16xf32>
      %select_n3A_241 = arith.select %gt3A_240, %get3A_239, %select_n3A_232 : vector<16xi1>, vector<16xf32>
      %broadcast_in_dim3A_242 = arith.constant 23 : i32
      %broadcast_in_dim3A_243 = vector.broadcast %broadcast_in_dim3A_242 : i32 to vector<16xi32>
      %select_n3A_244 = arith.select %gt3A_240, %broadcast_in_dim3A_243, %select_n3A_235 : vector<16xi1>, vector<16xi32>
      %get3A_245 = arith.constant 24 : i32
      %get3A_246 = arith.index_cast %get3A_245 : i32 to index
      %get3A_247 = arith.index_cast %mul3A_34 : i32 to index
      %get3A_248 = tpu.vector_load %arg6[%get3A_246, %get3A_247] {strides = array<i32>} : memref<32x256xf32, #tpu.memory_space<vmem>>, vector<16xf32>,
      %gt3A_249 = arith.cmpf ogt, %get3A_248, %select_n3A_241 : vector<16xf32>
      %select_n3A_250 = arith.select %gt3A_249, %get3A_248, %select_n3A_241 : vector<16xi1>, vector<16xf32>
      %broadcast_in_dim3A_251 = arith.constant 24 : i32
      %broadcast_in_dim3A_252 = vector.broadcast %broadcast_in_dim3A_251 : i32 to vector<16xi32>
      %select_n3A_253 = arith.select %gt3A_249, %broadcast_in_dim3A_252, %select_n3A_244 : vector<16xi1>, vector<16xi32>
      %get3A_254 = arith.constant 25 : i32
      %get3A_255 = arith.index_cast %get3A_254 : i32 to index
      %get3A_256 = arith.index_cast %mul3A_34 : i32 to index
      %get3A_257 = tpu.vector_load %arg6[%get3A_255, %get3A_256] {strides = array<i32>} : memref<32x256xf32, #tpu.memory_space<vmem>>, vector<16xf32>,
      %gt3A_258 = arith.cmpf ogt, %get3A_257, %select_n3A_250 : vector<16xf32>
      %select_n3A_259 = arith.select %gt3A_258, %get3A_257, %select_n3A_250 : vector<16xi1>, vector<16xf32>
      %broadcast_in_dim3A_260 = arith.constant 25 : i32
      %broadcast_in_dim3A_261 = vector.broadcast %broadcast_in_dim3A_260 : i32 to vector<16xi32>
      %select_n3A_262 = arith.select %gt3A_258, %broadcast_in_dim3A_261, %select_n3A_253 : vector<16xi1>, vector<16xi32>
      %get3A_263 = arith.constant 26 : i32
      %get3A_264 = arith.index_cast %get3A_263 : i32 to index
      %get3A_265 = arith.index_cast %mul3A_34 : i32 to index
      %get3A_266 = tpu.vector_load %arg6[%get3A_264, %get3A_265] {strides = array<i32>} : memref<32x256xf32, #tpu.memory_space<vmem>>, vector<16xf32>,
      %gt3A_267 = arith.cmpf ogt, %get3A_266, %select_n3A_259 : vector<16xf32>
      %select_n3A_268 = arith.select %gt3A_267, %get3A_266, %select_n3A_259 : vector<16xi1>, vector<16xf32>
      %broadcast_in_dim3A_269 = arith.constant 26 : i32
      %broadcast_in_dim3A_270 = vector.broadcast %broadcast_in_dim3A_269 : i32 to vector<16xi32>
      %select_n3A_271 = arith.select %gt3A_267, %broadcast_in_dim3A_270, %select_n3A_262 : vector<16xi1>, vector<16xi32>
      %get3A_272 = arith.constant 27 : i32
      %get3A_273 = arith.index_cast %get3A_272 : i32 to index
      %get3A_274 = arith.index_cast %mul3A_34 : i32 to index
      %get3A_275 = tpu.vector_load %arg6[%get3A_273, %get3A_274] {strides = array<i32>} : memref<32x256xf32, #tpu.memory_space<vmem>>, vector<16xf32>,
      %gt3A_276 = arith.cmpf ogt, %get3A_275, %select_n3A_268 : vector<16xf32>
      %select_n3A_277 = arith.select %gt3A_276, %get3A_275, %select_n3A_268 : vector<16xi1>, vector<16xf32>
      %broadcast_in_dim3A_278 = arith.constant 27 : i32
      %broadcast_in_dim3A_279 = vector.broadcast %broadcast_in_dim3A_278 : i32 to vector<16xi32>
      %select_n3A_280 = arith.select %gt3A_276, %broadcast_in_dim3A_279, %select_n3A_271 : vector<16xi1>, vector<16xi32>
      %get3A_281 = arith.constant 28 : i32
      %get3A_282 = arith.index_cast %get3A_281 : i32 to index
      %get3A_283 = arith.index_cast %mul3A_34 : i32 to index
      %get3A_284 = tpu.vector_load %arg6[%get3A_282, %get3A_283] {strides = array<i32>} : memref<32x256xf32, #tpu.memory_space<vmem>>, vector<16xf32>,
      %gt3A_285 = arith.cmpf ogt, %get3A_284, %select_n3A_277 : vector<16xf32>
      %select_n3A_286 = arith.select %gt3A_285, %get3A_284, %select_n3A_277 : vector<16xi1>, vector<16xf32>
      %broadcast_in_dim3A_287 = arith.constant 28 : i32
      %broadcast_in_dim3A_288 = vector.broadcast %broadcast_in_dim3A_287 : i32 to vector<16xi32>
      %select_n3A_289 = arith.select %gt3A_285, %broadcast_in_dim3A_288, %select_n3A_280 : vector<16xi1>, vector<16xi32>
      %get3A_290 = arith.constant 29 : i32
      %get3A_291 = arith.index_cast %get3A_290 : i32 to index
      %get3A_292 = arith.index_cast %mul3A_34 : i32 to index
      %get3A_293 = tpu.vector_load %arg6[%get3A_291, %get3A_292] {strides = array<i32>} : memref<32x256xf32, #tpu.memory_space<vmem>>, vector<16xf32>,
      %gt3A_294 = arith.cmpf ogt, %get3A_293, %select_n3A_286 : vector<16xf32>
      %select_n3A_295 = arith.select %gt3A_294, %get3A_293, %select_n3A_286 : vector<16xi1>, vector<16xf32>
      %broadcast_in_dim3A_296 = arith.constant 29 : i32
      %broadcast_in_dim3A_297 = vector.broadcast %broadcast_in_dim3A_296 : i32 to vector<16xi32>
      %select_n3A_298 = arith.select %gt3A_294, %broadcast_in_dim3A_297, %select_n3A_289 : vector<16xi1>, vector<16xi32>
      %get3A_299 = arith.constant 30 : i32
      %get3A_300 = arith.index_cast %get3A_299 : i32 to index
      %get3A_301 = arith.index_cast %mul3A_34 : i32 to index
      %get3A_302 = tpu.vector_load %arg6[%get3A_300, %get3A_301] {strides = array<i32>} : memref<32x256xf32, #tpu.memory_space<vmem>>, vector<16xf32>,
      %gt3A_303 = arith.cmpf ogt, %get3A_302, %select_n3A_295 : vector<16xf32>
      %select_n3A_304 = arith.select %gt3A_303, %get3A_302, %select_n3A_295 : vector<16xi1>, vector<16xf32>
      %broadcast_in_dim3A_305 = arith.constant 30 : i32
      %broadcast_in_dim3A_306 = vector.broadcast %broadcast_in_dim3A_305 : i32 to vector<16xi32>
      %select_n3A_307 = arith.select %gt3A_303, %broadcast_in_dim3A_306, %select_n3A_298 : vector<16xi1>, vector<16xi32>
      %get3A_308 = arith.constant 31 : i32
      %get3A_309 = arith.index_cast %get3A_308 : i32 to index
      %get3A_310 = arith.index_cast %mul3A_34 : i32 to index
      %get3A_311 = tpu.vector_load %arg6[%get3A_309, %get3A_310] {strides = array<i32>} : memref<32x256xf32, #tpu.memory_space<vmem>>, vector<16xf32>,
      %gt3A_312 = arith.cmpf ogt, %get3A_311, %select_n3A_304 : vector<16xf32>
      %select_n3A_313 = arith.select %gt3A_312, %get3A_311, %select_n3A_304 : vector<16xi1>, vector<16xf32>
      %broadcast_in_dim3A_314 = arith.constant 31 : i32
      %broadcast_in_dim3A_315 = vector.broadcast %broadcast_in_dim3A_314 : i32 to vector<16xi32>
      %select_n3A_316 = arith.select %gt3A_312, %broadcast_in_dim3A_315, %select_n3A_307 : vector<16xi1>, vector<16xi32>
      %swap3A_317 = arith.index_cast %mul3A_34 : i32 to index
      %swap3A_318 = tpu.vector_load %arg9[%swap3A_317] {strides = array<i32>} : memref<256xi32, #tpu.memory_space<vmem>>, vector<16xi32>,
      tpu.vector_store %arg9[%swap3A_317], %select_n3A_316 {strides = array<i32>} : memref<256xi32, #tpu.memory_space<vmem>>, vector<16xi32>,
      tpu.vector_store_idx %arg8[%select_n3A_316], %broadcast_in_dim3A_8 {add = true} : memref<32xf32, #tpu.memory_space<vmem>>[vector<16xi32>], vector<16xf32>,
    }
    %scan3A_22 = arith.constant 16 : i32
    %dma_wait3A = arith.constant 0 : i32
    %dma_wait3A_23 = tpu.memref_slice %arg3[%mul3A_2, %dma_wait3A] : memref<8192x256xf32, #tpu.memory_space<hbm>> -> memref<256x256xf32, #tpu.memory_space<hbm>>
    %dma_wait3A_24 = arith.constant 0 : i32
    %dma_wait3A_25 = tpu.memref_slice %arg3[%mul3A_2, %dma_wait3A_24] : memref<8192x256xf32, #tpu.memory_space<hbm>> -> memref<256x256xf32, #tpu.memory_space<hbm>>
    tpu.wait_dma2 semaphore(%arg10 : memref<!tpu.dma_semaphore, #tpu.memory_space<semaphore_mem>>) src(%dma_wait3A_25 : memref<256x256xf32, #tpu.memory_space<hbm>>) dst(%arg7 : memref<256x256xf32, #tpu.memory_space<vmem>>)
    %scan3A_26 = arith.constant 0 : i32
    %scan3A_27 = arith.constant 0 : i32
    %scan3A_28 = arith.constant 16 : i32
    %scan3A_29 = arith.addi %scan3A_27, %scan3A_28 : i32
    %scan3A_30 = arith.constant 1 : i32
    scf.for %scan3A_32 = %scan3A_27 to %scan3A_29 step %scan3A_30  : i32 {
      %mul3A_33 = arith.constant 16 : i32
      %mul3A_34 = arith.muli %scan3A_32, %mul3A_33 : i32
      %get3A = arith.index_cast %mul3A_34 : i32 to index
      %get3A_35 = tpu.vector_load %arg9[%get3A] {strides = array<i32>} : memref<256xi32, #tpu.memory_space<vmem>>, vector<16xi32>,
      %mul3A_36 = arith.constant 16 : i32
      %mul3A_37 = arith.muli %scan3A_32, %mul3A_36 : i32
      %slice3A = vector.extract_strided_slice %get3A_35 {offsets = [0], sizes = [1], strides = [1]} : vector<16xi32> to vector<1xi32>
      %squeeze3A = vector.extract %slice3A[0] : i32 from vector<1xi32>
      %get3A_38 = arith.index_cast %mul3A_37 : i32 to index
      %get3A_39 = arith.constant 0 : index
      %get3A_40 = tpu.vector_load %arg7[%get3A_38, %get3A_39] {strides = array<i32>} : memref<256x256xf32, #tpu.memory_space<vmem>>, vector<16xf32>,
      %get3A_41 = arith.index_cast %mul3A_37 : i32 to index
      %get3A_42 = arith.constant 16 : index
      %get3A_43 = tpu.vector_load %arg7[%get3A_41, %get3A_42] {strides = array<i32>} : memref<256x256xf32, #tpu.memory_space<vmem>>, vector<16xf32>,
      %get3A_44 = arith.index_cast %mul3A_37 : i32 to index
      %get3A_45 = arith.constant 32 : index
      %get3A_46 = tpu.vector_load %arg7[%get3A_44, %get3A_45] {strides = array<i32>} : memref<256x256xf32, #tpu.memory_space<vmem>>, vector<16xf32>,
      %get3A_47 = arith.index_cast %mul3A_37 : i32 to index
      %get3A_48 = arith.constant 48 : index
      %get3A_49 = tpu.vector_load %arg7[%get3A_47, %get3A_48] {strides = array<i32>} : memref<256x256xf32, #tpu.memory_space<vmem>>, vector<16xf32>,
      %get3A_50 = arith.index_cast %mul3A_37 : i32 to index
      %get3A_51 = arith.constant 64 : index
      %get3A_52 = tpu.vector_load %arg7[%get3A_50, %get3A_51] {strides = array<i32>} : memref<256x256xf32, #tpu.memory_space<vmem>>, vector<16xf32>,
      %get3A_53 = arith.index_cast %mul3A_37 : i32 to index
      %get3A_54 = arith.constant 80 : index
      %get3A_55 = tpu.vector_load %arg7[%get3A_53, %get3A_54] {strides = array<i32>} : memref<256x256xf32, #tpu.memory_space<vmem>>, vector<16xf32>,
      %get3A_56 = arith.index_cast %mul3A_37 : i32 to index
      %get3A_57 = arith.constant 96 : index
      %get3A_58 = tpu.vector_load %arg7[%get3A_56, %get3A_57] {strides = array<i32>} : memref<256x256xf32, #tpu.memory_space<vmem>>, vector<16xf32>,
      %get3A_59 = arith.index_cast %mul3A_37 : i32 to index
      %get3A_60 = arith.constant 112 : index
      %get3A_61 = tpu.vector_load %arg7[%get3A_59, %get3A_60] {strides = array<i32>} : memref<256x256xf32, #tpu.memory_space<vmem>>, vector<16xf32>,
      %get3A_62 = arith.index_cast %mul3A_37 : i32 to index
      %get3A_63 = arith.constant 128 : index
      %get3A_64 = tpu.vector_load %arg7[%get3A_62, %get3A_63] {strides = array<i32>} : memref<256x256xf32, #tpu.memory_space<vmem>>, vector<16xf32>,
      %get3A_65 = arith.index_cast %mul3A_37 : i32 to index
      %get3A_66 = arith.constant 144 : index
      %get3A_67 = tpu.vector_load %arg7[%get3A_65, %get3A_66] {strides = array<i32>} : memref<256x256xf32, #tpu.memory_space<vmem>>, vector<16xf32>,
      %get3A_68 = arith.index_cast %mul3A_37 : i32 to index
      %get3A_69 = arith.constant 160 : index
      %get3A_70 = tpu.vector_load %arg7[%get3A_68, %get3A_69] {strides = array<i32>} : memref<256x256xf32, #tpu.memory_space<vmem>>, vector<16xf32>,
      %get3A_71 = arith.index_cast %mul3A_37 : i32 to index
      %get3A_72 = arith.constant 176 : index
      %get3A_73 = tpu.vector_load %arg7[%get3A_71, %get3A_72] {strides = array<i32>} : memref<256x256xf32, #tpu.memory_space<vmem>>, vector<16xf32>,
      %get3A_74 = arith.index_cast %mul3A_37 : i32 to index
      %get3A_75 = arith.constant 192 : index
      %get3A_76 = tpu.vector_load %arg7[%get3A_74, %get3A_75] {strides = array<i32>} : memref<256x256xf32, #tpu.memory_space<vmem>>, vector<16xf32>,
      %get3A_77 = arith.index_cast %mul3A_37 : i32 to index
      %get3A_78 = arith.constant 208 : index
      %get3A_79 = tpu.vector_load %arg7[%get3A_77, %get3A_78] {strides = array<i32>} : memref<256x256xf32, #tpu.memory_space<vmem>>, vector<16xf32>,
      %get3A_80 = arith.index_cast %mul3A_37 : i32 to index
      %get3A_81 = arith.constant 224 : index
      %get3A_82 = tpu.vector_load %arg7[%get3A_80, %get3A_81] {strides = array<i32>} : memref<256x256xf32, #tpu.memory_space<vmem>>, vector<16xf32>,
      %get3A_83 = arith.index_cast %mul3A_37 : i32 to index
      %get3A_84 = arith.constant 240 : index
      %get3A_85 = tpu.vector_load %arg7[%get3A_83, %get3A_84] {strides = array<i32>} : memref<256x256xf32, #tpu.memory_space<vmem>>, vector<16xf32>,
      %slice3A_86 = vector.extract_strided_slice %get3A_35 {offsets = [1], sizes = [1], strides = [1]} : vector<16xi32> to vector<1xi32>
      %squeeze3A_87 = vector.extract %slice3A_86[0] : i32 from vector<1xi32>
      %add3A_88 = arith.constant 1 : i32
      %add3A_89 = arith.addi %mul3A_37, %add3A_88 : i32
      %get3A_90 = arith.index_cast %add3A_89 : i32 to index
      %get3A_91 = arith.constant 0 : index
      %get3A_92 = tpu.vector_load %arg7[%get3A_90, %get3A_91] {strides = array<i32>} : memref<256x256xf32, #tpu.memory_space<vmem>>, vector<16xf32>,
      %swap3A_93 = arith.index_cast %squeeze3A : i32 to index
      %swap3A_94 = arith.constant 0 : index
      %swap3A_95 = tpu.vector_load %arg11[%swap3A_93, %swap3A_94] {strides = array<i32>} : memref<32x128xf32, #tpu.memory_space<vmem>>, vector<16xf32>,
      tpu.vector_store %arg11[%swap3A_93, %swap3A_94], %get3A_40 {add = true, strides = array<i32>} : memref<32x128xf32, #tpu.memory_space<vmem>>, vector<16xf32>,
      %add3A_96 = arith.constant 1 : i32
      %add3A_97 = arith.addi %mul3A_37, %add3A_96 : i32
      %get3A_98 = arith.index_cast %add3A_97 : i32 to index
      %get3A_99 = arith.constant 16 : index
      %get3A_100 = tpu.vector_load %arg7[%get3A_98, %get3A_99] {strides = array<i32>} : memref<256x256xf32, #tpu.memory_space<vmem>>, vector<16xf32>,
      %swap3A_101 = arith.index_cast %squeeze3A : i32 to index
      %swap3A_102 = arith.constant 0 : index
      %swap3A_103 = tpu.vector_load %arg12[%swap3A_101, %swap3A_102] {strides = array<i32>} : memref<32x128xf32, #tpu.memory_space<vmem>>, vector<16xf32>,
      tpu.vector_store %arg12[%swap3A_101, %swap3A_102], %get3A_64 {add = true, strides = array<i32>} : memref<32x128xf32, #tpu.memory_space<vmem>>, vector<16xf32>,
      %add3A_104 = arith.constant 1 : i32
      %add3A_105 = arith.addi %mul3A_37, %add3A_104 : i32
      %get3A_106 = arith.index_cast %add3A_105 : i32 to index
      %get3A_107 = arith.constant 32 : index
      %get3A_108 = tpu.vector_load %arg7[%get3A_106, %get3A_107] {strides = array<i32>} : memref<256x256xf32, #tpu.memory_space<vmem>>, vector<16xf32>,
      %swap3A_109 = arith.index_cast %squeeze3A : i32 to index
      %swap3A_110 = arith.constant 16 : index
      %swap3A_111 = tpu.vector_load %arg11[%swap3A_109, %swap3A_110] {strides = array<i32>} : memref<32x128xf32, #tpu.memory_space<vmem>>, vector<16xf32>,
      tpu.vector_store %arg11[%swap3A_109, %swap3A_110], %get3A_43 {add = true, strides = array<i32>} : memref<32x128xf32, #tpu.memory_space<vmem>>, vector<16xf32>,
      %add3A_112 = arith.constant 1 : i32
      %add3A_113 = arith.addi %mul3A_37, %add3A_112 : i32
      %get3A_114 = arith.index_cast %add3A_113 : i32 to index
      %get3A_115 = arith.constant 48 : index
      %get3A_116 = tpu.vector_load %arg7[%get3A_114, %get3A_115] {strides = array<i32>} : memref<256x256xf32, #tpu.memory_space<vmem>>, vector<16xf32>,
      %swap3A_117 = arith.index_cast %squeeze3A : i32 to index
      %swap3A_118 = arith.constant 16 : index
      %swap3A_119 = tpu.vector_load %arg12[%swap3A_117, %swap3A_118] {strides = array<i32>} : memref<32x128xf32, #tpu.memory_space<vmem>>, vector<16xf32>,
      tpu.vector_store %arg12[%swap3A_117, %swap3A_118], %get3A_67 {add = true, strides = array<i32>} : memref<32x128xf32, #tpu.memory_space<vmem>>, vector<16xf32>,
      %add3A_120 = arith.constant 1 : i32
      %add3A_121 = arith.addi %mul3A_37, %add3A_120 : i32
      %get3A_122 = arith.index_cast %add3A_121 : i32 to index
      %get3A_123 = arith.constant 64 : index
      %get3A_124 = tpu.vector_load %arg7[%get3A_122, %get3A_123] {strides = array<i32>} : memref<256x256xf32, #tpu.memory_space<vmem>>, vector<16xf32>,
      %swap3A_125 = arith.index_cast %squeeze3A : i32 to index
      %swap3A_126 = arith.constant 32 : index
      %swap3A_127 = tpu.vector_load %arg11[%swap3A_125, %swap3A_126] {strides = array<i32>} : memref<32x128xf32, #tpu.memory_space<vmem>>, vector<16xf32>,
      tpu.vector_store %arg11[%swap3A_125, %swap3A_126], %get3A_46 {add = true, strides = array<i32>} : memref<32x128xf32, #tpu.memory_space<vmem>>, vector<16xf32>,
      %add3A_128 = arith.constant 1 : i32
      %add3A_129 = arith.addi %mul3A_37, %add3A_128 : i32
      %get3A_130 = arith.index_cast %add3A_129 : i32 to index
      %get3A_131 = arith.constant 80 : index
      %get3A_132 = tpu.vector_load %arg7[%get3A_130, %get3A_131] {strides = array<i32>} : memref<256x256xf32, #tpu.memory_space<vmem>>, vector<16xf32>,
      %swap3A_133 = arith.index_cast %squeeze3A : i32 to index
      %swap3A_134 = arith.constant 32 : index
      %swap3A_135 = tpu.vector_load %arg12[%swap3A_133, %swap3A_134] {strides = array<i32>} : memref<32x128xf32, #tpu.memory_space<vmem>>, vector<16xf32>,
      tpu.vector_store %arg12[%swap3A_133, %swap3A_134], %get3A_70 {add = true, strides = array<i32>} : memref<32x128xf32, #tpu.memory_space<vmem>>, vector<16xf32>,
      %add3A_136 = arith.constant 1 : i32
      %add3A_137 = arith.addi %mul3A_37, %add3A_136 : i32
      %get3A_138 = arith.index_cast %add3A_137 : i32 to index
      %get3A_139 = arith.constant 96 : index
      %get3A_140 = tpu.vector_load %arg7[%get3A_138, %get3A_139] {strides = array<i32>} : memref<256x256xf32, #tpu.memory_space<vmem>>, vector<16xf32>,
      %swap3A_141 = arith.index_cast %squeeze3A : i32 to index
      %swap3A_142 = arith.constant 48 : index
      %swap3A_143 = tpu.vector_load %arg11[%swap3A_141, %swap3A_142] {strides = array<i32>} : memref<32x128xf32, #tpu.memory_space<vmem>>, vector<16xf32>,
      tpu.vector_store %arg11[%swap3A_141, %swap3A_142], %get3A_49 {add = true, strides = array<i32>} : memref<32x128xf32, #tpu.memory_space<vmem>>, vector<16xf32>,
      %add3A_144 = arith.constant 1 : i32
      %add3A_145 = arith.addi %mul3A_37, %add3A_144 : i32
      %get3A_146 = arith.index_cast %add3A_145 : i32 to index
      %get3A_147 = arith.constant 112 : index
      %get3A_148 = tpu.vector_load %arg7[%get3A_146, %get3A_147] {strides = array<i32>} : memref<256x256xf32, #tpu.memory_space<vmem>>, vector<16xf32>,
      %swap3A_149 = arith.index_cast %squeeze3A : i32 to index
      %swap3A_150 = arith.constant 48 : index
      %swap3A_151 = tpu.vector_load %arg12[%swap3A_149, %swap3A_150] {strides = array<i32>} : memref<32x128xf32, #tpu.memory_space<vmem>>, vector<16xf32>,
      tpu.vector_store %arg12[%swap3A_149, %swap3A_150], %get3A_73 {add = true, strides = array<i32>} : memref<32x128xf32, #tpu.memory_space<vmem>>, vector<16xf32>,
      %add3A_152 = arith.constant 1 : i32
      %add3A_153 = arith.addi %mul3A_37, %add3A_152 : i32
      %get3A_154 = arith.index_cast %add3A_153 : i32 to index
      %get3A_155 = arith.constant 128 : index
      %get3A_156 = tpu.vector_load %arg7[%get3A_154, %get3A_155] {strides = array<i32>} : memref<256x256xf32, #tpu.memory_space<vmem>>, vector<16xf32>,
      %swap3A_157 = arith.index_cast %squeeze3A : i32 to index
      %swap3A_158 = arith.constant 64 : index
      %swap3A_159 = tpu.vector_load %arg11[%swap3A_157, %swap3A_158] {strides = array<i32>} : memref<32x128xf32, #tpu.memory_space<vmem>>, vector<16xf32>,
      tpu.vector_store %arg11[%swap3A_157, %swap3A_158], %get3A_52 {add = true, strides = array<i32>} : memref<32x128xf32, #tpu.memory_space<vmem>>, vector<16xf32>,
      %add3A_160 = arith.constant 1 : i32
      %add3A_161 = arith.addi %mul3A_37, %add3A_160 : i32
      %get3A_162 = arith.index_cast %add3A_161 : i32 to index
      %get3A_163 = arith.constant 144 : index
      %get3A_164 = tpu.vector_load %arg7[%get3A_162, %get3A_163] {strides = array<i32>} : memref<256x256xf32, #tpu.memory_space<vmem>>, vector<16xf32>,
      %swap3A_165 = arith.index_cast %squeeze3A : i32 to index
      %swap3A_166 = arith.constant 64 : index
      %swap3A_167 = tpu.vector_load %arg12[%swap3A_165, %swap3A_166] {strides = array<i32>} : memref<32x128xf32, #tpu.memory_space<vmem>>, vector<16xf32>,
      tpu.vector_store %arg12[%swap3A_165, %swap3A_166], %get3A_76 {add = true, strides = array<i32>} : memref<32x128xf32, #tpu.memory_space<vmem>>, vector<16xf32>,
      %add3A_168 = arith.constant 1 : i32
      %add3A_169 = arith.addi %mul3A_37, %add3A_168 : i32
      %get3A_170 = arith.index_cast %add3A_169 : i32 to index
      %get3A_171 = arith.constant 160 : index
      %get3A_172 = tpu.vector_load %arg7[%get3A_170, %get3A_171] {strides = array<i32>} : memref<256x256xf32, #tpu.memory_space<vmem>>, vector<16xf32>,
      %swap3A_173 = arith.index_cast %squeeze3A : i32 to index
      %swap3A_174 = arith.constant 80 : index
      %swap3A_175 = tpu.vector_load %arg11[%swap3A_173, %swap3A_174] {strides = array<i32>} : memref<32x128xf32, #tpu.memory_space<vmem>>, vector<16xf32>,
      tpu.vector_store %arg11[%swap3A_173, %swap3A_174], %get3A_55 {add = true, strides = array<i32>} : memref<32x128xf32, #tpu.memory_space<vmem>>, vector<16xf32>,
      %add3A_176 = arith.constant 1 : i32
      %add3A_177 = arith.addi %mul3A_37, %add3A_176 : i32
      %get3A_178 = arith.index_cast %add3A_177 : i32 to index
      %get3A_179 = arith.constant 176 : index
      %get3A_180 = tpu.vector_load %arg7[%get3A_178, %get3A_179] {strides = array<i32>} : memref<256x256xf32, #tpu.memory_space<vmem>>, vector<16xf32>,
      %swap3A_181 = arith.index_cast %squeeze3A : i32 to index
      %swap3A_182 = arith.constant 80 : index
      %swap3A_183 = tpu.vector_load %arg12[%swap3A_181, %swap3A_182] {strides = array<i32>} : memref<32x128xf32, #tpu.memory_space<vmem>>, vector<16xf32>,
      tpu.vector_store %arg12[%swap3A_181, %swap3A_182], %get3A_79 {add = true, strides = array<i32>} : memref<32x128xf32, #tpu.memory_space<vmem>>, vector<16xf32>,
      %add3A_184 = arith.constant 1 : i32
      %add3A_185 = arith.addi %mul3A_37, %add3A_184 : i32
      %get3A_186 = arith.index_cast %add3A_185 : i32 to index
      %get3A_187 = arith.constant 192 : index
      %get3A_188 = tpu.vector_load %arg7[%get3A_186, %get3A_187] {strides = array<i32>} : memref<256x256xf32, #tpu.memory_space<vmem>>, vector<16xf32>,
      %swap3A_189 = arith.index_cast %squeeze3A : i32 to index
      %swap3A_190 = arith.constant 96 : index
      %swap3A_191 = tpu.vector_load %arg11[%swap3A_189, %swap3A_190] {strides = array<i32>} : memref<32x128xf32, #tpu.memory_space<vmem>>, vector<16xf32>,
      tpu.vector_store %arg11[%swap3A_189, %swap3A_190], %get3A_58 {add = true, strides = array<i32>} : memref<32x128xf32, #tpu.memory_space<vmem>>, vector<16xf32>,
      %add3A_192 = arith.constant 1 : i32
      %add3A_193 = arith.addi %mul3A_37, %add3A_192 : i32
      %get3A_194 = arith.index_cast %add3A_193 : i32 to index
      %get3A_195 = arith.constant 208 : index
      %get3A_196 = tpu.vector_load %arg7[%get3A_194, %get3A_195] {strides = array<i32>} : memref<256x256xf32, #tpu.memory_space<vmem>>, vector<16xf32>,
      %swap3A_197 = arith.index_cast %squeeze3A : i32 to index
      %swap3A_198 = arith.constant 96 : index
      %swap3A_199 = tpu.vector_load %arg12[%swap3A_197, %swap3A_198] {strides = array<i32>} : memref<32x128xf32, #tpu.memory_space<vmem>>, vector<16xf32>,
      tpu.vector_store %arg12[%swap3A_197, %swap3A_198], %get3A_82 {add = true, strides = array<i32>} : memref<32x128xf32, #tpu.memory_space<vmem>>, vector<16xf32>,
      %add3A_200 = arith.constant 1 : i32
      %add3A_201 = arith.addi %mul3A_37, %add3A_200 : i32
      %get3A_202 = arith.index_cast %add3A_201 : i32 to index
      %get3A_203 = arith.constant 224 : index
      %get3A_204 = tpu.vector_load %arg7[%get3A_202, %get3A_203] {strides = array<i32>} : memref<256x256xf32, #tpu.memory_space<vmem>>, vector<16xf32>,
      %swap3A_205 = arith.index_cast %squeeze3A : i32 to index
      %swap3A_206 = arith.constant 112 : index
      %swap3A_207 = tpu.vector_load %arg11[%swap3A_205, %swap3A_206] {strides = array<i32>} : memref<32x128xf32, #tpu.memory_space<vmem>>, vector<16xf32>,
      tpu.vector_store %arg11[%swap3A_205, %swap3A_206], %get3A_61 {add = true, strides = array<i32>} : memref<32x128xf32, #tpu.memory_space<vmem>>, vector<16xf32>,
      %add3A_208 = arith.constant 1 : i32
      %add3A_209 = arith.addi %mul3A_37, %add3A_208 : i32
      %get3A_210 = arith.index_cast %add3A_209 : i32 to index
      %get3A_211 = arith.constant 240 : index
      %get3A_212 = tpu.vector_load %arg7[%get3A_210, %get3A_211] {strides = array<i32>} : memref<256x256xf32, #tpu.memory_space<vmem>>, vector<16xf32>,
      %swap3A_213 = arith.index_cast %squeeze3A : i32 to index
      %swap3A_214 = arith.constant 112 : index
      %swap3A_215 = tpu.vector_load %arg12[%swap3A_213, %swap3A_214] {strides = array<i32>} : memref<32x128xf32, #tpu.memory_space<vmem>>, vector<16xf32>,
      tpu.vector_store %arg12[%swap3A_213, %swap3A_214], %get3A_85 {add = true, strides = array<i32>} : memref<32x128xf32, #tpu.memory_space<vmem>>, vector<16xf32>,
      %slice3A_216 = vector.extract_strided_slice %get3A_35 {offsets = [2], sizes = [1], strides = [1]} : vector<16xi32> to vector<1xi32>
      %squeeze3A_217 = vector.extract %slice3A_216[0] : i32 from vector<1xi32>
      %add3A_218 = arith.constant 2 : i32
      %add3A_219 = arith.addi %mul3A_37, %add3A_218 : i32
      %get3A_220 = arith.index_cast %add3A_219 : i32 to index
      %get3A_221 = arith.constant 0 : index
      %get3A_222 = tpu.vector_load %arg7[%get3A_220, %get3A_221] {strides = array<i32>} : memref<256x256xf32, #tpu.memory_space<vmem>>, vector<16xf32>,
      %swap3A_223 = arith.index_cast %squeeze3A_87 : i32 to index
      %swap3A_224 = arith.constant 0 : index
      %swap3A_225 = tpu.vector_load %arg11[%swap3A_223, %swap3A_224] {strides = array<i32>} : memref<32x128xf32, #tpu.memory_space<vmem>>, vector<16xf32>,
      tpu.vector_store %arg11[%swap3A_223, %swap3A_224], %get3A_92 {add = true, strides = array<i32>} : memref<32x128xf32, #tpu.memory_space<vmem>>, vector<16xf32>,
      %add3A_226 = arith.constant 2 : i32
      %add3A_227 = arith.addi %mul3A_37, %add3A_226 : i32
      %get3A_228 = arith.index_cast %add3A_227 : i32 to index
      %get3A_229 = arith.constant 16 : index
      %get3A_230 = tpu.vector_load %arg7[%get3A_228, %get3A_229] {strides = array<i32>} : memref<256x256xf32, #tpu.memory_space<vmem>>, vector<16xf32>,
      %swap3A_231 = arith.index_cast %squeeze3A_87 : i32 to index
      %swap3A_232 = arith.constant 0 : index
      %swap3A_233 = tpu.vector_load %arg12[%swap3A_231, %swap3A_232] {strides = array<i32>} : memref<32x128xf32, #tpu.memory_space<vmem>>, vector<16xf32>,
      tpu.vector_store %arg12[%swap3A_231, %swap3A_232], %get3A_156 {add = true, strides = array<i32>} : memref<32x128xf32, #tpu.memory_space<vmem>>, vector<16xf32>,
      %add3A_234 = arith.constant 2 : i32
      %add3A_235 = arith.addi %mul3A_37, %add3A_234 : i32
      %get3A_236 = arith.index_cast %add3A_235 : i32 to index
      %get3A_237 = arith.constant 32 : index
      %get3A_238 = tpu.vector_load %arg7[%get3A_236, %get3A_237] {strides = array<i32>} : memref<256x256xf32, #tpu.memory_space<vmem>>, vector<16xf32>,
      %swap3A_239 = arith.index_cast %squeeze3A_87 : i32 to index
      %swap3A_240 = arith.constant 16 : index
      %swap3A_241 = tpu.vector_load %arg11[%swap3A_239, %swap3A_240] {strides = array<i32>} : memref<32x128xf32, #tpu.memory_space<vmem>>, vector<16xf32>,
      tpu.vector_store %arg11[%swap3A_239, %swap3A_240], %get3A_100 {add = true, strides = array<i32>} : memref<32x128xf32, #tpu.memory_space<vmem>>, vector<16xf32>,
      %add3A_242 = arith.constant 2 : i32
      %add3A_243 = arith.addi %mul3A_37, %add3A_242 : i32
      %get3A_244 = arith.index_cast %add3A_243 : i32 to index
      %get3A_245 = arith.constant 48 : index
      %get3A_246 = tpu.vector_load %arg7[%get3A_244, %get3A_245] {strides = array<i32>} : memref<256x256xf32, #tpu.memory_space<vmem>>, vector<16xf32>,
      %swap3A_247 = arith.index_cast %squeeze3A_87 : i32 to index
      %swap3A_248 = arith.constant 16 : index
      %swap3A_249 = tpu.vector_load %arg12[%swap3A_247, %swap3A_248] {strides = array<i32>} : memref<32x128xf32, #tpu.memory_space<vmem>>, vector<16xf32>,
      tpu.vector_store %arg12[%swap3A_247, %swap3A_248], %get3A_164 {add = true, strides = array<i32>} : memref<32x128xf32, #tpu.memory_space<vmem>>, vector<16xf32>,
      %add3A_250 = arith.constant 2 : i32
      %add3A_251 = arith.addi %mul3A_37, %add3A_250 : i32
      %get3A_252 = arith.index_cast %add3A_251 : i32 to index
      %get3A_253 = arith.constant 64 : index
      %get3A_254 = tpu.vector_load %arg7[%get3A_252, %get3A_253] {strides = array<i32>} : memref<256x256xf32, #tpu.memory_space<vmem>>, vector<16xf32>,
      %swap3A_255 = arith.index_cast %squeeze3A_87 : i32 to index
      %swap3A_256 = arith.constant 32 : index
      %swap3A_257 = tpu.vector_load %arg11[%swap3A_255, %swap3A_256] {strides = array<i32>} : memref<32x128xf32, #tpu.memory_space<vmem>>, vector<16xf32>,
      tpu.vector_store %arg11[%swap3A_255, %swap3A_256], %get3A_108 {add = true, strides = array<i32>} : memref<32x128xf32, #tpu.memory_space<vmem>>, vector<16xf32>,
      %add3A_258 = arith.constant 2 : i32
      %add3A_259 = arith.addi %mul3A_37, %add3A_258 : i32
      %get3A_260 = arith.index_cast %add3A_259 : i32 to index
      %get3A_261 = arith.constant 80 : index
      %get3A_262 = tpu.vector_load %arg7[%get3A_260, %get3A_261] {strides = array<i32>} : memref<256x256xf32, #tpu.memory_space<vmem>>, vector<16xf32>,
      %swap3A_263 = arith.index_cast %squeeze3A_87 : i32 to index
      %swap3A_264 = arith.constant 32 : index
      %swap3A_265 = tpu.vector_load %arg12[%swap3A_263, %swap3A_264] {strides = array<i32>} : memref<32x128xf32, #tpu.memory_space<vmem>>, vector<16xf32>,
      tpu.vector_store %arg12[%swap3A_263, %swap3A_264], %get3A_172 {add = true, strides = array<i32>} : memref<32x128xf32, #tpu.memory_space<vmem>>, vector<16xf32>,
      %add3A_266 = arith.constant 2 : i32
      %add3A_267 = arith.addi %mul3A_37, %add3A_266 : i32
      %get3A_268 = arith.index_cast %add3A_267 : i32 to index
      %get3A_269 = arith.constant 96 : index
      %get3A_270 = tpu.vector_load %arg7[%get3A_268, %get3A_269] {strides = array<i32>} : memref<256x256xf32, #tpu.memory_space<vmem>>, vector<16xf32>,
      %swap3A_271 = arith.index_cast %squeeze3A_87 : i32 to index
      %swap3A_272 = arith.constant 48 : index
      %swap3A_273 = tpu.vector_load %arg11[%swap3A_271, %swap3A_272] {strides = array<i32>} : memref<32x128xf32, #tpu.memory_space<vmem>>, vector<16xf32>,
      tpu.vector_store %arg11[%swap3A_271, %swap3A_272], %get3A_116 {add = true, strides = array<i32>} : memref<32x128xf32, #tpu.memory_space<vmem>>, vector<16xf32>,
      %add3A_274 = arith.constant 2 : i32
      %add3A_275 = arith.addi %mul3A_37, %add3A_274 : i32
      %get3A_276 = arith.index_cast %add3A_275 : i32 to index
      %get3A_277 = arith.constant 112 : index
      %get3A_278 = tpu.vector_load %arg7[%get3A_276, %get3A_277] {strides = array<i32>} : memref<256x256xf32, #tpu.memory_space<vmem>>, vector<16xf32>,
      %swap3A_279 = arith.index_cast %squeeze3A_87 : i32 to index
      %swap3A_280 = arith.constant 48 : index
      %swap3A_281 = tpu.vector_load %arg12[%swap3A_279, %swap3A_280] {strides = array<i32>} : memref<32x128xf32, #tpu.memory_space<vmem>>, vector<16xf32>,
      tpu.vector_store %arg12[%swap3A_279, %swap3A_280], %get3A_180 {add = true, strides = array<i32>} : memref<32x128xf32, #tpu.memory_space<vmem>>, vector<16xf32>,
      %add3A_282 = arith.constant 2 : i32
      %add3A_283 = arith.addi %mul3A_37, %add3A_282 : i32
      %get3A_284 = arith.index_cast %add3A_283 : i32 to index
      %get3A_285 = arith.constant 128 : index
      %get3A_286 = tpu.vector_load %arg7[%get3A_284, %get3A_285] {strides = array<i32>} : memref<256x256xf32, #tpu.memory_space<vmem>>, vector<16xf32>,
      %swap3A_287 = arith.index_cast %squeeze3A_87 : i32 to index
      %swap3A_288 = arith.constant 64 : index
      %swap3A_289 = tpu.vector_load %arg11[%swap3A_287, %swap3A_288] {strides = array<i32>} : memref<32x128xf32, #tpu.memory_space<vmem>>, vector<16xf32>,
      tpu.vector_store %arg11[%swap3A_287, %swap3A_288], %get3A_124 {add = true, strides = array<i32>} : memref<32x128xf32, #tpu.memory_space<vmem>>, vector<16xf32>,
      %add3A_290 = arith.constant 2 : i32
      %add3A_291 = arith.addi %mul3A_37, %add3A_290 : i32
      %get3A_292 = arith.index_cast %add3A_291 : i32 to index
      %get3A_293 = arith.constant 144 : index
      %get3A_294 = tpu.vector_load %arg7[%get3A_292, %get3A_293] {strides = array<i32>} : memref<256x256xf32, #tpu.memory_space<vmem>>, vector<16xf32>,
      %swap3A_295 = arith.index_cast %squeeze3A_87 : i32 to index
      %swap3A_296 = arith.constant 64 : index
      %swap3A_297 = tpu.vector_load %arg12[%swap3A_295, %swap3A_296] {strides = array<i32>} : memref<32x128xf32, #tpu.memory_space<vmem>>, vector<16xf32>,
      tpu.vector_store %arg12[%swap3A_295, %swap3A_296], %get3A_188 {add = true, strides = array<i32>} : memref<32x128xf32, #tpu.memory_space<vmem>>, vector<16xf32>,
      %add3A_298 = arith.constant 2 : i32
      %add3A_299 = arith.addi %mul3A_37, %add3A_298 : i32
      %get3A_300 = arith.index_cast %add3A_299 : i32 to index
      %get3A_301 = arith.constant 160 : index
      %get3A_302 = tpu.vector_load %arg7[%get3A_300, %get3A_301] {strides = array<i32>} : memref<256x256xf32, #tpu.memory_space<vmem>>, vector<16xf32>,
      %swap3A_303 = arith.index_cast %squeeze3A_87 : i32 to index
      %swap3A_304 = arith.constant 80 : index
      %swap3A_305 = tpu.vector_load %arg11[%swap3A_303, %swap3A_304] {strides = array<i32>} : memref<32x128xf32, #tpu.memory_space<vmem>>, vector<16xf32>,
      tpu.vector_store %arg11[%swap3A_303, %swap3A_304], %get3A_132 {add = true, strides = array<i32>} : memref<32x128xf32, #tpu.memory_space<vmem>>, vector<16xf32>,
      %add3A_306 = arith.constant 2 : i32
      %add3A_307 = arith.addi %mul3A_37, %add3A_306 : i32
      %get3A_308 = arith.index_cast %add3A_307 : i32 to index
      %get3A_309 = arith.constant 176 : index
      %get3A_310 = tpu.vector_load %arg7[%get3A_308, %get3A_309] {strides = array<i32>} : memref<256x256xf32, #tpu.memory_space<vmem>>, vector<16xf32>,
      %swap3A_311 = arith.index_cast %squeeze3A_87 : i32 to index
      %swap3A_312 = arith.constant 80 : index
      %swap3A_313 = tpu.vector_load %arg12[%swap3A_311, %swap3A_312] {strides = array<i32>} : memref<32x128xf32, #tpu.memory_space<vmem>>, vector<16xf32>,
      tpu.vector_store %arg12[%swap3A_311, %swap3A_312], %get3A_196 {add = true, strides = array<i32>} : memref<32x128xf32, #tpu.memory_space<vmem>>, vector<16xf32>,
      %add3A_314 = arith.constant 2 : i32
      %add3A_315 = arith.addi %mul3A_37, %add3A_314 : i32
      %get3A_316 = arith.index_cast %add3A_315 : i32 to index
      %get3A_317 = arith.constant 192 : index
      %get3A_318 = tpu.vector_load %arg7[%get3A_316, %get3A_317] {strides = array<i32>} : memref<256x256xf32, #tpu.memory_space<vmem>>, vector<16xf32>,
      %swap3A_319 = arith.index_cast %squeeze3A_87 : i32 to index
      %swap3A_320 = arith.constant 96 : index
      %swap3A_321 = tpu.vector_load %arg11[%swap3A_319, %swap3A_320] {strides = array<i32>} : memref<32x128xf32, #tpu.memory_space<vmem>>, vector<16xf32>,
      tpu.vector_store %arg11[%swap3A_319, %swap3A_320], %get3A_140 {add = true, strides = array<i32>} : memref<32x128xf32, #tpu.memory_space<vmem>>, vector<16xf32>,
      %add3A_322 = arith.constant 2 : i32
      %add3A_323 = arith.addi %mul3A_37, %add3A_322 : i32
      %get3A_324 = arith.index_cast %add3A_323 : i32 to index
      %get3A_325 = arith.constant 208 : index
      %get3A_326 = tpu.vector_load %arg7[%get3A_324, %get3A_325] {strides = array<i32>} : memref<256x256xf32, #tpu.memory_space<vmem>>, vector<16xf32>,
      %swap3A_327 = arith.index_cast %squeeze3A_87 : i32 to index
      %swap3A_328 = arith.constant 96 : index
      %swap3A_329 = tpu.vector_load %arg12[%swap3A_327, %swap3A_328] {strides = array<i32>} : memref<32x128xf32, #tpu.memory_space<vmem>>, vector<16xf32>,
      tpu.vector_store %arg12[%swap3A_327, %swap3A_328], %get3A_204 {add = true, strides = array<i32>} : memref<32x128xf32, #tpu.memory_space<vmem>>, vector<16xf32>,
      %add3A_330 = arith.constant 2 : i32
      %add3A_331 = arith.addi %mul3A_37, %add3A_330 : i32
      %get3A_332 = arith.index_cast %add3A_331 : i32 to index
      %get3A_333 = arith.constant 224 : index
      %get3A_334 = tpu.vector_load %arg7[%get3A_332, %get3A_333] {strides = array<i32>} : memref<256x256xf32, #tpu.memory_space<vmem>>, vector<16xf32>,
      %swap3A_335 = arith.index_cast %squeeze3A_87 : i32 to index
      %swap3A_336 = arith.constant 112 : index
      %swap3A_337 = tpu.vector_load %arg11[%swap3A_335, %swap3A_336] {strides = array<i32>} : memref<32x128xf32, #tpu.memory_space<vmem>>, vector<16xf32>,
      tpu.vector_store %arg11[%swap3A_335, %swap3A_336], %get3A_148 {add = true, strides = array<i32>} : memref<32x128xf32, #tpu.memory_space<vmem>>, vector<16xf32>,
      %add3A_338 = arith.constant 2 : i32
      %add3A_339 = arith.addi %mul3A_37, %add3A_338 : i32
      %get3A_340 = arith.index_cast %add3A_339 : i32 to index
      %get3A_341 = arith.constant 240 : index
      %get3A_342 = tpu.vector_load %arg7[%get3A_340, %get3A_341] {strides = array<i32>} : memref<256x256xf32, #tpu.memory_space<vmem>>, vector<16xf32>,
      %swap3A_343 = arith.index_cast %squeeze3A_87 : i32 to index
      %swap3A_344 = arith.constant 112 : index
      %swap3A_345 = tpu.vector_load %arg12[%swap3A_343, %swap3A_344] {strides = array<i32>} : memref<32x128xf32, #tpu.memory_space<vmem>>, vector<16xf32>,
      tpu.vector_store %arg12[%swap3A_343, %swap3A_344], %get3A_212 {add = true, strides = array<i32>} : memref<32x128xf32, #tpu.memory_space<vmem>>, vector<16xf32>,
      %slice3A_346 = vector.extract_strided_slice %get3A_35 {offsets = [3], sizes = [1], strides = [1]} : vector<16xi32> to vector<1xi32>
      %squeeze3A_347 = vector.extract %slice3A_346[0] : i32 from vector<1xi32>
      %add3A_348 = arith.constant 3 : i32
      %add3A_349 = arith.addi %mul3A_37, %add3A_348 : i32
      %get3A_350 = arith.index_cast %add3A_349 : i32 to index
      %get3A_351 = arith.constant 0 : index
      %get3A_352 = tpu.vector_load %arg7[%get3A_350, %get3A_351] {strides = array<i32>} : memref<256x256xf32, #tpu.memory_space<vmem>>, vector<16xf32>,
      %swap3A_353 = arith.index_cast %squeeze3A_217 : i32 to index
      %swap3A_354 = arith.constant 0 : index
      %swap3A_355 = tpu.vector_load %arg11[%swap3A_353, %swap3A_354] {strides = array<i32>} : memref<32x128xf32, #tpu.memory_space<vmem>>, vector<16xf32>,
      tpu.vector_store %arg11[%swap3A_353, %swap3A_354], %get3A_222 {add = true, strides = array<i32>} : memref<32x128xf32, #tpu.memory_space<vmem>>, vector<16xf32>,
      %add3A_356 = arith.constant 3 : i32
      %add3A_357 = arith.addi %mul3A_37, %add3A_356 : i32
      %get3A_358 = arith.index_cast %add3A_357 : i32 to index
      %get3A_359 = arith.constant 16 : index
      %get3A_360 = tpu.vector_load %arg7[%get3A_358, %get3A_359] {strides = array<i32>} : memref<256x256xf32, #tpu.memory_space<vmem>>, vector<16xf32>,
      %swap3A_361 = arith.index_cast %squeeze3A_217 : i32 to index
      %swap3A_362 = arith.constant 0 : index
      %swap3A_363 = tpu.vector_load %arg12[%swap3A_361, %swap3A_362] {strides = array<i32>} : memref<32x128xf32, #tpu.memory_space<vmem>>, vector<16xf32>,
      tpu.vector_store %arg12[%swap3A_361, %swap3A_362], %get3A_286 {add = true, strides = array<i32>} : memref<32x128xf32, #tpu.memory_space<vmem>>, vector<16xf32>,
      %add3A_364 = arith.constant 3 : i32
      %add3A_365 = arith.addi %mul3A_37, %add3A_364 : i32
      %get3A_366 = arith.index_cast %add3A_365 : i32 to index
      %get3A_367 = arith.constant 32 : index
      %get3A_368 = tpu.vector_load %arg7[%get3A_366, %get3A_367] {strides = array<i32>} : memref<256x256xf32, #tpu.memory_space<vmem>>, vector<16xf32>,
      %swap3A_369 = arith.index_cast %squeeze3A_217 : i32 to index
      %swap3A_370 = arith.constant 16 : index
      %swap3A_371 = tpu.vector_load %arg11[%swap3A_369, %swap3A_370] {strides = array<i32>} : memref<32x128xf32, #tpu.memory_space<vmem>>, vector<16xf32>,
      tpu.vector_store %arg11[%swap3A_369, %swap3A_370], %get3A_230 {add = true, strides = array<i32>} : memref<32x128xf32, #tpu.memory_space<vmem>>, vector<16xf32>,
      %add3A_372 = arith.constant 3 : i32
      %add3A_373 = arith.addi %mul3A_37, %add3A_372 : i32
      %get3A_374 = arith.index_cast %add3A_373 : i32 to index
      %get3A_375 = arith.constant 48 : index
      %get3A_376 = tpu.vector_load %arg7[%get3A_374, %get3A_375] {strides = array<i32>} : memref<256x256xf32, #tpu.memory_space<vmem>>, vector<16xf32>,
      %swap3A_377 = arith.index_cast %squeeze3A_217 : i32 to index
      %swap3A_378 = arith.constant 16 : index
      %swap3A_379 = tpu.vector_load %arg12[%swap3A_377, %swap3A_378] {strides = array<i32>} : memref<32x128xf32, #tpu.memory_space<vmem>>, vector<16xf32>,
      tpu.vector_store %arg12[%swap3A_377, %swap3A_378], %get3A_294 {add = true, strides = array<i32>} : memref<32x128xf32, #tpu.memory_space<vmem>>, vector<16xf32>,
      %add3A_380 = arith.constant 3 : i32
      %add3A_381 = arith.addi %mul3A_37, %add3A_380 : i32
      %get3A_382 = arith.index_cast %add3A_381 : i32 to index
      %get3A_383 = arith.constant 64 : index
      %get3A_384 = tpu.vector_load %arg7[%get3A_382, %get3A_383] {strides = array<i32>} : memref<256x256xf32, #tpu.memory_space<vmem>>, vector<16xf32>,
      %swap3A_385 = arith.index_cast %squeeze3A_217 : i32 to index
      %swap3A_386 = arith.constant 32 : index
      %swap3A_387 = tpu.vector_load %arg11[%swap3A_385, %swap3A_386] {strides = array<i32>} : memref<32x128xf32, #tpu.memory_space<vmem>>, vector<16xf32>,
      tpu.vector_store %arg11[%swap3A_385, %swap3A_386], %get3A_238 {add = true, strides = array<i32>} : memref<32x128xf32, #tpu.memory_space<vmem>>, vector<16xf32>,
      %add3A_388 = arith.constant 3 : i32
      %add3A_389 = arith.addi %mul3A_37, %add3A_388 : i32
      %get3A_390 = arith.index_cast %add3A_389 : i32 to index
      %get3A_391 = arith.constant 80 : index
      %get3A_392 = tpu.vector_load %arg7[%get3A_390, %get3A_391] {strides = array<i32>} : memref<256x256xf32, #tpu.memory_space<vmem>>, vector<16xf32>,
      %swap3A_393 = arith.index_cast %squeeze3A_217 : i32 to index
      %swap3A_394 = arith.constant 32 : index
      %swap3A_395 = tpu.vector_load %arg12[%swap3A_393, %swap3A_394] {strides = array<i32>} : memref<32x128xf32, #tpu.memory_space<vmem>>, vector<16xf32>,
      tpu.vector_store %arg12[%swap3A_393, %swap3A_394], %get3A_302 {add = true, strides = array<i32>} : memref<32x128xf32, #tpu.memory_space<vmem>>, vector<16xf32>,
      %add3A_396 = arith.constant 3 : i32
      %add3A_397 = arith.addi %mul3A_37, %add3A_396 : i32
      %get3A_398 = arith.index_cast %add3A_397 : i32 to index
      %get3A_399 = arith.constant 96 : index
      %get3A_400 = tpu.vector_load %arg7[%get3A_398, %get3A_399] {strides = array<i32>} : memref<256x256xf32, #tpu.memory_space<vmem>>, vector<16xf32>,
      %swap3A_401 = arith.index_cast %squeeze3A_217 : i32 to index
      %swap3A_402 = arith.constant 48 : index
      %swap3A_403 = tpu.vector_load %arg11[%swap3A_401, %swap3A_402] {strides = array<i32>} : memref<32x128xf32, #tpu.memory_space<vmem>>, vector<16xf32>,
      tpu.vector_store %arg11[%swap3A_401, %swap3A_402], %get3A_246 {add = true, strides = array<i32>} : memref<32x128xf32, #tpu.memory_space<vmem>>, vector<16xf32>,
      %add3A_404 = arith.constant 3 : i32
      %add3A_405 = arith.addi %mul3A_37, %add3A_404 : i32
      %get3A_406 = arith.index_cast %add3A_405 : i32 to index
      %get3A_407 = arith.constant 112 : index
      %get3A_408 = tpu.vector_load %arg7[%get3A_406, %get3A_407] {strides = array<i32>} : memref<256x256xf32, #tpu.memory_space<vmem>>, vector<16xf32>,
      %swap3A_409 = arith.index_cast %squeeze3A_217 : i32 to index
      %swap3A_410 = arith.constant 48 : index
      %swap3A_411 = tpu.vector_load %arg12[%swap3A_409, %swap3A_410] {strides = array<i32>} : memref<32x128xf32, #tpu.memory_space<vmem>>, vector<16xf32>,
      tpu.vector_store %arg12[%swap3A_409, %swap3A_410], %get3A_310 {add = true, strides = array<i32>} : memref<32x128xf32, #tpu.memory_space<vmem>>, vector<16xf32>,
      %add3A_412 = arith.constant 3 : i32
      %add3A_413 = arith.addi %mul3A_37, %add3A_412 : i32
      %get3A_414 = arith.index_cast %add3A_413 : i32 to index
      %get3A_415 = arith.constant 128 : index
      %get3A_416 = tpu.vector_load %arg7[%get3A_414, %get3A_415] {strides = array<i32>} : memref<256x256xf32, #tpu.memory_space<vmem>>, vector<16xf32>,
      %swap3A_417 = arith.index_cast %squeeze3A_217 : i32 to index
      %swap3A_418 = arith.constant 64 : index
      %swap3A_419 = tpu.vector_load %arg11[%swap3A_417, %swap3A_418] {strides = array<i32>} : memref<32x128xf32, #tpu.memory_space<vmem>>, vector<16xf32>,
      tpu.vector_store %arg11[%swap3A_417, %swap3A_418], %get3A_254 {add = true, strides = array<i32>} : memref<32x128xf32, #tpu.memory_space<vmem>>, vector<16xf32>,
      %add3A_420 = arith.constant 3 : i32
      %add3A_421 = arith.addi %mul3A_37, %add3A_420 : i32
      %get3A_422 = arith.index_cast %add3A_421 : i32 to index
      %get3A_423 = arith.constant 144 : index
      %get3A_424 = tpu.vector_load %arg7[%get3A_422, %get3A_423] {strides = array<i32>} : memref<256x256xf32, #tpu.memory_space<vmem>>, vector<16xf32>,
      %swap3A_425 = arith.index_cast %squeeze3A_217 : i32 to index
      %swap3A_426 = arith.constant 64 : index
      %swap3A_427 = tpu.vector_load %arg12[%swap3A_425, %swap3A_426] {strides = array<i32>} : memref<32x128xf32, #tpu.memory_space<vmem>>, vector<16xf32>,
      tpu.vector_store %arg12[%swap3A_425, %swap3A_426], %get3A_318 {add = true, strides = array<i32>} : memref<32x128xf32, #tpu.memory_space<vmem>>, vector<16xf32>,
      %add3A_428 = arith.constant 3 : i32
      %add3A_429 = arith.addi %mul3A_37, %add3A_428 : i32
      %get3A_430 = arith.index_cast %add3A_429 : i32 to index
      %get3A_431 = arith.constant 160 : index
      %get3A_432 = tpu.vector_load %arg7[%get3A_430, %get3A_431] {strides = array<i32>} : memref<256x256xf32, #tpu.memory_space<vmem>>, vector<16xf32>,
      %swap3A_433 = arith.index_cast %squeeze3A_217 : i32 to index
      %swap3A_434 = arith.constant 80 : index
      %swap3A_435 = tpu.vector_load %arg11[%swap3A_433, %swap3A_434] {strides = array<i32>} : memref<32x128xf32, #tpu.memory_space<vmem>>, vector<16xf32>,
      tpu.vector_store %arg11[%swap3A_433, %swap3A_434], %get3A_262 {add = true, strides = array<i32>} : memref<32x128xf32, #tpu.memory_space<vmem>>, vector<16xf32>,
      %add3A_436 = arith.constant 3 : i32
      %add3A_437 = arith.addi %mul3A_37, %add3A_436 : i32
      %get3A_438 = arith.index_cast %add3A_437 : i32 to index
      %get3A_439 = arith.constant 176 : index
      %get3A_440 = tpu.vector_load %arg7[%get3A_438, %get3A_439] {strides = array<i32>} : memref<256x256xf32, #tpu.memory_space<vmem>>, vector<16xf32>,
      %swap3A_441 = arith.index_cast %squeeze3A_217 : i32 to index
      %swap3A_442 = arith.constant 80 : index
      %swap3A_443 = tpu.vector_load %arg12[%swap3A_441, %swap3A_442] {strides = array<i32>} : memref<32x128xf32, #tpu.memory_space<vmem>>, vector<16xf32>,
      tpu.vector_store %arg12[%swap3A_441, %swap3A_442], %get3A_326 {add = true, strides = array<i32>} : memref<32x128xf32, #tpu.memory_space<vmem>>, vector<16xf32>,
      %add3A_444 = arith.constant 3 : i32
      %add3A_445 = arith.addi %mul3A_37, %add3A_444 : i32
      %get3A_446 = arith.index_cast %add3A_445 : i32 to index
      %get3A_447 = arith.constant 192 : index
      %get3A_448 = tpu.vector_load %arg7[%get3A_446, %get3A_447] {strides = array<i32>} : memref<256x256xf32, #tpu.memory_space<vmem>>, vector<16xf32>,
      %swap3A_449 = arith.index_cast %squeeze3A_217 : i32 to index
      %swap3A_450 = arith.constant 96 : index
      %swap3A_451 = tpu.vector_load %arg11[%swap3A_449, %swap3A_450] {strides = array<i32>} : memref<32x128xf32, #tpu.memory_space<vmem>>, vector<16xf32>,
      tpu.vector_store %arg11[%swap3A_449, %swap3A_450], %get3A_270 {add = true, strides = array<i32>} : memref<32x128xf32, #tpu.memory_space<vmem>>, vector<16xf32>,
      %add3A_452 = arith.constant 3 : i32
      %add3A_453 = arith.addi %mul3A_37, %add3A_452 : i32
      %get3A_454 = arith.index_cast %add3A_453 : i32 to index
      %get3A_455 = arith.constant 208 : index
      %get3A_456 = tpu.vector_load %arg7[%get3A_454, %get3A_455] {strides = array<i32>} : memref<256x256xf32, #tpu.memory_space<vmem>>, vector<16xf32>,
      %swap3A_457 = arith.index_cast %squeeze3A_217 : i32 to index
      %swap3A_458 = arith.constant 96 : index
      %swap3A_459 = tpu.vector_load %arg12[%swap3A_457, %swap3A_458] {strides = array<i32>} : memref<32x128xf32, #tpu.memory_space<vmem>>, vector<16xf32>,
      tpu.vector_store %arg12[%swap3A_457, %swap3A_458], %get3A_334 {add = true, strides = array<i32>} : memref<32x128xf32, #tpu.memory_space<vmem>>, vector<16xf32>,
      %add3A_460 = arith.constant 3 : i32
      %add3A_461 = arith.addi %mul3A_37, %add3A_460 : i32
      %get3A_462 = arith.index_cast %add3A_461 : i32 to index
      %get3A_463 = arith.constant 224 : index
      %get3A_464 = tpu.vector_load %arg7[%get3A_462, %get3A_463] {strides = array<i32>} : memref<256x256xf32, #tpu.memory_space<vmem>>, vector<16xf32>,
      %swap3A_465 = arith.index_cast %squeeze3A_217 : i32 to index
      %swap3A_466 = arith.constant 112 : index
      %swap3A_467 = tpu.vector_load %arg11[%swap3A_465, %swap3A_466] {strides = array<i32>} : memref<32x128xf32, #tpu.memory_space<vmem>>, vector<16xf32>,
      tpu.vector_store %arg11[%swap3A_465, %swap3A_466], %get3A_278 {add = true, strides = array<i32>} : memref<32x128xf32, #tpu.memory_space<vmem>>, vector<16xf32>,
      %add3A_468 = arith.constant 3 : i32
      %add3A_469 = arith.addi %mul3A_37, %add3A_468 : i32
      %get3A_470 = arith.index_cast %add3A_469 : i32 to index
      %get3A_471 = arith.constant 240 : index
      %get3A_472 = tpu.vector_load %arg7[%get3A_470, %get3A_471] {strides = array<i32>} : memref<256x256xf32, #tpu.memory_space<vmem>>, vector<16xf32>,
      %swap3A_473 = arith.index_cast %squeeze3A_217 : i32 to index
      %swap3A_474 = arith.constant 112 : index
      %swap3A_475 = tpu.vector_load %arg12[%swap3A_473, %swap3A_474] {strides = array<i32>} : memref<32x128xf32, #tpu.memory_space<vmem>>, vector<16xf32>,
      tpu.vector_store %arg12[%swap3A_473, %swap3A_474], %get3A_342 {add = true, strides = array<i32>} : memref<32x128xf32, #tpu.memory_space<vmem>>, vector<16xf32>,
      %slice3A_476 = vector.extract_strided_slice %get3A_35 {offsets = [4], sizes = [1], strides = [1]} : vector<16xi32> to vector<1xi32>
      %squeeze3A_477 = vector.extract %slice3A_476[0] : i32 from vector<1xi32>
      %add3A_478 = arith.constant 4 : i32
      %add3A_479 = arith.addi %mul3A_37, %add3A_478 : i32
      %get3A_480 = arith.index_cast %add3A_479 : i32 to index
      %get3A_481 = arith.constant 0 : index
      %get3A_482 = tpu.vector_load %arg7[%get3A_480, %get3A_481] {strides = array<i32>} : memref<256x256xf32, #tpu.memory_space<vmem>>, vector<16xf32>,
      %swap3A_483 = arith.index_cast %squeeze3A_347 : i32 to index
      %swap3A_484 = arith.constant 0 : index
      %swap3A_485 = tpu.vector_load %arg11[%swap3A_483, %swap3A_484] {strides = array<i32>} : memref<32x128xf32, #tpu.memory_space<vmem>>, vector<16xf32>,
      tpu.vector_store %arg11[%swap3A_483, %swap3A_484], %get3A_352 {add = true, strides = array<i32>} : memref<32x128xf32, #tpu.memory_space<vmem>>, vector<16xf32>,
      %add3A_486 = arith.constant 4 : i32
      %add3A_487 = arith.addi %mul3A_37, %add3A_486 : i32
      %get3A_488 = arith.index_cast %add3A_487 : i32 to index
      %get3A_489 = arith.constant 16 : index
      %get3A_490 = tpu.vector_load %arg7[%get3A_488, %get3A_489] {strides = array<i32>} : memref<256x256xf32, #tpu.memory_space<vmem>>, vector<16xf32>,
      %swap3A_491 = arith.index_cast %squeeze3A_347 : i32 to index
      %swap3A_492 = arith.constant 0 : index
      %swap3A_493 = tpu.vector_load %arg12[%swap3A_491, %swap3A_492] {strides = array<i32>} : memref<32x128xf32, #tpu.memory_space<vmem>>, vector<16xf32>,
      tpu.vector_store %arg12[%swap3A_491, %swap3A_492], %get3A_416 {add = true, strides = array<i32>} : memref<32x128xf32, #tpu.memory_space<vmem>>, vector<16xf32>,
      %add3A_494 = arith.constant 4 : i32
      %add3A_495 = arith.addi %mul3A_37, %add3A_494 : i32
      %get3A_496 = arith.index_cast %add3A_495 : i32 to index
      %get3A_497 = arith.constant 32 : index
      %get3A_498 = tpu.vector_load %arg7[%get3A_496, %get3A_497] {strides = array<i32>} : memref<256x256xf32, #tpu.memory_space<vmem>>, vector<16xf32>,
      %swap3A_499 = arith.index_cast %squeeze3A_347 : i32 to index
      %swap3A_500 = arith.constant 16 : index
      %swap3A_501 = tpu.vector_load %arg11[%swap3A_499, %swap3A_500] {strides = array<i32>} : memref<32x128xf32, #tpu.memory_space<vmem>>, vector<16xf32>,
      tpu.vector_store %arg11[%swap3A_499, %swap3A_500], %get3A_360 {add = true, strides = array<i32>} : memref<32x128xf32, #tpu.memory_space<vmem>>, vector<16xf32>,
      %add3A_502 = arith.constant 4 : i32
      %add3A_503 = arith.addi %mul3A_37, %add3A_502 : i32
      %get3A_504 = arith.index_cast %add3A_503 : i32 to index
      %get3A_505 = arith.constant 48 : index
      %get3A_506 = tpu.vector_load %arg7[%get3A_504, %get3A_505] {strides = array<i32>} : memref<256x256xf32, #tpu.memory_space<vmem>>, vector<16xf32>,
      %swap3A_507 = arith.index_cast %squeeze3A_347 : i32 to index
      %swap3A_508 = arith.constant 16 : index
      %swap3A_509 = tpu.vector_load %arg12[%swap3A_507, %swap3A_508] {strides = array<i32>} : memref<32x128xf32, #tpu.memory_space<vmem>>, vector<16xf32>,
      tpu.vector_store %arg12[%swap3A_507, %swap3A_508], %get3A_424 {add = true, strides = array<i32>} : memref<32x128xf32, #tpu.memory_space<vmem>>, vector<16xf32>,
      %add3A_510 = arith.constant 4 : i32
      %add3A_511 = arith.addi %mul3A_37, %add3A_510 : i32
      %get3A_512 = arith.index_cast %add3A_511 : i32 to index
      %get3A_513 = arith.constant 64 : index
      %get3A_514 = tpu.vector_load %arg7[%get3A_512, %get3A_513] {strides = array<i32>} : memref<256x256xf32, #tpu.memory_space<vmem>>, vector<16xf32>,
      %swap3A_515 = arith.index_cast %squeeze3A_347 : i32 to index
      %swap3A_516 = arith.constant 32 : index
      %swap3A_517 = tpu.vector_load %arg11[%swap3A_515, %swap3A_516] {strides = array<i32>} : memref<32x128xf32, #tpu.memory_space<vmem>>, vector<16xf32>,
      tpu.vector_store %arg11[%swap3A_515, %swap3A_516], %get3A_368 {add = true, strides = array<i32>} : memref<32x128xf32, #tpu.memory_space<vmem>>, vector<16xf32>,
      %add3A_518 = arith.constant 4 : i32
      %add3A_519 = arith.addi %mul3A_37, %add3A_518 : i32
      %get3A_520 = arith.index_cast %add3A_519 : i32 to index
      %get3A_521 = arith.constant 80 : index
      %get3A_522 = tpu.vector_load %arg7[%get3A_520, %get3A_521] {strides = array<i32>} : memref<256x256xf32, #tpu.memory_space<vmem>>, vector<16xf32>,
      %swap3A_523 = arith.index_cast %squeeze3A_347 : i32 to index
      %swap3A_524 = arith.constant 32 : index
      %swap3A_525 = tpu.vector_load %arg12[%swap3A_523, %swap3A_524] {strides = array<i32>} : memref<32x128xf32, #tpu.memory_space<vmem>>, vector<16xf32>,
      tpu.vector_store %arg12[%swap3A_523, %swap3A_524], %get3A_432 {add = true, strides = array<i32>} : memref<32x128xf32, #tpu.memory_space<vmem>>, vector<16xf32>,
      %add3A_526 = arith.constant 4 : i32
      %add3A_527 = arith.addi %mul3A_37, %add3A_526 : i32
      %get3A_528 = arith.index_cast %add3A_527 : i32 to index
      %get3A_529 = arith.constant 96 : index
      %get3A_530 = tpu.vector_load %arg7[%get3A_528, %get3A_529] {strides = array<i32>} : memref<256x256xf32, #tpu.memory_space<vmem>>, vector<16xf32>,
      %swap3A_531 = arith.index_cast %squeeze3A_347 : i32 to index
      %swap3A_532 = arith.constant 48 : index
      %swap3A_533 = tpu.vector_load %arg11[%swap3A_531, %swap3A_532] {strides = array<i32>} : memref<32x128xf32, #tpu.memory_space<vmem>>, vector<16xf32>,
      tpu.vector_store %arg11[%swap3A_531, %swap3A_532], %get3A_376 {add = true, strides = array<i32>} : memref<32x128xf32, #tpu.memory_space<vmem>>, vector<16xf32>,
      %add3A_534 = arith.constant 4 : i32
      %add3A_535 = arith.addi %mul3A_37, %add3A_534 : i32
      %get3A_536 = arith.index_cast %add3A_535 : i32 to index
      %get3A_537 = arith.constant 112 : index
      %get3A_538 = tpu.vector_load %arg7[%get3A_536, %get3A_537] {strides = array<i32>} : memref<256x256xf32, #tpu.memory_space<vmem>>, vector<16xf32>,
      %swap3A_539 = arith.index_cast %squeeze3A_347 : i32 to index
      %swap3A_540 = arith.constant 48 : index
      %swap3A_541 = tpu.vector_load %arg12[%swap3A_539, %swap3A_540] {strides = array<i32>} : memref<32x128xf32, #tpu.memory_space<vmem>>, vector<16xf32>,
      tpu.vector_store %arg12[%swap3A_539, %swap3A_540], %get3A_440 {add = true, strides = array<i32>} : memref<32x128xf32, #tpu.memory_space<vmem>>, vector<16xf32>,
      %add3A_542 = arith.constant 4 : i32
      %add3A_543 = arith.addi %mul3A_37, %add3A_542 : i32
      %get3A_544 = arith.index_cast %add3A_543 : i32 to index
      %get3A_545 = arith.constant 128 : index
      %get3A_546 = tpu.vector_load %arg7[%get3A_544, %get3A_545] {strides = array<i32>} : memref<256x256xf32, #tpu.memory_space<vmem>>, vector<16xf32>,
      %swap3A_547 = arith.index_cast %squeeze3A_347 : i32 to index
      %swap3A_548 = arith.constant 64 : index
      %swap3A_549 = tpu.vector_load %arg11[%swap3A_547, %swap3A_548] {strides = array<i32>} : memref<32x128xf32, #tpu.memory_space<vmem>>, vector<16xf32>,
      tpu.vector_store %arg11[%swap3A_547, %swap3A_548], %get3A_384 {add = true, strides = array<i32>} : memref<32x128xf32, #tpu.memory_space<vmem>>, vector<16xf32>,
      %add3A_550 = arith.constant 4 : i32
      %add3A_551 = arith.addi %mul3A_37, %add3A_550 : i32
      %get3A_552 = arith.index_cast %add3A_551 : i32 to index
      %get3A_553 = arith.constant 144 : index
      %get3A_554 = tpu.vector_load %arg7[%get3A_552, %get3A_553] {strides = array<i32>} : memref<256x256xf32, #tpu.memory_space<vmem>>, vector<16xf32>,
      %swap3A_555 = arith.index_cast %squeeze3A_347 : i32 to index
      %swap3A_556 = arith.constant 64 : index
      %swap3A_557 = tpu.vector_load %arg12[%swap3A_555, %swap3A_556] {strides = array<i32>} : memref<32x128xf32, #tpu.memory_space<vmem>>, vector<16xf32>,
      tpu.vector_store %arg12[%swap3A_555, %swap3A_556], %get3A_448 {add = true, strides = array<i32>} : memref<32x128xf32, #tpu.memory_space<vmem>>, vector<16xf32>,
      %add3A_558 = arith.constant 4 : i32
      %add3A_559 = arith.addi %mul3A_37, %add3A_558 : i32
      %get3A_560 = arith.index_cast %add3A_559 : i32 to index
      %get3A_561 = arith.constant 160 : index
      %get3A_562 = tpu.vector_load %arg7[%get3A_560, %get3A_561] {strides = array<i32>} : memref<256x256xf32, #tpu.memory_space<vmem>>, vector<16xf32>,
      %swap3A_563 = arith.index_cast %squeeze3A_347 : i32 to index
      %swap3A_564 = arith.constant 80 : index
      %swap3A_565 = tpu.vector_load %arg11[%swap3A_563, %swap3A_564] {strides = array<i32>} : memref<32x128xf32, #tpu.memory_space<vmem>>, vector<16xf32>,
      tpu.vector_store %arg11[%swap3A_563, %swap3A_564], %get3A_392 {add = true, strides = array<i32>} : memref<32x128xf32, #tpu.memory_space<vmem>>, vector<16xf32>,
      %add3A_566 = arith.constant 4 : i32
      %add3A_567 = arith.addi %mul3A_37, %add3A_566 : i32
      %get3A_568 = arith.index_cast %add3A_567 : i32 to index
      %get3A_569 = arith.constant 176 : index
      %get3A_570 = tpu.vector_load %arg7[%get3A_568, %get3A_569] {strides = array<i32>} : memref<256x256xf32, #tpu.memory_space<vmem>>, vector<16xf32>,
      %swap3A_571 = arith.index_cast %squeeze3A_347 : i32 to index
      %swap3A_572 = arith.constant 80 : index
      %swap3A_573 = tpu.vector_load %arg12[%swap3A_571, %swap3A_572] {strides = array<i32>} : memref<32x128xf32, #tpu.memory_space<vmem>>, vector<16xf32>,
      tpu.vector_store %arg12[%swap3A_571, %swap3A_572], %get3A_456 {add = true, strides = array<i32>} : memref<32x128xf32, #tpu.memory_space<vmem>>, vector<16xf32>,
      %add3A_574 = arith.constant 4 : i32
      %add3A_575 = arith.addi %mul3A_37, %add3A_574 : i32
      %get3A_576 = arith.index_cast %add3A_575 : i32 to index
      %get3A_577 = arith.constant 192 : index
      %get3A_578 = tpu.vector_load %arg7[%get3A_576, %get3A_577] {strides = array<i32>} : memref<256x256xf32, #tpu.memory_space<vmem>>, vector<16xf32>,
      %swap3A_579 = arith.index_cast %squeeze3A_347 : i32 to index
      %swap3A_580 = arith.constant 96 : index
      %swap3A_581 = tpu.vector_load %arg11[%swap3A_579, %swap3A_580] {strides = array<i32>} : memref<32x128xf32, #tpu.memory_space<vmem>>, vector<16xf32>,
      tpu.vector_store %arg11[%swap3A_579, %swap3A_580], %get3A_400 {add = true, strides = array<i32>} : memref<32x128xf32, #tpu.memory_space<vmem>>, vector<16xf32>,
      %add3A_582 = arith.constant 4 : i32
      %add3A_583 = arith.addi %mul3A_37, %add3A_582 : i32
      %get3A_584 = arith.index_cast %add3A_583 : i32 to index
      %get3A_585 = arith.constant 208 : index
      %get3A_586 = tpu.vector_load %arg7[%get3A_584, %get3A_585] {strides = array<i32>} : memref<256x256xf32, #tpu.memory_space<vmem>>, vector<16xf32>,
      %swap3A_587 = arith.index_cast %squeeze3A_347 : i32 to index
      %swap3A_588 = arith.constant 96 : index
      %swap3A_589 = tpu.vector_load %arg12[%swap3A_587, %swap3A_588] {strides = array<i32>} : memref<32x128xf32, #tpu.memory_space<vmem>>, vector<16xf32>,
      tpu.vector_store %arg12[%swap3A_587, %swap3A_588], %get3A_464 {add = true, strides = array<i32>} : memref<32x128xf32, #tpu.memory_space<vmem>>, vector<16xf32>,
      %add3A_590 = arith.constant 4 : i32
      %add3A_591 = arith.addi %mul3A_37, %add3A_590 : i32
      %get3A_592 = arith.index_cast %add3A_591 : i32 to index
      %get3A_593 = arith.constant 224 : index
      %get3A_594 = tpu.vector_load %arg7[%get3A_592, %get3A_593] {strides = array<i32>} : memref<256x256xf32, #tpu.memory_space<vmem>>, vector<16xf32>,
      %swap3A_595 = arith.index_cast %squeeze3A_347 : i32 to index
      %swap3A_596 = arith.constant 112 : index
      %swap3A_597 = tpu.vector_load %arg11[%swap3A_595, %swap3A_596] {strides = array<i32>} : memref<32x128xf32, #tpu.memory_space<vmem>>, vector<16xf32>,
      tpu.vector_store %arg11[%swap3A_595, %swap3A_596], %get3A_408 {add = true, strides = array<i32>} : memref<32x128xf32, #tpu.memory_space<vmem>>, vector<16xf32>,
      %add3A_598 = arith.constant 4 : i32
      %add3A_599 = arith.addi %mul3A_37, %add3A_598 : i32
      %get3A_600 = arith.index_cast %add3A_599 : i32 to index
      %get3A_601 = arith.constant 240 : index
      %get3A_602 = tpu.vector_load %arg7[%get3A_600, %get3A_601] {strides = array<i32>} : memref<256x256xf32, #tpu.memory_space<vmem>>, vector<16xf32>,
      %swap3A_603 = arith.index_cast %squeeze3A_347 : i32 to index
      %swap3A_604 = arith.constant 112 : index
      %swap3A_605 = tpu.vector_load %arg12[%swap3A_603, %swap3A_604] {strides = array<i32>} : memref<32x128xf32, #tpu.memory_space<vmem>>, vector<16xf32>,
      tpu.vector_store %arg12[%swap3A_603, %swap3A_604], %get3A_472 {add = true, strides = array<i32>} : memref<32x128xf32, #tpu.memory_space<vmem>>, vector<16xf32>,
      %slice3A_606 = vector.extract_strided_slice %get3A_35 {offsets = [5], sizes = [1], strides = [1]} : vector<16xi32> to vector<1xi32>
      %squeeze3A_607 = vector.extract %slice3A_606[0] : i32 from vector<1xi32>
      %add3A_608 = arith.constant 5 : i32
      %add3A_609 = arith.addi %mul3A_37, %add3A_608 : i32
      %get3A_610 = arith.index_cast %add3A_609 : i32 to index
      %get3A_611 = arith.constant 0 : index
      %get3A_612 = tpu.vector_load %arg7[%get3A_610, %get3A_611] {strides = array<i32>} : memref<256x256xf32, #tpu.memory_space<vmem>>, vector<16xf32>,
      %swap3A_613 = arith.index_cast %squeeze3A_477 : i32 to index
      %swap3A_614 = arith.constant 0 : index
      %swap3A_615 = tpu.vector_load %arg11[%swap3A_613, %swap3A_614] {strides = array<i32>} : memref<32x128xf32, #tpu.memory_space<vmem>>, vector<16xf32>,
      tpu.vector_store %arg11[%swap3A_613, %swap3A_614], %get3A_482 {add = true, strides = array<i32>} : memref<32x128xf32, #tpu.memory_space<vmem>>, vector<16xf32>,
      %add3A_616 = arith.constant 5 : i32
      %add3A_617 = arith.addi %mul3A_37, %add3A_616 : i32
      %get3A_618 = arith.index_cast %add3A_617 : i32 to index
      %get3A_619 = arith.constant 16 : index
      %get3A_620 = tpu.vector_load %arg7[%get3A_618, %get3A_619] {strides = array<i32>} : memref<256x256xf32, #tpu.memory_space<vmem>>, vector<16xf32>,
      %swap3A_621 = arith.index_cast %squeeze3A_477 : i32 to index
      %swap3A_622 = arith.constant 0 : index
      %swap3A_623 = tpu.vector_load %arg12[%swap3A_621, %swap3A_622] {strides = array<i32>} : memref<32x128xf32, #tpu.memory_space<vmem>>, vector<16xf32>,
      tpu.vector_store %arg12[%swap3A_621, %swap3A_622], %get3A_546 {add = true, strides = array<i32>} : memref<32x128xf32, #tpu.memory_space<vmem>>, vector<16xf32>,
      %add3A_624 = arith.constant 5 : i32
      %add3A_625 = arith.addi %mul3A_37, %add3A_624 : i32
      %get3A_626 = arith.index_cast %add3A_625 : i32 to index
      %get3A_627 = arith.constant 32 : index
      %get3A_628 = tpu.vector_load %arg7[%get3A_626, %get3A_627] {strides = array<i32>} : memref<256x256xf32, #tpu.memory_space<vmem>>, vector<16xf32>,
      %swap3A_629 = arith.index_cast %squeeze3A_477 : i32 to index
      %swap3A_630 = arith.constant 16 : index
      %swap3A_631 = tpu.vector_load %arg11[%swap3A_629, %swap3A_630] {strides = array<i32>} : memref<32x128xf32, #tpu.memory_space<vmem>>, vector<16xf32>,
      tpu.vector_store %arg11[%swap3A_629, %swap3A_630], %get3A_490 {add = true, strides = array<i32>} : memref<32x128xf32, #tpu.memory_space<vmem>>, vector<16xf32>,
      %add3A_632 = arith.constant 5 : i32
      %add3A_633 = arith.addi %mul3A_37, %add3A_632 : i32
      %get3A_634 = arith.index_cast %add3A_633 : i32 to index
      %get3A_635 = arith.constant 48 : index
      %get3A_636 = tpu.vector_load %arg7[%get3A_634, %get3A_635] {strides = array<i32>} : memref<256x256xf32, #tpu.memory_space<vmem>>, vector<16xf32>,
      %swap3A_637 = arith.index_cast %squeeze3A_477 : i32 to index
      %swap3A_638 = arith.constant 16 : index
      %swap3A_639 = tpu.vector_load %arg12[%swap3A_637, %swap3A_638] {strides = array<i32>} : memref<32x128xf32, #tpu.memory_space<vmem>>, vector<16xf32>,
      tpu.vector_store %arg12[%swap3A_637, %swap3A_638], %get3A_554 {add = true, strides = array<i32>} : memref<32x128xf32, #tpu.memory_space<vmem>>, vector<16xf32>,
      %add3A_640 = arith.constant 5 : i32
      %add3A_641 = arith.addi %mul3A_37, %add3A_640 : i32
      %get3A_642 = arith.index_cast %add3A_641 : i32 to index
      %get3A_643 = arith.constant 64 : index
      %get3A_644 = tpu.vector_load %arg7[%get3A_642, %get3A_643] {strides = array<i32>} : memref<256x256xf32, #tpu.memory_space<vmem>>, vector<16xf32>,
      %swap3A_645 = arith.index_cast %squeeze3A_477 : i32 to index
      %swap3A_646 = arith.constant 32 : index
      %swap3A_647 = tpu.vector_load %arg11[%swap3A_645, %swap3A_646] {strides = array<i32>} : memref<32x128xf32, #tpu.memory_space<vmem>>, vector<16xf32>,
      tpu.vector_store %arg11[%swap3A_645, %swap3A_646], %get3A_498 {add = true, strides = array<i32>} : memref<32x128xf32, #tpu.memory_space<vmem>>, vector<16xf32>,
      %add3A_648 = arith.constant 5 : i32
      %add3A_649 = arith.addi %mul3A_37, %add3A_648 : i32
      %get3A_650 = arith.index_cast %add3A_649 : i32 to index
      %get3A_651 = arith.constant 80 : index
      %get3A_652 = tpu.vector_load %arg7[%get3A_650, %get3A_651] {strides = array<i32>} : memref<256x256xf32, #tpu.memory_space<vmem>>, vector<16xf32>,
      %swap3A_653 = arith.index_cast %squeeze3A_477 : i32 to index
      %swap3A_654 = arith.constant 32 : index
      %swap3A_655 = tpu.vector_load %arg12[%swap3A_653, %swap3A_654] {strides = array<i32>} : memref<32x128xf32, #tpu.memory_space<vmem>>, vector<16xf32>,
      tpu.vector_store %arg12[%swap3A_653, %swap3A_654], %get3A_562 {add = true, strides = array<i32>} : memref<32x128xf32, #tpu.memory_space<vmem>>, vector<16xf32>,
      %add3A_656 = arith.constant 5 : i32
      %add3A_657 = arith.addi %mul3A_37, %add3A_656 : i32
      %get3A_658 = arith.index_cast %add3A_657 : i32 to index
      %get3A_659 = arith.constant 96 : index
      %get3A_660 = tpu.vector_load %arg7[%get3A_658, %get3A_659] {strides = array<i32>} : memref<256x256xf32, #tpu.memory_space<vmem>>, vector<16xf32>,
      %swap3A_661 = arith.index_cast %squeeze3A_477 : i32 to index
      %swap3A_662 = arith.constant 48 : index
      %swap3A_663 = tpu.vector_load %arg11[%swap3A_661, %swap3A_662] {strides = array<i32>} : memref<32x128xf32, #tpu.memory_space<vmem>>, vector<16xf32>,
      tpu.vector_store %arg11[%swap3A_661, %swap3A_662], %get3A_506 {add = true, strides = array<i32>} : memref<32x128xf32, #tpu.memory_space<vmem>>, vector<16xf32>,
      %add3A_664 = arith.constant 5 : i32
      %add3A_665 = arith.addi %mul3A_37, %add3A_664 : i32
      %get3A_666 = arith.index_cast %add3A_665 : i32 to index
      %get3A_667 = arith.constant 112 : index
      %get3A_668 = tpu.vector_load %arg7[%get3A_666, %get3A_667] {strides = array<i32>} : memref<256x256xf32, #tpu.memory_space<vmem>>, vector<16xf32>,
      %swap3A_669 = arith.index_cast %squeeze3A_477 : i32 to index
      %swap3A_670 = arith.constant 48 : index
      %swap3A_671 = tpu.vector_load %arg12[%swap3A_669, %swap3A_670] {strides = array<i32>} : memref<32x128xf32, #tpu.memory_space<vmem>>, vector<16xf32>,
      tpu.vector_store %arg12[%swap3A_669, %swap3A_670], %get3A_570 {add = true, strides = array<i32>} : memref<32x128xf32, #tpu.memory_space<vmem>>, vector<16xf32>,
      %add3A_672 = arith.constant 5 : i32
      %add3A_673 = arith.addi %mul3A_37, %add3A_672 : i32
      %get3A_674 = arith.index_cast %add3A_673 : i32 to index
      %get3A_675 = arith.constant 128 : index
      %get3A_676 = tpu.vector_load %arg7[%get3A_674, %get3A_675] {strides = array<i32>} : memref<256x256xf32, #tpu.memory_space<vmem>>, vector<16xf32>,
      %swap3A_677 = arith.index_cast %squeeze3A_477 : i32 to index
      %swap3A_678 = arith.constant 64 : index
      %swap3A_679 = tpu.vector_load %arg11[%swap3A_677, %swap3A_678] {strides = array<i32>} : memref<32x128xf32, #tpu.memory_space<vmem>>, vector<16xf32>,
      tpu.vector_store %arg11[%swap3A_677, %swap3A_678], %get3A_514 {add = true, strides = array<i32>} : memref<32x128xf32, #tpu.memory_space<vmem>>, vector<16xf32>,
      %add3A_680 = arith.constant 5 : i32
      %add3A_681 = arith.addi %mul3A_37, %add3A_680 : i32
      %get3A_682 = arith.index_cast %add3A_681 : i32 to index
      %get3A_683 = arith.constant 144 : index
      %get3A_684 = tpu.vector_load %arg7[%get3A_682, %get3A_683] {strides = array<i32>} : memref<256x256xf32, #tpu.memory_space<vmem>>, vector<16xf32>,
      %swap3A_685 = arith.index_cast %squeeze3A_477 : i32 to index
      %swap3A_686 = arith.constant 64 : index
      %swap3A_687 = tpu.vector_load %arg12[%swap3A_685, %swap3A_686] {strides = array<i32>} : memref<32x128xf32, #tpu.memory_space<vmem>>, vector<16xf32>,
      tpu.vector_store %arg12[%swap3A_685, %swap3A_686], %get3A_578 {add = true, strides = array<i32>} : memref<32x128xf32, #tpu.memory_space<vmem>>, vector<16xf32>,
      %add3A_688 = arith.constant 5 : i32
      %add3A_689 = arith.addi %mul3A_37, %add3A_688 : i32
      %get3A_690 = arith.index_cast %add3A_689 : i32 to index
      %get3A_691 = arith.constant 160 : index
      %get3A_692 = tpu.vector_load %arg7[%get3A_690, %get3A_691] {strides = array<i32>} : memref<256x256xf32, #tpu.memory_space<vmem>>, vector<16xf32>,
      %swap3A_693 = arith.index_cast %squeeze3A_477 : i32 to index
      %swap3A_694 = arith.constant 80 : index
      %swap3A_695 = tpu.vector_load %arg11[%swap3A_693, %swap3A_694] {strides = array<i32>} : memref<32x128xf32, #tpu.memory_space<vmem>>, vector<16xf32>,
      tpu.vector_store %arg11[%swap3A_693, %swap3A_694], %get3A_522 {add = true, strides = array<i32>} : memref<32x128xf32, #tpu.memory_space<vmem>>, vector<16xf32>,
      %add3A_696 = arith.constant 5 : i32
      %add3A_697 = arith.addi %mul3A_37, %add3A_696 : i32
      %get3A_698 = arith.index_cast %add3A_697 : i32 to index
      %get3A_699 = arith.constant 176 : index
      %get3A_700 = tpu.vector_load %arg7[%get3A_698, %get3A_699] {strides = array<i32>} : memref<256x256xf32, #tpu.memory_space<vmem>>, vector<16xf32>,
      %swap3A_701 = arith.index_cast %squeeze3A_477 : i32 to index
      %swap3A_702 = arith.constant 80 : index
      %swap3A_703 = tpu.vector_load %arg12[%swap3A_701, %swap3A_702] {strides = array<i32>} : memref<32x128xf32, #tpu.memory_space<vmem>>, vector<16xf32>,
      tpu.vector_store %arg12[%swap3A_701, %swap3A_702], %get3A_586 {add = true, strides = array<i32>} : memref<32x128xf32, #tpu.memory_space<vmem>>, vector<16xf32>,
      %add3A_704 = arith.constant 5 : i32
      %add3A_705 = arith.addi %mul3A_37, %add3A_704 : i32
      %get3A_706 = arith.index_cast %add3A_705 : i32 to index
      %get3A_707 = arith.constant 192 : index
      %get3A_708 = tpu.vector_load %arg7[%get3A_706, %get3A_707] {strides = array<i32>} : memref<256x256xf32, #tpu.memory_space<vmem>>, vector<16xf32>,
      %swap3A_709 = arith.index_cast %squeeze3A_477 : i32 to index
      %swap3A_710 = arith.constant 96 : index
      %swap3A_711 = tpu.vector_load %arg11[%swap3A_709, %swap3A_710] {strides = array<i32>} : memref<32x128xf32, #tpu.memory_space<vmem>>, vector<16xf32>,
      tpu.vector_store %arg11[%swap3A_709, %swap3A_710], %get3A_530 {add = true, strides = array<i32>} : memref<32x128xf32, #tpu.memory_space<vmem>>, vector<16xf32>,
      %add3A_712 = arith.constant 5 : i32
      %add3A_713 = arith.addi %mul3A_37, %add3A_712 : i32
      %get3A_714 = arith.index_cast %add3A_713 : i32 to index
      %get3A_715 = arith.constant 208 : index
      %get3A_716 = tpu.vector_load %arg7[%get3A_714, %get3A_715] {strides = array<i32>} : memref<256x256xf32, #tpu.memory_space<vmem>>, vector<16xf32>,
      %swap3A_717 = arith.index_cast %squeeze3A_477 : i32 to index
      %swap3A_718 = arith.constant 96 : index
      %swap3A_719 = tpu.vector_load %arg12[%swap3A_717, %swap3A_718] {strides = array<i32>} : memref<32x128xf32, #tpu.memory_space<vmem>>, vector<16xf32>,
      tpu.vector_store %arg12[%swap3A_717, %swap3A_718], %get3A_594 {add = true, strides = array<i32>} : memref<32x128xf32, #tpu.memory_space<vmem>>, vector<16xf32>,
      %add3A_720 = arith.constant 5 : i32
      %add3A_721 = arith.addi %mul3A_37, %add3A_720 : i32
      %get3A_722 = arith.index_cast %add3A_721 : i32 to index
      %get3A_723 = arith.constant 224 : index
      %get3A_724 = tpu.vector_load %arg7[%get3A_722, %get3A_723] {strides = array<i32>} : memref<256x256xf32, #tpu.memory_space<vmem>>, vector<16xf32>,
      %swap3A_725 = arith.index_cast %squeeze3A_477 : i32 to index
      %swap3A_726 = arith.constant 112 : index
      %swap3A_727 = tpu.vector_load %arg11[%swap3A_725, %swap3A_726] {strides = array<i32>} : memref<32x128xf32, #tpu.memory_space<vmem>>, vector<16xf32>,
      tpu.vector_store %arg11[%swap3A_725, %swap3A_726], %get3A_538 {add = true, strides = array<i32>} : memref<32x128xf32, #tpu.memory_space<vmem>>, vector<16xf32>,
      %add3A_728 = arith.constant 5 : i32
      %add3A_729 = arith.addi %mul3A_37, %add3A_728 : i32
      %get3A_730 = arith.index_cast %add3A_729 : i32 to index
      %get3A_731 = arith.constant 240 : index
      %get3A_732 = tpu.vector_load %arg7[%get3A_730, %get3A_731] {strides = array<i32>} : memref<256x256xf32, #tpu.memory_space<vmem>>, vector<16xf32>,
      %swap3A_733 = arith.index_cast %squeeze3A_477 : i32 to index
      %swap3A_734 = arith.constant 112 : index
      %swap3A_735 = tpu.vector_load %arg12[%swap3A_733, %swap3A_734] {strides = array<i32>} : memref<32x128xf32, #tpu.memory_space<vmem>>, vector<16xf32>,
      tpu.vector_store %arg12[%swap3A_733, %swap3A_734], %get3A_602 {add = true, strides = array<i32>} : memref<32x128xf32, #tpu.memory_space<vmem>>, vector<16xf32>,
      %slice3A_736 = vector.extract_strided_slice %get3A_35 {offsets = [6], sizes = [1], strides = [1]} : vector<16xi32> to vector<1xi32>
      %squeeze3A_737 = vector.extract %slice3A_736[0] : i32 from vector<1xi32>
      %add3A_738 = arith.constant 6 : i32
      %add3A_739 = arith.addi %mul3A_37, %add3A_738 : i32
      %get3A_740 = arith.index_cast %add3A_739 : i32 to index
      %get3A_741 = arith.constant 0 : index
      %get3A_742 = tpu.vector_load %arg7[%get3A_740, %get3A_741] {strides = array<i32>} : memref<256x256xf32, #tpu.memory_space<vmem>>, vector<16xf32>,
      %swap3A_743 = arith.index_cast %squeeze3A_607 : i32 to index
      %swap3A_744 = arith.constant 0 : index
      %swap3A_745 = tpu.vector_load %arg11[%swap3A_743, %swap3A_744] {strides = array<i32>} : memref<32x128xf32, #tpu.memory_space<vmem>>, vector<16xf32>,
      tpu.vector_store %arg11[%swap3A_743, %swap3A_744], %get3A_612 {add = true, strides = array<i32>} : memref<32x128xf32, #tpu.memory_space<vmem>>, vector<16xf32>,
      %add3A_746 = arith.constant 6 : i32
      %add3A_747 = arith.addi %mul3A_37, %add3A_746 : i32
      %get3A_748 = arith.index_cast %add3A_747 : i32 to index
      %get3A_749 = arith.constant 16 : index
      %get3A_750 = tpu.vector_load %arg7[%get3A_748, %get3A_749] {strides = array<i32>} : memref<256x256xf32, #tpu.memory_space<vmem>>, vector<16xf32>,
      %swap3A_751 = arith.index_cast %squeeze3A_607 : i32 to index
      %swap3A_752 = arith.constant 0 : index
      %swap3A_753 = tpu.vector_load %arg12[%swap3A_751, %swap3A_752] {strides = array<i32>} : memref<32x128xf32, #tpu.memory_space<vmem>>, vector<16xf32>,
      tpu.vector_store %arg12[%swap3A_751, %swap3A_752], %get3A_676 {add = true, strides = array<i32>} : memref<32x128xf32, #tpu.memory_space<vmem>>, vector<16xf32>,
      %add3A_754 = arith.constant 6 : i32
      %add3A_755 = arith.addi %mul3A_37, %add3A_754 : i32
      %get3A_756 = arith.index_cast %add3A_755 : i32 to index
      %get3A_757 = arith.constant 32 : index
      %get3A_758 = tpu.vector_load %arg7[%get3A_756, %get3A_757] {strides = array<i32>} : memref<256x256xf32, #tpu.memory_space<vmem>>, vector<16xf32>,
      %swap3A_759 = arith.index_cast %squeeze3A_607 : i32 to index
      %swap3A_760 = arith.constant 16 : index
      %swap3A_761 = tpu.vector_load %arg11[%swap3A_759, %swap3A_760] {strides = array<i32>} : memref<32x128xf32, #tpu.memory_space<vmem>>, vector<16xf32>,
      tpu.vector_store %arg11[%swap3A_759, %swap3A_760], %get3A_620 {add = true, strides = array<i32>} : memref<32x128xf32, #tpu.memory_space<vmem>>, vector<16xf32>,
      %add3A_762 = arith.constant 6 : i32
      %add3A_763 = arith.addi %mul3A_37, %add3A_762 : i32
      %get3A_764 = arith.index_cast %add3A_763 : i32 to index
      %get3A_765 = arith.constant 48 : index
      %get3A_766 = tpu.vector_load %arg7[%get3A_764, %get3A_765] {strides = array<i32>} : memref<256x256xf32, #tpu.memory_space<vmem>>, vector<16xf32>,
      %swap3A_767 = arith.index_cast %squeeze3A_607 : i32 to index
      %swap3A_768 = arith.constant 16 : index
      %swap3A_769 = tpu.vector_load %arg12[%swap3A_767, %swap3A_768] {strides = array<i32>} : memref<32x128xf32, #tpu.memory_space<vmem>>, vector<16xf32>,
      tpu.vector_store %arg12[%swap3A_767, %swap3A_768], %get3A_684 {add = true, strides = array<i32>} : memref<32x128xf32, #tpu.memory_space<vmem>>, vector<16xf32>,
      %add3A_770 = arith.constant 6 : i32
      %add3A_771 = arith.addi %mul3A_37, %add3A_770 : i32
      %get3A_772 = arith.index_cast %add3A_771 : i32 to index
      %get3A_773 = arith.constant 64 : index
      %get3A_774 = tpu.vector_load %arg7[%get3A_772, %get3A_773] {strides = array<i32>} : memref<256x256xf32, #tpu.memory_space<vmem>>, vector<16xf32>,
      %swap3A_775 = arith.index_cast %squeeze3A_607 : i32 to index
      %swap3A_776 = arith.constant 32 : index
      %swap3A_777 = tpu.vector_load %arg11[%swap3A_775, %swap3A_776] {strides = array<i32>} : memref<32x128xf32, #tpu.memory_space<vmem>>, vector<16xf32>,
      tpu.vector_store %arg11[%swap3A_775, %swap3A_776], %get3A_628 {add = true, strides = array<i32>} : memref<32x128xf32, #tpu.memory_space<vmem>>, vector<16xf32>,
      %add3A_778 = arith.constant 6 : i32
      %add3A_779 = arith.addi %mul3A_37, %add3A_778 : i32
      %get3A_780 = arith.index_cast %add3A_779 : i32 to index
      %get3A_781 = arith.constant 80 : index
      %get3A_782 = tpu.vector_load %arg7[%get3A_780, %get3A_781] {strides = array<i32>} : memref<256x256xf32, #tpu.memory_space<vmem>>, vector<16xf32>,
      %swap3A_783 = arith.index_cast %squeeze3A_607 : i32 to index
      %swap3A_784 = arith.constant 32 : index
      %swap3A_785 = tpu.vector_load %arg12[%swap3A_783, %swap3A_784] {strides = array<i32>} : memref<32x128xf32, #tpu.memory_space<vmem>>, vector<16xf32>,
      tpu.vector_store %arg12[%swap3A_783, %swap3A_784], %get3A_692 {add = true, strides = array<i32>} : memref<32x128xf32, #tpu.memory_space<vmem>>, vector<16xf32>,
      %add3A_786 = arith.constant 6 : i32
      %add3A_787 = arith.addi %mul3A_37, %add3A_786 : i32
      %get3A_788 = arith.index_cast %add3A_787 : i32 to index
      %get3A_789 = arith.constant 96 : index
      %get3A_790 = tpu.vector_load %arg7[%get3A_788, %get3A_789] {strides = array<i32>} : memref<256x256xf32, #tpu.memory_space<vmem>>, vector<16xf32>,
      %swap3A_791 = arith.index_cast %squeeze3A_607 : i32 to index
      %swap3A_792 = arith.constant 48 : index
      %swap3A_793 = tpu.vector_load %arg11[%swap3A_791, %swap3A_792] {strides = array<i32>} : memref<32x128xf32, #tpu.memory_space<vmem>>, vector<16xf32>,
      tpu.vector_store %arg11[%swap3A_791, %swap3A_792], %get3A_636 {add = true, strides = array<i32>} : memref<32x128xf32, #tpu.memory_space<vmem>>, vector<16xf32>,
      %add3A_794 = arith.constant 6 : i32
      %add3A_795 = arith.addi %mul3A_37, %add3A_794 : i32
      %get3A_796 = arith.index_cast %add3A_795 : i32 to index
      %get3A_797 = arith.constant 112 : index
      %get3A_798 = tpu.vector_load %arg7[%get3A_796, %get3A_797] {strides = array<i32>} : memref<256x256xf32, #tpu.memory_space<vmem>>, vector<16xf32>,
      %swap3A_799 = arith.index_cast %squeeze3A_607 : i32 to index
      %swap3A_800 = arith.constant 48 : index
      %swap3A_801 = tpu.vector_load %arg12[%swap3A_799, %swap3A_800] {strides = array<i32>} : memref<32x128xf32, #tpu.memory_space<vmem>>, vector<16xf32>,
      tpu.vector_store %arg12[%swap3A_799, %swap3A_800], %get3A_700 {add = true, strides = array<i32>} : memref<32x128xf32, #tpu.memory_space<vmem>>, vector<16xf32>,
      %add3A_802 = arith.constant 6 : i32
      %add3A_803 = arith.addi %mul3A_37, %add3A_802 : i32
      %get3A_804 = arith.index_cast %add3A_803 : i32 to index
      %get3A_805 = arith.constant 128 : index
      %get3A_806 = tpu.vector_load %arg7[%get3A_804, %get3A_805] {strides = array<i32>} : memref<256x256xf32, #tpu.memory_space<vmem>>, vector<16xf32>,
      %swap3A_807 = arith.index_cast %squeeze3A_607 : i32 to index
      %swap3A_808 = arith.constant 64 : index
      %swap3A_809 = tpu.vector_load %arg11[%swap3A_807, %swap3A_808] {strides = array<i32>} : memref<32x128xf32, #tpu.memory_space<vmem>>, vector<16xf32>,
      tpu.vector_store %arg11[%swap3A_807, %swap3A_808], %get3A_644 {add = true, strides = array<i32>} : memref<32x128xf32, #tpu.memory_space<vmem>>, vector<16xf32>,
      %add3A_810 = arith.constant 6 : i32
      %add3A_811 = arith.addi %mul3A_37, %add3A_810 : i32
      %get3A_812 = arith.index_cast %add3A_811 : i32 to index
      %get3A_813 = arith.constant 144 : index
      %get3A_814 = tpu.vector_load %arg7[%get3A_812, %get3A_813] {strides = array<i32>} : memref<256x256xf32, #tpu.memory_space<vmem>>, vector<16xf32>,
      %swap3A_815 = arith.index_cast %squeeze3A_607 : i32 to index
      %swap3A_816 = arith.constant 64 : index
      %swap3A_817 = tpu.vector_load %arg12[%swap3A_815, %swap3A_816] {strides = array<i32>} : memref<32x128xf32, #tpu.memory_space<vmem>>, vector<16xf32>,
      tpu.vector_store %arg12[%swap3A_815, %swap3A_816], %get3A_708 {add = true, strides = array<i32>} : memref<32x128xf32, #tpu.memory_space<vmem>>, vector<16xf32>,
      %add3A_818 = arith.constant 6 : i32
      %add3A_819 = arith.addi %mul3A_37, %add3A_818 : i32
      %get3A_820 = arith.index_cast %add3A_819 : i32 to index
      %get3A_821 = arith.constant 160 : index
      %get3A_822 = tpu.vector_load %arg7[%get3A_820, %get3A_821] {strides = array<i32>} : memref<256x256xf32, #tpu.memory_space<vmem>>, vector<16xf32>,
      %swap3A_823 = arith.index_cast %squeeze3A_607 : i32 to index
      %swap3A_824 = arith.constant 80 : index
      %swap3A_825 = tpu.vector_load %arg11[%swap3A_823, %swap3A_824] {strides = array<i32>} : memref<32x128xf32, #tpu.memory_space<vmem>>, vector<16xf32>,
      tpu.vector_store %arg11[%swap3A_823, %swap3A_824], %get3A_652 {add = true, strides = array<i32>} : memref<32x128xf32, #tpu.memory_space<vmem>>, vector<16xf32>,
      %add3A_826 = arith.constant 6 : i32
      %add3A_827 = arith.addi %mul3A_37, %add3A_826 : i32
      %get3A_828 = arith.index_cast %add3A_827 : i32 to index
      %get3A_829 = arith.constant 176 : index
      %get3A_830 = tpu.vector_load %arg7[%get3A_828, %get3A_829] {strides = array<i32>} : memref<256x256xf32, #tpu.memory_space<vmem>>, vector<16xf32>,
      %swap3A_831 = arith.index_cast %squeeze3A_607 : i32 to index
      %swap3A_832 = arith.constant 80 : index
      %swap3A_833 = tpu.vector_load %arg12[%swap3A_831, %swap3A_832] {strides = array<i32>} : memref<32x128xf32, #tpu.memory_space<vmem>>, vector<16xf32>,
      tpu.vector_store %arg12[%swap3A_831, %swap3A_832], %get3A_716 {add = true, strides = array<i32>} : memref<32x128xf32, #tpu.memory_space<vmem>>, vector<16xf32>,
      %add3A_834 = arith.constant 6 : i32
      %add3A_835 = arith.addi %mul3A_37, %add3A_834 : i32
      %get3A_836 = arith.index_cast %add3A_835 : i32 to index
      %get3A_837 = arith.constant 192 : index
      %get3A_838 = tpu.vector_load %arg7[%get3A_836, %get3A_837] {strides = array<i32>} : memref<256x256xf32, #tpu.memory_space<vmem>>, vector<16xf32>,
      %swap3A_839 = arith.index_cast %squeeze3A_607 : i32 to index
      %swap3A_840 = arith.constant 96 : index
      %swap3A_841 = tpu.vector_load %arg11[%swap3A_839, %swap3A_840] {strides = array<i32>} : memref<32x128xf32, #tpu.memory_space<vmem>>, vector<16xf32>,
      tpu.vector_store %arg11[%swap3A_839, %swap3A_840], %get3A_660 {add = true, strides = array<i32>} : memref<32x128xf32, #tpu.memory_space<vmem>>, vector<16xf32>,
      %add3A_842 = arith.constant 6 : i32
      %add3A_843 = arith.addi %mul3A_37, %add3A_842 : i32
      %get3A_844 = arith.index_cast %add3A_843 : i32 to index
      %get3A_845 = arith.constant 208 : index
      %get3A_846 = tpu.vector_load %arg7[%get3A_844, %get3A_845] {strides = array<i32>} : memref<256x256xf32, #tpu.memory_space<vmem>>, vector<16xf32>,
      %swap3A_847 = arith.index_cast %squeeze3A_607 : i32 to index
      %swap3A_848 = arith.constant 96 : index
      %swap3A_849 = tpu.vector_load %arg12[%swap3A_847, %swap3A_848] {strides = array<i32>} : memref<32x128xf32, #tpu.memory_space<vmem>>, vector<16xf32>,
      tpu.vector_store %arg12[%swap3A_847, %swap3A_848], %get3A_724 {add = true, strides = array<i32>} : memref<32x128xf32, #tpu.memory_space<vmem>>, vector<16xf32>,
      %add3A_850 = arith.constant 6 : i32
      %add3A_851 = arith.addi %mul3A_37, %add3A_850 : i32
      %get3A_852 = arith.index_cast %add3A_851 : i32 to index
      %get3A_853 = arith.constant 224 : index
      %get3A_854 = tpu.vector_load %arg7[%get3A_852, %get3A_853] {strides = array<i32>} : memref<256x256xf32, #tpu.memory_space<vmem>>, vector<16xf32>,
      %swap3A_855 = arith.index_cast %squeeze3A_607 : i32 to index
      %swap3A_856 = arith.constant 112 : index
      %swap3A_857 = tpu.vector_load %arg11[%swap3A_855, %swap3A_856] {strides = array<i32>} : memref<32x128xf32, #tpu.memory_space<vmem>>, vector<16xf32>,
      tpu.vector_store %arg11[%swap3A_855, %swap3A_856], %get3A_668 {add = true, strides = array<i32>} : memref<32x128xf32, #tpu.memory_space<vmem>>, vector<16xf32>,
      %add3A_858 = arith.constant 6 : i32
      %add3A_859 = arith.addi %mul3A_37, %add3A_858 : i32
      %get3A_860 = arith.index_cast %add3A_859 : i32 to index
      %get3A_861 = arith.constant 240 : index
      %get3A_862 = tpu.vector_load %arg7[%get3A_860, %get3A_861] {strides = array<i32>} : memref<256x256xf32, #tpu.memory_space<vmem>>, vector<16xf32>,
      %swap3A_863 = arith.index_cast %squeeze3A_607 : i32 to index
      %swap3A_864 = arith.constant 112 : index
      %swap3A_865 = tpu.vector_load %arg12[%swap3A_863, %swap3A_864] {strides = array<i32>} : memref<32x128xf32, #tpu.memory_space<vmem>>, vector<16xf32>,
      tpu.vector_store %arg12[%swap3A_863, %swap3A_864], %get3A_732 {add = true, strides = array<i32>} : memref<32x128xf32, #tpu.memory_space<vmem>>, vector<16xf32>,
      %slice3A_866 = vector.extract_strided_slice %get3A_35 {offsets = [7], sizes = [1], strides = [1]} : vector<16xi32> to vector<1xi32>
      %squeeze3A_867 = vector.extract %slice3A_866[0] : i32 from vector<1xi32>
      %add3A_868 = arith.constant 7 : i32
      %add3A_869 = arith.addi %mul3A_37, %add3A_868 : i32
      %get3A_870 = arith.index_cast %add3A_869 : i32 to index
      %get3A_871 = arith.constant 0 : index
      %get3A_872 = tpu.vector_load %arg7[%get3A_870, %get3A_871] {strides = array<i32>} : memref<256x256xf32, #tpu.memory_space<vmem>>, vector<16xf32>,
      %swap3A_873 = arith.index_cast %squeeze3A_737 : i32 to index
      %swap3A_874 = arith.constant 0 : index
      %swap3A_875 = tpu.vector_load %arg11[%swap3A_873, %swap3A_874] {strides = array<i32>} : memref<32x128xf32, #tpu.memory_space<vmem>>, vector<16xf32>,
      tpu.vector_store %arg11[%swap3A_873, %swap3A_874], %get3A_742 {add = true, strides = array<i32>} : memref<32x128xf32, #tpu.memory_space<vmem>>, vector<16xf32>,
      %add3A_876 = arith.constant 7 : i32
      %add3A_877 = arith.addi %mul3A_37, %add3A_876 : i32
      %get3A_878 = arith.index_cast %add3A_877 : i32 to index
      %get3A_879 = arith.constant 16 : index
      %get3A_880 = tpu.vector_load %arg7[%get3A_878, %get3A_879] {strides = array<i32>} : memref<256x256xf32, #tpu.memory_space<vmem>>, vector<16xf32>,
      %swap3A_881 = arith.index_cast %squeeze3A_737 : i32 to index
      %swap3A_882 = arith.constant 0 : index
      %swap3A_883 = tpu.vector_load %arg12[%swap3A_881, %swap3A_882] {strides = array<i32>} : memref<32x128xf32, #tpu.memory_space<vmem>>, vector<16xf32>,
      tpu.vector_store %arg12[%swap3A_881, %swap3A_882], %get3A_806 {add = true, strides = array<i32>} : memref<32x128xf32, #tpu.memory_space<vmem>>, vector<16xf32>,
      %add3A_884 = arith.constant 7 : i32
      %add3A_885 = arith.addi %mul3A_37, %add3A_884 : i32
      %get3A_886 = arith.index_cast %add3A_885 : i32 to index
      %get3A_887 = arith.constant 32 : index
      %get3A_888 = tpu.vector_load %arg7[%get3A_886, %get3A_887] {strides = array<i32>} : memref<256x256xf32, #tpu.memory_space<vmem>>, vector<16xf32>,
      %swap3A_889 = arith.index_cast %squeeze3A_737 : i32 to index
      %swap3A_890 = arith.constant 16 : index
      %swap3A_891 = tpu.vector_load %arg11[%swap3A_889, %swap3A_890] {strides = array<i32>} : memref<32x128xf32, #tpu.memory_space<vmem>>, vector<16xf32>,
      tpu.vector_store %arg11[%swap3A_889, %swap3A_890], %get3A_750 {add = true, strides = array<i32>} : memref<32x128xf32, #tpu.memory_space<vmem>>, vector<16xf32>,
      %add3A_892 = arith.constant 7 : i32
      %add3A_893 = arith.addi %mul3A_37, %add3A_892 : i32
      %get3A_894 = arith.index_cast %add3A_893 : i32 to index
      %get3A_895 = arith.constant 48 : index
      %get3A_896 = tpu.vector_load %arg7[%get3A_894, %get3A_895] {strides = array<i32>} : memref<256x256xf32, #tpu.memory_space<vmem>>, vector<16xf32>,
      %swap3A_897 = arith.index_cast %squeeze3A_737 : i32 to index
      %swap3A_898 = arith.constant 16 : index
      %swap3A_899 = tpu.vector_load %arg12[%swap3A_897, %swap3A_898] {strides = array<i32>} : memref<32x128xf32, #tpu.memory_space<vmem>>, vector<16xf32>,
      tpu.vector_store %arg12[%swap3A_897, %swap3A_898], %get3A_814 {add = true, strides = array<i32>} : memref<32x128xf32, #tpu.memory_space<vmem>>, vector<16xf32>,
      %add3A_900 = arith.constant 7 : i32
      %add3A_901 = arith.addi %mul3A_37, %add3A_900 : i32
      %get3A_902 = arith.index_cast %add3A_901 : i32 to index
      %get3A_903 = arith.constant 64 : index
      %get3A_904 = tpu.vector_load %arg7[%get3A_902, %get3A_903] {strides = array<i32>} : memref<256x256xf32, #tpu.memory_space<vmem>>, vector<16xf32>,
      %swap3A_905 = arith.index_cast %squeeze3A_737 : i32 to index
      %swap3A_906 = arith.constant 32 : index
      %swap3A_907 = tpu.vector_load %arg11[%swap3A_905, %swap3A_906] {strides = array<i32>} : memref<32x128xf32, #tpu.memory_space<vmem>>, vector<16xf32>,
      tpu.vector_store %arg11[%swap3A_905, %swap3A_906], %get3A_758 {add = true, strides = array<i32>} : memref<32x128xf32, #tpu.memory_space<vmem>>, vector<16xf32>,
      %add3A_908 = arith.constant 7 : i32
      %add3A_909 = arith.addi %mul3A_37, %add3A_908 : i32
      %get3A_910 = arith.index_cast %add3A_909 : i32 to index
      %get3A_911 = arith.constant 80 : index
      %get3A_912 = tpu.vector_load %arg7[%get3A_910, %get3A_911] {strides = array<i32>} : memref<256x256xf32, #tpu.memory_space<vmem>>, vector<16xf32>,
      %swap3A_913 = arith.index_cast %squeeze3A_737 : i32 to index
      %swap3A_914 = arith.constant 32 : index
      %swap3A_915 = tpu.vector_load %arg12[%swap3A_913, %swap3A_914] {strides = array<i32>} : memref<32x128xf32, #tpu.memory_space<vmem>>, vector<16xf32>,
      tpu.vector_store %arg12[%swap3A_913, %swap3A_914], %get3A_822 {add = true, strides = array<i32>} : memref<32x128xf32, #tpu.memory_space<vmem>>, vector<16xf32>,
      %add3A_916 = arith.constant 7 : i32
      %add3A_917 = arith.addi %mul3A_37, %add3A_916 : i32
      %get3A_918 = arith.index_cast %add3A_917 : i32 to index
      %get3A_919 = arith.constant 96 : index
      %get3A_920 = tpu.vector_load %arg7[%get3A_918, %get3A_919] {strides = array<i32>} : memref<256x256xf32, #tpu.memory_space<vmem>>, vector<16xf32>,
      %swap3A_921 = arith.index_cast %squeeze3A_737 : i32 to index
      %swap3A_922 = arith.constant 48 : index
      %swap3A_923 = tpu.vector_load %arg11[%swap3A_921, %swap3A_922] {strides = array<i32>} : memref<32x128xf32, #tpu.memory_space<vmem>>, vector<16xf32>,
      tpu.vector_store %arg11[%swap3A_921, %swap3A_922], %get3A_766 {add = true, strides = array<i32>} : memref<32x128xf32, #tpu.memory_space<vmem>>, vector<16xf32>,
      %add3A_924 = arith.constant 7 : i32
      %add3A_925 = arith.addi %mul3A_37, %add3A_924 : i32
      %get3A_926 = arith.index_cast %add3A_925 : i32 to index
      %get3A_927 = arith.constant 112 : index
      %get3A_928 = tpu.vector_load %arg7[%get3A_926, %get3A_927] {strides = array<i32>} : memref<256x256xf32, #tpu.memory_space<vmem>>, vector<16xf32>,
      %swap3A_929 = arith.index_cast %squeeze3A_737 : i32 to index
      %swap3A_930 = arith.constant 48 : index
      %swap3A_931 = tpu.vector_load %arg12[%swap3A_929, %swap3A_930] {strides = array<i32>} : memref<32x128xf32, #tpu.memory_space<vmem>>, vector<16xf32>,
      tpu.vector_store %arg12[%swap3A_929, %swap3A_930], %get3A_830 {add = true, strides = array<i32>} : memref<32x128xf32, #tpu.memory_space<vmem>>, vector<16xf32>,
      %add3A_932 = arith.constant 7 : i32
      %add3A_933 = arith.addi %mul3A_37, %add3A_932 : i32
      %get3A_934 = arith.index_cast %add3A_933 : i32 to index
      %get3A_935 = arith.constant 128 : index
      %get3A_936 = tpu.vector_load %arg7[%get3A_934, %get3A_935] {strides = array<i32>} : memref<256x256xf32, #tpu.memory_space<vmem>>, vector<16xf32>,
      %swap3A_937 = arith.index_cast %squeeze3A_737 : i32 to index
      %swap3A_938 = arith.constant 64 : index
      %swap3A_939 = tpu.vector_load %arg11[%swap3A_937, %swap3A_938] {strides = array<i32>} : memref<32x128xf32, #tpu.memory_space<vmem>>, vector<16xf32>,
      tpu.vector_store %arg11[%swap3A_937, %swap3A_938], %get3A_774 {add = true, strides = array<i32>} : memref<32x128xf32, #tpu.memory_space<vmem>>, vector<16xf32>,
      %add3A_940 = arith.constant 7 : i32
      %add3A_941 = arith.addi %mul3A_37, %add3A_940 : i32
      %get3A_942 = arith.index_cast %add3A_941 : i32 to index
      %get3A_943 = arith.constant 144 : index
      %get3A_944 = tpu.vector_load %arg7[%get3A_942, %get3A_943] {strides = array<i32>} : memref<256x256xf32, #tpu.memory_space<vmem>>, vector<16xf32>,
      %swap3A_945 = arith.index_cast %squeeze3A_737 : i32 to index
      %swap3A_946 = arith.constant 64 : index
      %swap3A_947 = tpu.vector_load %arg12[%swap3A_945, %swap3A_946] {strides = array<i32>} : memref<32x128xf32, #tpu.memory_space<vmem>>, vector<16xf32>,
      tpu.vector_store %arg12[%swap3A_945, %swap3A_946], %get3A_838 {add = true, strides = array<i32>} : memref<32x128xf32, #tpu.memory_space<vmem>>, vector<16xf32>,
      %add3A_948 = arith.constant 7 : i32
      %add3A_949 = arith.addi %mul3A_37, %add3A_948 : i32
      %get3A_950 = arith.index_cast %add3A_949 : i32 to index
      %get3A_951 = arith.constant 160 : index
      %get3A_952 = tpu.vector_load %arg7[%get3A_950, %get3A_951] {strides = array<i32>} : memref<256x256xf32, #tpu.memory_space<vmem>>, vector<16xf32>,
      %swap3A_953 = arith.index_cast %squeeze3A_737 : i32 to index
      %swap3A_954 = arith.constant 80 : index
      %swap3A_955 = tpu.vector_load %arg11[%swap3A_953, %swap3A_954] {strides = array<i32>} : memref<32x128xf32, #tpu.memory_space<vmem>>, vector<16xf32>,
      tpu.vector_store %arg11[%swap3A_953, %swap3A_954], %get3A_782 {add = true, strides = array<i32>} : memref<32x128xf32, #tpu.memory_space<vmem>>, vector<16xf32>,
      %add3A_956 = arith.constant 7 : i32
      %add3A_957 = arith.addi %mul3A_37, %add3A_956 : i32
      %get3A_958 = arith.index_cast %add3A_957 : i32 to index
      %get3A_959 = arith.constant 176 : index
      %get3A_960 = tpu.vector_load %arg7[%get3A_958, %get3A_959] {strides = array<i32>} : memref<256x256xf32, #tpu.memory_space<vmem>>, vector<16xf32>,
      %swap3A_961 = arith.index_cast %squeeze3A_737 : i32 to index
      %swap3A_962 = arith.constant 80 : index
      %swap3A_963 = tpu.vector_load %arg12[%swap3A_961, %swap3A_962] {strides = array<i32>} : memref<32x128xf32, #tpu.memory_space<vmem>>, vector<16xf32>,
      tpu.vector_store %arg12[%swap3A_961, %swap3A_962], %get3A_846 {add = true, strides = array<i32>} : memref<32x128xf32, #tpu.memory_space<vmem>>, vector<16xf32>,
      %add3A_964 = arith.constant 7 : i32
      %add3A_965 = arith.addi %mul3A_37, %add3A_964 : i32
      %get3A_966 = arith.index_cast %add3A_965 : i32 to index
      %get3A_967 = arith.constant 192 : index
      %get3A_968 = tpu.vector_load %arg7[%get3A_966, %get3A_967] {strides = array<i32>} : memref<256x256xf32, #tpu.memory_space<vmem>>, vector<16xf32>,
      %swap3A_969 = arith.index_cast %squeeze3A_737 : i32 to index
      %swap3A_970 = arith.constant 96 : index
      %swap3A_971 = tpu.vector_load %arg11[%swap3A_969, %swap3A_970] {strides = array<i32>} : memref<32x128xf32, #tpu.memory_space<vmem>>, vector<16xf32>,
      tpu.vector_store %arg11[%swap3A_969, %swap3A_970], %get3A_790 {add = true, strides = array<i32>} : memref<32x128xf32, #tpu.memory_space<vmem>>, vector<16xf32>,
      %add3A_972 = arith.constant 7 : i32
      %add3A_973 = arith.addi %mul3A_37, %add3A_972 : i32
      %get3A_974 = arith.index_cast %add3A_973 : i32 to index
      %get3A_975 = arith.constant 208 : index
      %get3A_976 = tpu.vector_load %arg7[%get3A_974, %get3A_975] {strides = array<i32>} : memref<256x256xf32, #tpu.memory_space<vmem>>, vector<16xf32>,
      %swap3A_977 = arith.index_cast %squeeze3A_737 : i32 to index
      %swap3A_978 = arith.constant 96 : index
      %swap3A_979 = tpu.vector_load %arg12[%swap3A_977, %swap3A_978] {strides = array<i32>} : memref<32x128xf32, #tpu.memory_space<vmem>>, vector<16xf32>,
      tpu.vector_store %arg12[%swap3A_977, %swap3A_978], %get3A_854 {add = true, strides = array<i32>} : memref<32x128xf32, #tpu.memory_space<vmem>>, vector<16xf32>,
      %add3A_980 = arith.constant 7 : i32
      %add3A_981 = arith.addi %mul3A_37, %add3A_980 : i32
      %get3A_982 = arith.index_cast %add3A_981 : i32 to index
      %get3A_983 = arith.constant 224 : index
      %get3A_984 = tpu.vector_load %arg7[%get3A_982, %get3A_983] {strides = array<i32>} : memref<256x256xf32, #tpu.memory_space<vmem>>, vector<16xf32>,
      %swap3A_985 = arith.index_cast %squeeze3A_737 : i32 to index
      %swap3A_986 = arith.constant 112 : index
      %swap3A_987 = tpu.vector_load %arg11[%swap3A_985, %swap3A_986] {strides = array<i32>} : memref<32x128xf32, #tpu.memory_space<vmem>>, vector<16xf32>,
      tpu.vector_store %arg11[%swap3A_985, %swap3A_986], %get3A_798 {add = true, strides = array<i32>} : memref<32x128xf32, #tpu.memory_space<vmem>>, vector<16xf32>,
      %add3A_988 = arith.constant 7 : i32
      %add3A_989 = arith.addi %mul3A_37, %add3A_988 : i32
      %get3A_990 = arith.index_cast %add3A_989 : i32 to index
      %get3A_991 = arith.constant 240 : index
      %get3A_992 = tpu.vector_load %arg7[%get3A_990, %get3A_991] {strides = array<i32>} : memref<256x256xf32, #tpu.memory_space<vmem>>, vector<16xf32>,
      %swap3A_993 = arith.index_cast %squeeze3A_737 : i32 to index
      %swap3A_994 = arith.constant 112 : index
      %swap3A_995 = tpu.vector_load %arg12[%swap3A_993, %swap3A_994] {strides = array<i32>} : memref<32x128xf32, #tpu.memory_space<vmem>>, vector<16xf32>,
      tpu.vector_store %arg12[%swap3A_993, %swap3A_994], %get3A_862 {add = true, strides = array<i32>} : memref<32x128xf32, #tpu.memory_space<vmem>>, vector<16xf32>,
      %slice3A_996 = vector.extract_strided_slice %get3A_35 {offsets = [8], sizes = [1], strides = [1]} : vector<16xi32> to vector<1xi32>
      %squeeze3A_997 = vector.extract %slice3A_996[0] : i32 from vector<1xi32>
      %add3A_998 = arith.constant 8 : i32
      %add3A_999 = arith.addi %mul3A_37, %add3A_998 : i32
      %get3A_1000 = arith.index_cast %add3A_999 : i32 to index
      %get3A_1001 = arith.constant 0 : index
      %get3A_1002 = tpu.vector_load %arg7[%get3A_1000, %get3A_1001] {strides = array<i32>} : memref<256x256xf32, #tpu.memory_space<vmem>>, vector<16xf32>,
      %swap3A_1003 = arith.index_cast %squeeze3A_867 : i32 to index
      %swap3A_1004 = arith.constant 0 : index
      %swap3A_1005 = tpu.vector_load %arg11[%swap3A_1003, %swap3A_1004] {strides = array<i32>} : memref<32x128xf32, #tpu.memory_space<vmem>>, vector<16xf32>,
      tpu.vector_store %arg11[%swap3A_1003, %swap3A_1004], %get3A_872 {add = true, strides = array<i32>} : memref<32x128xf32, #tpu.memory_space<vmem>>, vector<16xf32>,
      %add3A_1006 = arith.constant 8 : i32
      %add3A_1007 = arith.addi %mul3A_37, %add3A_1006 : i32
      %get3A_1008 = arith.index_cast %add3A_1007 : i32 to index
      %get3A_1009 = arith.constant 16 : index
      %get3A_1010 = tpu.vector_load %arg7[%get3A_1008, %get3A_1009] {strides = array<i32>} : memref<256x256xf32, #tpu.memory_space<vmem>>, vector<16xf32>,
      %swap3A_1011 = arith.index_cast %squeeze3A_867 : i32 to index
      %swap3A_1012 = arith.constant 0 : index
      %swap3A_1013 = tpu.vector_load %arg12[%swap3A_1011, %swap3A_1012] {strides = array<i32>} : memref<32x128xf32, #tpu.memory_space<vmem>>, vector<16xf32>,
      tpu.vector_store %arg12[%swap3A_1011, %swap3A_1012], %get3A_936 {add = true, strides = array<i32>} : memref<32x128xf32, #tpu.memory_space<vmem>>, vector<16xf32>,
      %add3A_1014 = arith.constant 8 : i32
      %add3A_1015 = arith.addi %mul3A_37, %add3A_1014 : i32
      %get3A_1016 = arith.index_cast %add3A_1015 : i32 to index
      %get3A_1017 = arith.constant 32 : index
      %get3A_1018 = tpu.vector_load %arg7[%get3A_1016, %get3A_1017] {strides = array<i32>} : memref<256x256xf32, #tpu.memory_space<vmem>>, vector<16xf32>,
      %swap3A_1019 = arith.index_cast %squeeze3A_867 : i32 to index
      %swap3A_1020 = arith.constant 16 : index
      %swap3A_1021 = tpu.vector_load %arg11[%swap3A_1019, %swap3A_1020] {strides = array<i32>} : memref<32x128xf32, #tpu.memory_space<vmem>>, vector<16xf32>,
      tpu.vector_store %arg11[%swap3A_1019, %swap3A_1020], %get3A_880 {add = true, strides = array<i32>} : memref<32x128xf32, #tpu.memory_space<vmem>>, vector<16xf32>,
      %add3A_1022 = arith.constant 8 : i32
      %add3A_1023 = arith.addi %mul3A_37, %add3A_1022 : i32
      %get3A_1024 = arith.index_cast %add3A_1023 : i32 to index
      %get3A_1025 = arith.constant 48 : index
      %get3A_1026 = tpu.vector_load %arg7[%get3A_1024, %get3A_1025] {strides = array<i32>} : memref<256x256xf32, #tpu.memory_space<vmem>>, vector<16xf32>,
      %swap3A_1027 = arith.index_cast %squeeze3A_867 : i32 to index
      %swap3A_1028 = arith.constant 16 : index
      %swap3A_1029 = tpu.vector_load %arg12[%swap3A_1027, %swap3A_1028] {strides = array<i32>} : memref<32x128xf32, #tpu.memory_space<vmem>>, vector<16xf32>,
      tpu.vector_store %arg12[%swap3A_1027, %swap3A_1028], %get3A_944 {add = true, strides = array<i32>} : memref<32x128xf32, #tpu.memory_space<vmem>>, vector<16xf32>,
      %add3A_1030 = arith.constant 8 : i32
      %add3A_1031 = arith.addi %mul3A_37, %add3A_1030 : i32
      %get3A_1032 = arith.index_cast %add3A_1031 : i32 to index
      %get3A_1033 = arith.constant 64 : index
      %get3A_1034 = tpu.vector_load %arg7[%get3A_1032, %get3A_1033] {strides = array<i32>} : memref<256x256xf32, #tpu.memory_space<vmem>>, vector<16xf32>,
      %swap3A_1035 = arith.index_cast %squeeze3A_867 : i32 to index
      %swap3A_1036 = arith.constant 32 : index
      %swap3A_1037 = tpu.vector_load %arg11[%swap3A_1035, %swap3A_1036] {strides = array<i32>} : memref<32x128xf32, #tpu.memory_space<vmem>>, vector<16xf32>,
      tpu.vector_store %arg11[%swap3A_1035, %swap3A_1036], %get3A_888 {add = true, strides = array<i32>} : memref<32x128xf32, #tpu.memory_space<vmem>>, vector<16xf32>,
      %add3A_1038 = arith.constant 8 : i32
      %add3A_1039 = arith.addi %mul3A_37, %add3A_1038 : i32
      %get3A_1040 = arith.index_cast %add3A_1039 : i32 to index
      %get3A_1041 = arith.constant 80 : index
      %get3A_1042 = tpu.vector_load %arg7[%get3A_1040, %get3A_1041] {strides = array<i32>} : memref<256x256xf32, #tpu.memory_space<vmem>>, vector<16xf32>,
      %swap3A_1043 = arith.index_cast %squeeze3A_867 : i32 to index
      %swap3A_1044 = arith.constant 32 : index
      %swap3A_1045 = tpu.vector_load %arg12[%swap3A_1043, %swap3A_1044] {strides = array<i32>} : memref<32x128xf32, #tpu.memory_space<vmem>>, vector<16xf32>,
      tpu.vector_store %arg12[%swap3A_1043, %swap3A_1044], %get3A_952 {add = true, strides = array<i32>} : memref<32x128xf32, #tpu.memory_space<vmem>>, vector<16xf32>,
      %add3A_1046 = arith.constant 8 : i32
      %add3A_1047 = arith.addi %mul3A_37, %add3A_1046 : i32
      %get3A_1048 = arith.index_cast %add3A_1047 : i32 to index
      %get3A_1049 = arith.constant 96 : index
      %get3A_1050 = tpu.vector_load %arg7[%get3A_1048, %get3A_1049] {strides = array<i32>} : memref<256x256xf32, #tpu.memory_space<vmem>>, vector<16xf32>,
      %swap3A_1051 = arith.index_cast %squeeze3A_867 : i32 to index
      %swap3A_1052 = arith.constant 48 : index
      %swap3A_1053 = tpu.vector_load %arg11[%swap3A_1051, %swap3A_1052] {strides = array<i32>} : memref<32x128xf32, #tpu.memory_space<vmem>>, vector<16xf32>,
      tpu.vector_store %arg11[%swap3A_1051, %swap3A_1052], %get3A_896 {add = true, strides = array<i32>} : memref<32x128xf32, #tpu.memory_space<vmem>>, vector<16xf32>,
      %add3A_1054 = arith.constant 8 : i32
      %add3A_1055 = arith.addi %mul3A_37, %add3A_1054 : i32
      %get3A_1056 = arith.index_cast %add3A_1055 : i32 to index
      %get3A_1057 = arith.constant 112 : index
      %get3A_1058 = tpu.vector_load %arg7[%get3A_1056, %get3A_1057] {strides = array<i32>} : memref<256x256xf32, #tpu.memory_space<vmem>>, vector<16xf32>,
      %swap3A_1059 = arith.index_cast %squeeze3A_867 : i32 to index
      %swap3A_1060 = arith.constant 48 : index
      %swap3A_1061 = tpu.vector_load %arg12[%swap3A_1059, %swap3A_1060] {strides = array<i32>} : memref<32x128xf32, #tpu.memory_space<vmem>>, vector<16xf32>,
      tpu.vector_store %arg12[%swap3A_1059, %swap3A_1060], %get3A_960 {add = true, strides = array<i32>} : memref<32x128xf32, #tpu.memory_space<vmem>>, vector<16xf32>,
      %add3A_1062 = arith.constant 8 : i32
      %add3A_1063 = arith.addi %mul3A_37, %add3A_1062 : i32
      %get3A_1064 = arith.index_cast %add3A_1063 : i32 to index
      %get3A_1065 = arith.constant 128 : index
      %get3A_1066 = tpu.vector_load %arg7[%get3A_1064, %get3A_1065] {strides = array<i32>} : memref<256x256xf32, #tpu.memory_space<vmem>>, vector<16xf32>,
      %swap3A_1067 = arith.index_cast %squeeze3A_867 : i32 to index
      %swap3A_1068 = arith.constant 64 : index
      %swap3A_1069 = tpu.vector_load %arg11[%swap3A_1067, %swap3A_1068] {strides = array<i32>} : memref<32x128xf32, #tpu.memory_space<vmem>>, vector<16xf32>,
      tpu.vector_store %arg11[%swap3A_1067, %swap3A_1068], %get3A_904 {add = true, strides = array<i32>} : memref<32x128xf32, #tpu.memory_space<vmem>>, vector<16xf32>,
      %add3A_1070 = arith.constant 8 : i32
      %add3A_1071 = arith.addi %mul3A_37, %add3A_1070 : i32
      %get3A_1072 = arith.index_cast %add3A_1071 : i32 to index
      %get3A_1073 = arith.constant 144 : index
      %get3A_1074 = tpu.vector_load %arg7[%get3A_1072, %get3A_1073] {strides = array<i32>} : memref<256x256xf32, #tpu.memory_space<vmem>>, vector<16xf32>,
      %swap3A_1075 = arith.index_cast %squeeze3A_867 : i32 to index
      %swap3A_1076 = arith.constant 64 : index
      %swap3A_1077 = tpu.vector_load %arg12[%swap3A_1075, %swap3A_1076] {strides = array<i32>} : memref<32x128xf32, #tpu.memory_space<vmem>>, vector<16xf32>,
      tpu.vector_store %arg12[%swap3A_1075, %swap3A_1076], %get3A_968 {add = true, strides = array<i32>} : memref<32x128xf32, #tpu.memory_space<vmem>>, vector<16xf32>,
      %add3A_1078 = arith.constant 8 : i32
      %add3A_1079 = arith.addi %mul3A_37, %add3A_1078 : i32
      %get3A_1080 = arith.index_cast %add3A_1079 : i32 to index
      %get3A_1081 = arith.constant 160 : index
      %get3A_1082 = tpu.vector_load %arg7[%get3A_1080, %get3A_1081] {strides = array<i32>} : memref<256x256xf32, #tpu.memory_space<vmem>>, vector<16xf32>,
      %swap3A_1083 = arith.index_cast %squeeze3A_867 : i32 to index
      %swap3A_1084 = arith.constant 80 : index
      %swap3A_1085 = tpu.vector_load %arg11[%swap3A_1083, %swap3A_1084] {strides = array<i32>} : memref<32x128xf32, #tpu.memory_space<vmem>>, vector<16xf32>,
      tpu.vector_store %arg11[%swap3A_1083, %swap3A_1084], %get3A_912 {add = true, strides = array<i32>} : memref<32x128xf32, #tpu.memory_space<vmem>>, vector<16xf32>,
      %add3A_1086 = arith.constant 8 : i32
      %add3A_1087 = arith.addi %mul3A_37, %add3A_1086 : i32
      %get3A_1088 = arith.index_cast %add3A_1087 : i32 to index
      %get3A_1089 = arith.constant 176 : index
      %get3A_1090 = tpu.vector_load %arg7[%get3A_1088, %get3A_1089] {strides = array<i32>} : memref<256x256xf32, #tpu.memory_space<vmem>>, vector<16xf32>,
      %swap3A_1091 = arith.index_cast %squeeze3A_867 : i32 to index
      %swap3A_1092 = arith.constant 80 : index
      %swap3A_1093 = tpu.vector_load %arg12[%swap3A_1091, %swap3A_1092] {strides = array<i32>} : memref<32x128xf32, #tpu.memory_space<vmem>>, vector<16xf32>,
      tpu.vector_store %arg12[%swap3A_1091, %swap3A_1092], %get3A_976 {add = true, strides = array<i32>} : memref<32x128xf32, #tpu.memory_space<vmem>>, vector<16xf32>,
      %add3A_1094 = arith.constant 8 : i32
      %add3A_1095 = arith.addi %mul3A_37, %add3A_1094 : i32
      %get3A_1096 = arith.index_cast %add3A_1095 : i32 to index
      %get3A_1097 = arith.constant 192 : index
      %get3A_1098 = tpu.vector_load %arg7[%get3A_1096, %get3A_1097] {strides = array<i32>} : memref<256x256xf32, #tpu.memory_space<vmem>>, vector<16xf32>,
      %swap3A_1099 = arith.index_cast %squeeze3A_867 : i32 to index
      %swap3A_1100 = arith.constant 96 : index
      %swap3A_1101 = tpu.vector_load %arg11[%swap3A_1099, %swap3A_1100] {strides = array<i32>} : memref<32x128xf32, #tpu.memory_space<vmem>>, vector<16xf32>,
      tpu.vector_store %arg11[%swap3A_1099, %swap3A_1100], %get3A_920 {add = true, strides = array<i32>} : memref<32x128xf32, #tpu.memory_space<vmem>>, vector<16xf32>,
      %add3A_1102 = arith.constant 8 : i32
      %add3A_1103 = arith.addi %mul3A_37, %add3A_1102 : i32
      %get3A_1104 = arith.index_cast %add3A_1103 : i32 to index
      %get3A_1105 = arith.constant 208 : index
      %get3A_1106 = tpu.vector_load %arg7[%get3A_1104, %get3A_1105] {strides = array<i32>} : memref<256x256xf32, #tpu.memory_space<vmem>>, vector<16xf32>,
      %swap3A_1107 = arith.index_cast %squeeze3A_867 : i32 to index
      %swap3A_1108 = arith.constant 96 : index
      %swap3A_1109 = tpu.vector_load %arg12[%swap3A_1107, %swap3A_1108] {strides = array<i32>} : memref<32x128xf32, #tpu.memory_space<vmem>>, vector<16xf32>,
      tpu.vector_store %arg12[%swap3A_1107, %swap3A_1108], %get3A_984 {add = true, strides = array<i32>} : memref<32x128xf32, #tpu.memory_space<vmem>>, vector<16xf32>,
      %add3A_1110 = arith.constant 8 : i32
      %add3A_1111 = arith.addi %mul3A_37, %add3A_1110 : i32
      %get3A_1112 = arith.index_cast %add3A_1111 : i32 to index
      %get3A_1113 = arith.constant 224 : index
      %get3A_1114 = tpu.vector_load %arg7[%get3A_1112, %get3A_1113] {strides = array<i32>} : memref<256x256xf32, #tpu.memory_space<vmem>>, vector<16xf32>,
      %swap3A_1115 = arith.index_cast %squeeze3A_867 : i32 to index
      %swap3A_1116 = arith.constant 112 : index
      %swap3A_1117 = tpu.vector_load %arg11[%swap3A_1115, %swap3A_1116] {strides = array<i32>} : memref<32x128xf32, #tpu.memory_space<vmem>>, vector<16xf32>,
      tpu.vector_store %arg11[%swap3A_1115, %swap3A_1116], %get3A_928 {add = true, strides = array<i32>} : memref<32x128xf32, #tpu.memory_space<vmem>>, vector<16xf32>,
      %add3A_1118 = arith.constant 8 : i32
      %add3A_1119 = arith.addi %mul3A_37, %add3A_1118 : i32
      %get3A_1120 = arith.index_cast %add3A_1119 : i32 to index
      %get3A_1121 = arith.constant 240 : index
      %get3A_1122 = tpu.vector_load %arg7[%get3A_1120, %get3A_1121] {strides = array<i32>} : memref<256x256xf32, #tpu.memory_space<vmem>>, vector<16xf32>,
      %swap3A_1123 = arith.index_cast %squeeze3A_867 : i32 to index
      %swap3A_1124 = arith.constant 112 : index
      %swap3A_1125 = tpu.vector_load %arg12[%swap3A_1123, %swap3A_1124] {strides = array<i32>} : memref<32x128xf32, #tpu.memory_space<vmem>>, vector<16xf32>,
      tpu.vector_store %arg12[%swap3A_1123, %swap3A_1124], %get3A_992 {add = true, strides = array<i32>} : memref<32x128xf32, #tpu.memory_space<vmem>>, vector<16xf32>,
      %slice3A_1126 = vector.extract_strided_slice %get3A_35 {offsets = [9], sizes = [1], strides = [1]} : vector<16xi32> to vector<1xi32>
      %squeeze3A_1127 = vector.extract %slice3A_1126[0] : i32 from vector<1xi32>
      %add3A_1128 = arith.constant 9 : i32
      %add3A_1129 = arith.addi %mul3A_37, %add3A_1128 : i32
      %get3A_1130 = arith.index_cast %add3A_1129 : i32 to index
      %get3A_1131 = arith.constant 0 : index
      %get3A_1132 = tpu.vector_load %arg7[%get3A_1130, %get3A_1131] {strides = array<i32>} : memref<256x256xf32, #tpu.memory_space<vmem>>, vector<16xf32>,
      %swap3A_1133 = arith.index_cast %squeeze3A_997 : i32 to index
      %swap3A_1134 = arith.constant 0 : index
      %swap3A_1135 = tpu.vector_load %arg11[%swap3A_1133, %swap3A_1134] {strides = array<i32>} : memref<32x128xf32, #tpu.memory_space<vmem>>, vector<16xf32>,
      tpu.vector_store %arg11[%swap3A_1133, %swap3A_1134], %get3A_1002 {add = true, strides = array<i32>} : memref<32x128xf32, #tpu.memory_space<vmem>>, vector<16xf32>,
      %add3A_1136 = arith.constant 9 : i32
      %add3A_1137 = arith.addi %mul3A_37, %add3A_1136 : i32
      %get3A_1138 = arith.index_cast %add3A_1137 : i32 to index
      %get3A_1139 = arith.constant 16 : index
      %get3A_1140 = tpu.vector_load %arg7[%get3A_1138, %get3A_1139] {strides = array<i32>} : memref<256x256xf32, #tpu.memory_space<vmem>>, vector<16xf32>,
      %swap3A_1141 = arith.index_cast %squeeze3A_997 : i32 to index
      %swap3A_1142 = arith.constant 0 : index
      %swap3A_1143 = tpu.vector_load %arg12[%swap3A_1141, %swap3A_1142] {strides = array<i32>} : memref<32x128xf32, #tpu.memory_space<vmem>>, vector<16xf32>,
      tpu.vector_store %arg12[%swap3A_1141, %swap3A_1142], %get3A_1066 {add = true, strides = array<i32>} : memref<32x128xf32, #tpu.memory_space<vmem>>, vector<16xf32>,
      %add3A_1144 = arith.constant 9 : i32
      %add3A_1145 = arith.addi %mul3A_37, %add3A_1144 : i32
      %get3A_1146 = arith.index_cast %add3A_1145 : i32 to index
      %get3A_1147 = arith.constant 32 : index
      %get3A_1148 = tpu.vector_load %arg7[%get3A_1146, %get3A_1147] {strides = array<i32>} : memref<256x256xf32, #tpu.memory_space<vmem>>, vector<16xf32>,
      %swap3A_1149 = arith.index_cast %squeeze3A_997 : i32 to index
      %swap3A_1150 = arith.constant 16 : index
      %swap3A_1151 = tpu.vector_load %arg11[%swap3A_1149, %swap3A_1150] {strides = array<i32>} : memref<32x128xf32, #tpu.memory_space<vmem>>, vector<16xf32>,
      tpu.vector_store %arg11[%swap3A_1149, %swap3A_1150], %get3A_1010 {add = true, strides = array<i32>} : memref<32x128xf32, #tpu.memory_space<vmem>>, vector<16xf32>,
      %add3A_1152 = arith.constant 9 : i32
      %add3A_1153 = arith.addi %mul3A_37, %add3A_1152 : i32
      %get3A_1154 = arith.index_cast %add3A_1153 : i32 to index
      %get3A_1155 = arith.constant 48 : index
      %get3A_1156 = tpu.vector_load %arg7[%get3A_1154, %get3A_1155] {strides = array<i32>} : memref<256x256xf32, #tpu.memory_space<vmem>>, vector<16xf32>,
      %swap3A_1157 = arith.index_cast %squeeze3A_997 : i32 to index
      %swap3A_1158 = arith.constant 16 : index
      %swap3A_1159 = tpu.vector_load %arg12[%swap3A_1157, %swap3A_1158] {strides = array<i32>} : memref<32x128xf32, #tpu.memory_space<vmem>>, vector<16xf32>,
      tpu.vector_store %arg12[%swap3A_1157, %swap3A_1158], %get3A_1074 {add = true, strides = array<i32>} : memref<32x128xf32, #tpu.memory_space<vmem>>, vector<16xf32>,
      %add3A_1160 = arith.constant 9 : i32
      %add3A_1161 = arith.addi %mul3A_37, %add3A_1160 : i32
      %get3A_1162 = arith.index_cast %add3A_1161 : i32 to index
      %get3A_1163 = arith.constant 64 : index
      %get3A_1164 = tpu.vector_load %arg7[%get3A_1162, %get3A_1163] {strides = array<i32>} : memref<256x256xf32, #tpu.memory_space<vmem>>, vector<16xf32>,
      %swap3A_1165 = arith.index_cast %squeeze3A_997 : i32 to index
      %swap3A_1166 = arith.constant 32 : index
      %swap3A_1167 = tpu.vector_load %arg11[%swap3A_1165, %swap3A_1166] {strides = array<i32>} : memref<32x128xf32, #tpu.memory_space<vmem>>, vector<16xf32>,
      tpu.vector_store %arg11[%swap3A_1165, %swap3A_1166], %get3A_1018 {add = true, strides = array<i32>} : memref<32x128xf32, #tpu.memory_space<vmem>>, vector<16xf32>,
      %add3A_1168 = arith.constant 9 : i32
      %add3A_1169 = arith.addi %mul3A_37, %add3A_1168 : i32
      %get3A_1170 = arith.index_cast %add3A_1169 : i32 to index
      %get3A_1171 = arith.constant 80 : index
      %get3A_1172 = tpu.vector_load %arg7[%get3A_1170, %get3A_1171] {strides = array<i32>} : memref<256x256xf32, #tpu.memory_space<vmem>>, vector<16xf32>,
      %swap3A_1173 = arith.index_cast %squeeze3A_997 : i32 to index
      %swap3A_1174 = arith.constant 32 : index
      %swap3A_1175 = tpu.vector_load %arg12[%swap3A_1173, %swap3A_1174] {strides = array<i32>} : memref<32x128xf32, #tpu.memory_space<vmem>>, vector<16xf32>,
      tpu.vector_store %arg12[%swap3A_1173, %swap3A_1174], %get3A_1082 {add = true, strides = array<i32>} : memref<32x128xf32, #tpu.memory_space<vmem>>, vector<16xf32>,
      %add3A_1176 = arith.constant 9 : i32
      %add3A_1177 = arith.addi %mul3A_37, %add3A_1176 : i32
      %get3A_1178 = arith.index_cast %add3A_1177 : i32 to index
      %get3A_1179 = arith.constant 96 : index
      %get3A_1180 = tpu.vector_load %arg7[%get3A_1178, %get3A_1179] {strides = array<i32>} : memref<256x256xf32, #tpu.memory_space<vmem>>, vector<16xf32>,
      %swap3A_1181 = arith.index_cast %squeeze3A_997 : i32 to index
      %swap3A_1182 = arith.constant 48 : index
      %swap3A_1183 = tpu.vector_load %arg11[%swap3A_1181, %swap3A_1182] {strides = array<i32>} : memref<32x128xf32, #tpu.memory_space<vmem>>, vector<16xf32>,
      tpu.vector_store %arg11[%swap3A_1181, %swap3A_1182], %get3A_1026 {add = true, strides = array<i32>} : memref<32x128xf32, #tpu.memory_space<vmem>>, vector<16xf32>,
      %add3A_1184 = arith.constant 9 : i32
      %add3A_1185 = arith.addi %mul3A_37, %add3A_1184 : i32
      %get3A_1186 = arith.index_cast %add3A_1185 : i32 to index
      %get3A_1187 = arith.constant 112 : index
      %get3A_1188 = tpu.vector_load %arg7[%get3A_1186, %get3A_1187] {strides = array<i32>} : memref<256x256xf32, #tpu.memory_space<vmem>>, vector<16xf32>,
      %swap3A_1189 = arith.index_cast %squeeze3A_997 : i32 to index
      %swap3A_1190 = arith.constant 48 : index
      %swap3A_1191 = tpu.vector_load %arg12[%swap3A_1189, %swap3A_1190] {strides = array<i32>} : memref<32x128xf32, #tpu.memory_space<vmem>>, vector<16xf32>,
      tpu.vector_store %arg12[%swap3A_1189, %swap3A_1190], %get3A_1090 {add = true, strides = array<i32>} : memref<32x128xf32, #tpu.memory_space<vmem>>, vector<16xf32>,
      %add3A_1192 = arith.constant 9 : i32
      %add3A_1193 = arith.addi %mul3A_37, %add3A_1192 : i32
      %get3A_1194 = arith.index_cast %add3A_1193 : i32 to index
      %get3A_1195 = arith.constant 128 : index
      %get3A_1196 = tpu.vector_load %arg7[%get3A_1194, %get3A_1195] {strides = array<i32>} : memref<256x256xf32, #tpu.memory_space<vmem>>, vector<16xf32>,
      %swap3A_1197 = arith.index_cast %squeeze3A_997 : i32 to index
      %swap3A_1198 = arith.constant 64 : index
      %swap3A_1199 = tpu.vector_load %arg11[%swap3A_1197, %swap3A_1198] {strides = array<i32>} : memref<32x128xf32, #tpu.memory_space<vmem>>, vector<16xf32>,
      tpu.vector_store %arg11[%swap3A_1197, %swap3A_1198], %get3A_1034 {add = true, strides = array<i32>} : memref<32x128xf32, #tpu.memory_space<vmem>>, vector<16xf32>,
      %add3A_1200 = arith.constant 9 : i32
      %add3A_1201 = arith.addi %mul3A_37, %add3A_1200 : i32
      %get3A_1202 = arith.index_cast %add3A_1201 : i32 to index
      %get3A_1203 = arith.constant 144 : index
      %get3A_1204 = tpu.vector_load %arg7[%get3A_1202, %get3A_1203] {strides = array<i32>} : memref<256x256xf32, #tpu.memory_space<vmem>>, vector<16xf32>,
      %swap3A_1205 = arith.index_cast %squeeze3A_997 : i32 to index
      %swap3A_1206 = arith.constant 64 : index
      %swap3A_1207 = tpu.vector_load %arg12[%swap3A_1205, %swap3A_1206] {strides = array<i32>} : memref<32x128xf32, #tpu.memory_space<vmem>>, vector<16xf32>,
      tpu.vector_store %arg12[%swap3A_1205, %swap3A_1206], %get3A_1098 {add = true, strides = array<i32>} : memref<32x128xf32, #tpu.memory_space<vmem>>, vector<16xf32>,
      %add3A_1208 = arith.constant 9 : i32
      %add3A_1209 = arith.addi %mul3A_37, %add3A_1208 : i32
      %get3A_1210 = arith.index_cast %add3A_1209 : i32 to index
      %get3A_1211 = arith.constant 160 : index
      %get3A_1212 = tpu.vector_load %arg7[%get3A_1210, %get3A_1211] {strides = array<i32>} : memref<256x256xf32, #tpu.memory_space<vmem>>, vector<16xf32>,
      %swap3A_1213 = arith.index_cast %squeeze3A_997 : i32 to index
      %swap3A_1214 = arith.constant 80 : index
      %swap3A_1215 = tpu.vector_load %arg11[%swap3A_1213, %swap3A_1214] {strides = array<i32>} : memref<32x128xf32, #tpu.memory_space<vmem>>, vector<16xf32>,
      tpu.vector_store %arg11[%swap3A_1213, %swap3A_1214], %get3A_1042 {add = true, strides = array<i32>} : memref<32x128xf32, #tpu.memory_space<vmem>>, vector<16xf32>,
      %add3A_1216 = arith.constant 9 : i32
      %add3A_1217 = arith.addi %mul3A_37, %add3A_1216 : i32
      %get3A_1218 = arith.index_cast %add3A_1217 : i32 to index
      %get3A_1219 = arith.constant 176 : index
      %get3A_1220 = tpu.vector_load %arg7[%get3A_1218, %get3A_1219] {strides = array<i32>} : memref<256x256xf32, #tpu.memory_space<vmem>>, vector<16xf32>,
      %swap3A_1221 = arith.index_cast %squeeze3A_997 : i32 to index
      %swap3A_1222 = arith.constant 80 : index
      %swap3A_1223 = tpu.vector_load %arg12[%swap3A_1221, %swap3A_1222] {strides = array<i32>} : memref<32x128xf32, #tpu.memory_space<vmem>>, vector<16xf32>,
      tpu.vector_store %arg12[%swap3A_1221, %swap3A_1222], %get3A_1106 {add = true, strides = array<i32>} : memref<32x128xf32, #tpu.memory_space<vmem>>, vector<16xf32>,
      %add3A_1224 = arith.constant 9 : i32
      %add3A_1225 = arith.addi %mul3A_37, %add3A_1224 : i32
      %get3A_1226 = arith.index_cast %add3A_1225 : i32 to index
      %get3A_1227 = arith.constant 192 : index
      %get3A_1228 = tpu.vector_load %arg7[%get3A_1226, %get3A_1227] {strides = array<i32>} : memref<256x256xf32, #tpu.memory_space<vmem>>, vector<16xf32>,
      %swap3A_1229 = arith.index_cast %squeeze3A_997 : i32 to index
      %swap3A_1230 = arith.constant 96 : index
      %swap3A_1231 = tpu.vector_load %arg11[%swap3A_1229, %swap3A_1230] {strides = array<i32>} : memref<32x128xf32, #tpu.memory_space<vmem>>, vector<16xf32>,
      tpu.vector_store %arg11[%swap3A_1229, %swap3A_1230], %get3A_1050 {add = true, strides = array<i32>} : memref<32x128xf32, #tpu.memory_space<vmem>>, vector<16xf32>,
      %add3A_1232 = arith.constant 9 : i32
      %add3A_1233 = arith.addi %mul3A_37, %add3A_1232 : i32
      %get3A_1234 = arith.index_cast %add3A_1233 : i32 to index
      %get3A_1235 = arith.constant 208 : index
      %get3A_1236 = tpu.vector_load %arg7[%get3A_1234, %get3A_1235] {strides = array<i32>} : memref<256x256xf32, #tpu.memory_space<vmem>>, vector<16xf32>,
      %swap3A_1237 = arith.index_cast %squeeze3A_997 : i32 to index
      %swap3A_1238 = arith.constant 96 : index
      %swap3A_1239 = tpu.vector_load %arg12[%swap3A_1237, %swap3A_1238] {strides = array<i32>} : memref<32x128xf32, #tpu.memory_space<vmem>>, vector<16xf32>,
      tpu.vector_store %arg12[%swap3A_1237, %swap3A_1238], %get3A_1114 {add = true, strides = array<i32>} : memref<32x128xf32, #tpu.memory_space<vmem>>, vector<16xf32>,
      %add3A_1240 = arith.constant 9 : i32
      %add3A_1241 = arith.addi %mul3A_37, %add3A_1240 : i32
      %get3A_1242 = arith.index_cast %add3A_1241 : i32 to index
      %get3A_1243 = arith.constant 224 : index
      %get3A_1244 = tpu.vector_load %arg7[%get3A_1242, %get3A_1243] {strides = array<i32>} : memref<256x256xf32, #tpu.memory_space<vmem>>, vector<16xf32>,
      %swap3A_1245 = arith.index_cast %squeeze3A_997 : i32 to index
      %swap3A_1246 = arith.constant 112 : index
      %swap3A_1247 = tpu.vector_load %arg11[%swap3A_1245, %swap3A_1246] {strides = array<i32>} : memref<32x128xf32, #tpu.memory_space<vmem>>, vector<16xf32>,
      tpu.vector_store %arg11[%swap3A_1245, %swap3A_1246], %get3A_1058 {add = true, strides = array<i32>} : memref<32x128xf32, #tpu.memory_space<vmem>>, vector<16xf32>,
      %add3A_1248 = arith.constant 9 : i32
      %add3A_1249 = arith.addi %mul3A_37, %add3A_1248 : i32
      %get3A_1250 = arith.index_cast %add3A_1249 : i32 to index
      %get3A_1251 = arith.constant 240 : index
      %get3A_1252 = tpu.vector_load %arg7[%get3A_1250, %get3A_1251] {strides = array<i32>} : memref<256x256xf32, #tpu.memory_space<vmem>>, vector<16xf32>,
      %swap3A_1253 = arith.index_cast %squeeze3A_997 : i32 to index
      %swap3A_1254 = arith.constant 112 : index
      %swap3A_1255 = tpu.vector_load %arg12[%swap3A_1253, %swap3A_1254] {strides = array<i32>} : memref<32x128xf32, #tpu.memory_space<vmem>>, vector<16xf32>,
      tpu.vector_store %arg12[%swap3A_1253, %swap3A_1254], %get3A_1122 {add = true, strides = array<i32>} : memref<32x128xf32, #tpu.memory_space<vmem>>, vector<16xf32>,
      %slice3A_1256 = vector.extract_strided_slice %get3A_35 {offsets = [10], sizes = [1], strides = [1]} : vector<16xi32> to vector<1xi32>
      %squeeze3A_1257 = vector.extract %slice3A_1256[0] : i32 from vector<1xi32>
      %add3A_1258 = arith.constant 10 : i32
      %add3A_1259 = arith.addi %mul3A_37, %add3A_1258 : i32
      %get3A_1260 = arith.index_cast %add3A_1259 : i32 to index
      %get3A_1261 = arith.constant 0 : index
      %get3A_1262 = tpu.vector_load %arg7[%get3A_1260, %get3A_1261] {strides = array<i32>} : memref<256x256xf32, #tpu.memory_space<vmem>>, vector<16xf32>,
      %swap3A_1263 = arith.index_cast %squeeze3A_1127 : i32 to index
      %swap3A_1264 = arith.constant 0 : index
      %swap3A_1265 = tpu.vector_load %arg11[%swap3A_1263, %swap3A_1264] {strides = array<i32>} : memref<32x128xf32, #tpu.memory_space<vmem>>, vector<16xf32>,
      tpu.vector_store %arg11[%swap3A_1263, %swap3A_1264], %get3A_1132 {add = true, strides = array<i32>} : memref<32x128xf32, #tpu.memory_space<vmem>>, vector<16xf32>,
      %add3A_1266 = arith.constant 10 : i32
      %add3A_1267 = arith.addi %mul3A_37, %add3A_1266 : i32
      %get3A_1268 = arith.index_cast %add3A_1267 : i32 to index
      %get3A_1269 = arith.constant 16 : index
      %get3A_1270 = tpu.vector_load %arg7[%get3A_1268, %get3A_1269] {strides = array<i32>} : memref<256x256xf32, #tpu.memory_space<vmem>>, vector<16xf32>,
      %swap3A_1271 = arith.index_cast %squeeze3A_1127 : i32 to index
      %swap3A_1272 = arith.constant 0 : index
      %swap3A_1273 = tpu.vector_load %arg12[%swap3A_1271, %swap3A_1272] {strides = array<i32>} : memref<32x128xf32, #tpu.memory_space<vmem>>, vector<16xf32>,
      tpu.vector_store %arg12[%swap3A_1271, %swap3A_1272], %get3A_1196 {add = true, strides = array<i32>} : memref<32x128xf32, #tpu.memory_space<vmem>>, vector<16xf32>,
      %add3A_1274 = arith.constant 10 : i32
      %add3A_1275 = arith.addi %mul3A_37, %add3A_1274 : i32
      %get3A_1276 = arith.index_cast %add3A_1275 : i32 to index
      %get3A_1277 = arith.constant 32 : index
      %get3A_1278 = tpu.vector_load %arg7[%get3A_1276, %get3A_1277] {strides = array<i32>} : memref<256x256xf32, #tpu.memory_space<vmem>>, vector<16xf32>,
      %swap3A_1279 = arith.index_cast %squeeze3A_1127 : i32 to index
      %swap3A_1280 = arith.constant 16 : index
      %swap3A_1281 = tpu.vector_load %arg11[%swap3A_1279, %swap3A_1280] {strides = array<i32>} : memref<32x128xf32, #tpu.memory_space<vmem>>, vector<16xf32>,
      tpu.vector_store %arg11[%swap3A_1279, %swap3A_1280], %get3A_1140 {add = true, strides = array<i32>} : memref<32x128xf32, #tpu.memory_space<vmem>>, vector<16xf32>,
      %add3A_1282 = arith.constant 10 : i32
      %add3A_1283 = arith.addi %mul3A_37, %add3A_1282 : i32
      %get3A_1284 = arith.index_cast %add3A_1283 : i32 to index
      %get3A_1285 = arith.constant 48 : index
      %get3A_1286 = tpu.vector_load %arg7[%get3A_1284, %get3A_1285] {strides = array<i32>} : memref<256x256xf32, #tpu.memory_space<vmem>>, vector<16xf32>,
      %swap3A_1287 = arith.index_cast %squeeze3A_1127 : i32 to index
      %swap3A_1288 = arith.constant 16 : index
      %swap3A_1289 = tpu.vector_load %arg12[%swap3A_1287, %swap3A_1288] {strides = array<i32>} : memref<32x128xf32, #tpu.memory_space<vmem>>, vector<16xf32>,
      tpu.vector_store %arg12[%swap3A_1287, %swap3A_1288], %get3A_1204 {add = true, strides = array<i32>} : memref<32x128xf32, #tpu.memory_space<vmem>>, vector<16xf32>,
      %add3A_1290 = arith.constant 10 : i32
      %add3A_1291 = arith.addi %mul3A_37, %add3A_1290 : i32
      %get3A_1292 = arith.index_cast %add3A_1291 : i32 to index
      %get3A_1293 = arith.constant 64 : index
      %get3A_1294 = tpu.vector_load %arg7[%get3A_1292, %get3A_1293] {strides = array<i32>} : memref<256x256xf32, #tpu.memory_space<vmem>>, vector<16xf32>,
      %swap3A_1295 = arith.index_cast %squeeze3A_1127 : i32 to index
      %swap3A_1296 = arith.constant 32 : index
      %swap3A_1297 = tpu.vector_load %arg11[%swap3A_1295, %swap3A_1296] {strides = array<i32>} : memref<32x128xf32, #tpu.memory_space<vmem>>, vector<16xf32>,
      tpu.vector_store %arg11[%swap3A_1295, %swap3A_1296], %get3A_1148 {add = true, strides = array<i32>} : memref<32x128xf32, #tpu.memory_space<vmem>>, vector<16xf32>,
      %add3A_1298 = arith.constant 10 : i32
      %add3A_1299 = arith.addi %mul3A_37, %add3A_1298 : i32
      %get3A_1300 = arith.index_cast %add3A_1299 : i32 to index
      %get3A_1301 = arith.constant 80 : index
      %get3A_1302 = tpu.vector_load %arg7[%get3A_1300, %get3A_1301] {strides = array<i32>} : memref<256x256xf32, #tpu.memory_space<vmem>>, vector<16xf32>,
      %swap3A_1303 = arith.index_cast %squeeze3A_1127 : i32 to index
      %swap3A_1304 = arith.constant 32 : index
      %swap3A_1305 = tpu.vector_load %arg12[%swap3A_1303, %swap3A_1304] {strides = array<i32>} : memref<32x128xf32, #tpu.memory_space<vmem>>, vector<16xf32>,
      tpu.vector_store %arg12[%swap3A_1303, %swap3A_1304], %get3A_1212 {add = true, strides = array<i32>} : memref<32x128xf32, #tpu.memory_space<vmem>>, vector<16xf32>,
      %add3A_1306 = arith.constant 10 : i32
      %add3A_1307 = arith.addi %mul3A_37, %add3A_1306 : i32
      %get3A_1308 = arith.index_cast %add3A_1307 : i32 to index
      %get3A_1309 = arith.constant 96 : index
      %get3A_1310 = tpu.vector_load %arg7[%get3A_1308, %get3A_1309] {strides = array<i32>} : memref<256x256xf32, #tpu.memory_space<vmem>>, vector<16xf32>,
      %swap3A_1311 = arith.index_cast %squeeze3A_1127 : i32 to index
      %swap3A_1312 = arith.constant 48 : index
      %swap3A_1313 = tpu.vector_load %arg11[%swap3A_1311, %swap3A_1312] {strides = array<i32>} : memref<32x128xf32, #tpu.memory_space<vmem>>, vector<16xf32>,
      tpu.vector_store %arg11[%swap3A_1311, %swap3A_1312], %get3A_1156 {add = true, strides = array<i32>} : memref<32x128xf32, #tpu.memory_space<vmem>>, vector<16xf32>,
      %add3A_1314 = arith.constant 10 : i32
      %add3A_1315 = arith.addi %mul3A_37, %add3A_1314 : i32
      %get3A_1316 = arith.index_cast %add3A_1315 : i32 to index
      %get3A_1317 = arith.constant 112 : index
      %get3A_1318 = tpu.vector_load %arg7[%get3A_1316, %get3A_1317] {strides = array<i32>} : memref<256x256xf32, #tpu.memory_space<vmem>>, vector<16xf32>,
      %swap3A_1319 = arith.index_cast %squeeze3A_1127 : i32 to index
      %swap3A_1320 = arith.constant 48 : index
      %swap3A_1321 = tpu.vector_load %arg12[%swap3A_1319, %swap3A_1320] {strides = array<i32>} : memref<32x128xf32, #tpu.memory_space<vmem>>, vector<16xf32>,
      tpu.vector_store %arg12[%swap3A_1319, %swap3A_1320], %get3A_1220 {add = true, strides = array<i32>} : memref<32x128xf32, #tpu.memory_space<vmem>>, vector<16xf32>,
      %add3A_1322 = arith.constant 10 : i32
      %add3A_1323 = arith.addi %mul3A_37, %add3A_1322 : i32
      %get3A_1324 = arith.index_cast %add3A_1323 : i32 to index
      %get3A_1325 = arith.constant 128 : index
      %get3A_1326 = tpu.vector_load %arg7[%get3A_1324, %get3A_1325] {strides = array<i32>} : memref<256x256xf32, #tpu.memory_space<vmem>>, vector<16xf32>,
      %swap3A_1327 = arith.index_cast %squeeze3A_1127 : i32 to index
      %swap3A_1328 = arith.constant 64 : index
      %swap3A_1329 = tpu.vector_load %arg11[%swap3A_1327, %swap3A_1328] {strides = array<i32>} : memref<32x128xf32, #tpu.memory_space<vmem>>, vector<16xf32>,
      tpu.vector_store %arg11[%swap3A_1327, %swap3A_1328], %get3A_1164 {add = true, strides = array<i32>} : memref<32x128xf32, #tpu.memory_space<vmem>>, vector<16xf32>,
      %add3A_1330 = arith.constant 10 : i32
      %add3A_1331 = arith.addi %mul3A_37, %add3A_1330 : i32
      %get3A_1332 = arith.index_cast %add3A_1331 : i32 to index
      %get3A_1333 = arith.constant 144 : index
      %get3A_1334 = tpu.vector_load %arg7[%get3A_1332, %get3A_1333] {strides = array<i32>} : memref<256x256xf32, #tpu.memory_space<vmem>>, vector<16xf32>,
      %swap3A_1335 = arith.index_cast %squeeze3A_1127 : i32 to index
      %swap3A_1336 = arith.constant 64 : index
      %swap3A_1337 = tpu.vector_load %arg12[%swap3A_1335, %swap3A_1336] {strides = array<i32>} : memref<32x128xf32, #tpu.memory_space<vmem>>, vector<16xf32>,
      tpu.vector_store %arg12[%swap3A_1335, %swap3A_1336], %get3A_1228 {add = true, strides = array<i32>} : memref<32x128xf32, #tpu.memory_space<vmem>>, vector<16xf32>,
      %add3A_1338 = arith.constant 10 : i32
      %add3A_1339 = arith.addi %mul3A_37, %add3A_1338 : i32
      %get3A_1340 = arith.index_cast %add3A_1339 : i32 to index
      %get3A_1341 = arith.constant 160 : index
      %get3A_1342 = tpu.vector_load %arg7[%get3A_1340, %get3A_1341] {strides = array<i32>} : memref<256x256xf32, #tpu.memory_space<vmem>>, vector<16xf32>,
      %swap3A_1343 = arith.index_cast %squeeze3A_1127 : i32 to index
      %swap3A_1344 = arith.constant 80 : index
      %swap3A_1345 = tpu.vector_load %arg11[%swap3A_1343, %swap3A_1344] {strides = array<i32>} : memref<32x128xf32, #tpu.memory_space<vmem>>, vector<16xf32>,
      tpu.vector_store %arg11[%swap3A_1343, %swap3A_1344], %get3A_1172 {add = true, strides = array<i32>} : memref<32x128xf32, #tpu.memory_space<vmem>>, vector<16xf32>,
      %add3A_1346 = arith.constant 10 : i32
      %add3A_1347 = arith.addi %mul3A_37, %add3A_1346 : i32
      %get3A_1348 = arith.index_cast %add3A_1347 : i32 to index
      %get3A_1349 = arith.constant 176 : index
      %get3A_1350 = tpu.vector_load %arg7[%get3A_1348, %get3A_1349] {strides = array<i32>} : memref<256x256xf32, #tpu.memory_space<vmem>>, vector<16xf32>,
      %swap3A_1351 = arith.index_cast %squeeze3A_1127 : i32 to index
      %swap3A_1352 = arith.constant 80 : index
      %swap3A_1353 = tpu.vector_load %arg12[%swap3A_1351, %swap3A_1352] {strides = array<i32>} : memref<32x128xf32, #tpu.memory_space<vmem>>, vector<16xf32>,
      tpu.vector_store %arg12[%swap3A_1351, %swap3A_1352], %get3A_1236 {add = true, strides = array<i32>} : memref<32x128xf32, #tpu.memory_space<vmem>>, vector<16xf32>,
      %add3A_1354 = arith.constant 10 : i32
      %add3A_1355 = arith.addi %mul3A_37, %add3A_1354 : i32
      %get3A_1356 = arith.index_cast %add3A_1355 : i32 to index
      %get3A_1357 = arith.constant 192 : index
      %get3A_1358 = tpu.vector_load %arg7[%get3A_1356, %get3A_1357] {strides = array<i32>} : memref<256x256xf32, #tpu.memory_space<vmem>>, vector<16xf32>,
      %swap3A_1359 = arith.index_cast %squeeze3A_1127 : i32 to index
      %swap3A_1360 = arith.constant 96 : index
      %swap3A_1361 = tpu.vector_load %arg11[%swap3A_1359, %swap3A_1360] {strides = array<i32>} : memref<32x128xf32, #tpu.memory_space<vmem>>, vector<16xf32>,
      tpu.vector_store %arg11[%swap3A_1359, %swap3A_1360], %get3A_1180 {add = true, strides = array<i32>} : memref<32x128xf32, #tpu.memory_space<vmem>>, vector<16xf32>,
      %add3A_1362 = arith.constant 10 : i32
      %add3A_1363 = arith.addi %mul3A_37, %add3A_1362 : i32
      %get3A_1364 = arith.index_cast %add3A_1363 : i32 to index
      %get3A_1365 = arith.constant 208 : index
      %get3A_1366 = tpu.vector_load %arg7[%get3A_1364, %get3A_1365] {strides = array<i32>} : memref<256x256xf32, #tpu.memory_space<vmem>>, vector<16xf32>,
      %swap3A_1367 = arith.index_cast %squeeze3A_1127 : i32 to index
      %swap3A_1368 = arith.constant 96 : index
      %swap3A_1369 = tpu.vector_load %arg12[%swap3A_1367, %swap3A_1368] {strides = array<i32>} : memref<32x128xf32, #tpu.memory_space<vmem>>, vector<16xf32>,
      tpu.vector_store %arg12[%swap3A_1367, %swap3A_1368], %get3A_1244 {add = true, strides = array<i32>} : memref<32x128xf32, #tpu.memory_space<vmem>>, vector<16xf32>,
      %add3A_1370 = arith.constant 10 : i32
      %add3A_1371 = arith.addi %mul3A_37, %add3A_1370 : i32
      %get3A_1372 = arith.index_cast %add3A_1371 : i32 to index
      %get3A_1373 = arith.constant 224 : index
      %get3A_1374 = tpu.vector_load %arg7[%get3A_1372, %get3A_1373] {strides = array<i32>} : memref<256x256xf32, #tpu.memory_space<vmem>>, vector<16xf32>,
      %swap3A_1375 = arith.index_cast %squeeze3A_1127 : i32 to index
      %swap3A_1376 = arith.constant 112 : index
      %swap3A_1377 = tpu.vector_load %arg11[%swap3A_1375, %swap3A_1376] {strides = array<i32>} : memref<32x128xf32, #tpu.memory_space<vmem>>, vector<16xf32>,
      tpu.vector_store %arg11[%swap3A_1375, %swap3A_1376], %get3A_1188 {add = true, strides = array<i32>} : memref<32x128xf32, #tpu.memory_space<vmem>>, vector<16xf32>,
      %add3A_1378 = arith.constant 10 : i32
      %add3A_1379 = arith.addi %mul3A_37, %add3A_1378 : i32
      %get3A_1380 = arith.index_cast %add3A_1379 : i32 to index
      %get3A_1381 = arith.constant 240 : index
      %get3A_1382 = tpu.vector_load %arg7[%get3A_1380, %get3A_1381] {strides = array<i32>} : memref<256x256xf32, #tpu.memory_space<vmem>>, vector<16xf32>,
      %swap3A_1383 = arith.index_cast %squeeze3A_1127 : i32 to index
      %swap3A_1384 = arith.constant 112 : index
      %swap3A_1385 = tpu.vector_load %arg12[%swap3A_1383, %swap3A_1384] {strides = array<i32>} : memref<32x128xf32, #tpu.memory_space<vmem>>, vector<16xf32>,
      tpu.vector_store %arg12[%swap3A_1383, %swap3A_1384], %get3A_1252 {add = true, strides = array<i32>} : memref<32x128xf32, #tpu.memory_space<vmem>>, vector<16xf32>,
      %slice3A_1386 = vector.extract_strided_slice %get3A_35 {offsets = [11], sizes = [1], strides = [1]} : vector<16xi32> to vector<1xi32>
      %squeeze3A_1387 = vector.extract %slice3A_1386[0] : i32 from vector<1xi32>
      %add3A_1388 = arith.constant 11 : i32
      %add3A_1389 = arith.addi %mul3A_37, %add3A_1388 : i32
      %get3A_1390 = arith.index_cast %add3A_1389 : i32 to index
      %get3A_1391 = arith.constant 0 : index
      %get3A_1392 = tpu.vector_load %arg7[%get3A_1390, %get3A_1391] {strides = array<i32>} : memref<256x256xf32, #tpu.memory_space<vmem>>, vector<16xf32>,
      %swap3A_1393 = arith.index_cast %squeeze3A_1257 : i32 to index
      %swap3A_1394 = arith.constant 0 : index
      %swap3A_1395 = tpu.vector_load %arg11[%swap3A_1393, %swap3A_1394] {strides = array<i32>} : memref<32x128xf32, #tpu.memory_space<vmem>>, vector<16xf32>,
      tpu.vector_store %arg11[%swap3A_1393, %swap3A_1394], %get3A_1262 {add = true, strides = array<i32>} : memref<32x128xf32, #tpu.memory_space<vmem>>, vector<16xf32>,
      %add3A_1396 = arith.constant 11 : i32
      %add3A_1397 = arith.addi %mul3A_37, %add3A_1396 : i32
      %get3A_1398 = arith.index_cast %add3A_1397 : i32 to index
      %get3A_1399 = arith.constant 16 : index
      %get3A_1400 = tpu.vector_load %arg7[%get3A_1398, %get3A_1399] {strides = array<i32>} : memref<256x256xf32, #tpu.memory_space<vmem>>, vector<16xf32>,
      %swap3A_1401 = arith.index_cast %squeeze3A_1257 : i32 to index
      %swap3A_1402 = arith.constant 0 : index
      %swap3A_1403 = tpu.vector_load %arg12[%swap3A_1401, %swap3A_1402] {strides = array<i32>} : memref<32x128xf32, #tpu.memory_space<vmem>>, vector<16xf32>,
      tpu.vector_store %arg12[%swap3A_1401, %swap3A_1402], %get3A_1326 {add = true, strides = array<i32>} : memref<32x128xf32, #tpu.memory_space<vmem>>, vector<16xf32>,
      %add3A_1404 = arith.constant 11 : i32
      %add3A_1405 = arith.addi %mul3A_37, %add3A_1404 : i32
      %get3A_1406 = arith.index_cast %add3A_1405 : i32 to index
      %get3A_1407 = arith.constant 32 : index
      %get3A_1408 = tpu.vector_load %arg7[%get3A_1406, %get3A_1407] {strides = array<i32>} : memref<256x256xf32, #tpu.memory_space<vmem>>, vector<16xf32>,
      %swap3A_1409 = arith.index_cast %squeeze3A_1257 : i32 to index
      %swap3A_1410 = arith.constant 16 : index
      %swap3A_1411 = tpu.vector_load %arg11[%swap3A_1409, %swap3A_1410] {strides = array<i32>} : memref<32x128xf32, #tpu.memory_space<vmem>>, vector<16xf32>,
      tpu.vector_store %arg11[%swap3A_1409, %swap3A_1410], %get3A_1270 {add = true, strides = array<i32>} : memref<32x128xf32, #tpu.memory_space<vmem>>, vector<16xf32>,
      %add3A_1412 = arith.constant 11 : i32
      %add3A_1413 = arith.addi %mul3A_37, %add3A_1412 : i32
      %get3A_1414 = arith.index_cast %add3A_1413 : i32 to index
      %get3A_1415 = arith.constant 48 : index
      %get3A_1416 = tpu.vector_load %arg7[%get3A_1414, %get3A_1415] {strides = array<i32>} : memref<256x256xf32, #tpu.memory_space<vmem>>, vector<16xf32>,
      %swap3A_1417 = arith.index_cast %squeeze3A_1257 : i32 to index
      %swap3A_1418 = arith.constant 16 : index
      %swap3A_1419 = tpu.vector_load %arg12[%swap3A_1417, %swap3A_1418] {strides = array<i32>} : memref<32x128xf32, #tpu.memory_space<vmem>>, vector<16xf32>,
      tpu.vector_store %arg12[%swap3A_1417, %swap3A_1418], %get3A_1334 {add = true, strides = array<i32>} : memref<32x128xf32, #tpu.memory_space<vmem>>, vector<16xf32>,
      %add3A_1420 = arith.constant 11 : i32
      %add3A_1421 = arith.addi %mul3A_37, %add3A_1420 : i32
      %get3A_1422 = arith.index_cast %add3A_1421 : i32 to index
      %get3A_1423 = arith.constant 64 : index
      %get3A_1424 = tpu.vector_load %arg7[%get3A_1422, %get3A_1423] {strides = array<i32>} : memref<256x256xf32, #tpu.memory_space<vmem>>, vector<16xf32>,
      %swap3A_1425 = arith.index_cast %squeeze3A_1257 : i32 to index
      %swap3A_1426 = arith.constant 32 : index
      %swap3A_1427 = tpu.vector_load %arg11[%swap3A_1425, %swap3A_1426] {strides = array<i32>} : memref<32x128xf32, #tpu.memory_space<vmem>>, vector<16xf32>,
      tpu.vector_store %arg11[%swap3A_1425, %swap3A_1426], %get3A_1278 {add = true, strides = array<i32>} : memref<32x128xf32, #tpu.memory_space<vmem>>, vector<16xf32>,
      %add3A_1428 = arith.constant 11 : i32
      %add3A_1429 = arith.addi %mul3A_37, %add3A_1428 : i32
      %get3A_1430 = arith.index_cast %add3A_1429 : i32 to index
      %get3A_1431 = arith.constant 80 : index
      %get3A_1432 = tpu.vector_load %arg7[%get3A_1430, %get3A_1431] {strides = array<i32>} : memref<256x256xf32, #tpu.memory_space<vmem>>, vector<16xf32>,
      %swap3A_1433 = arith.index_cast %squeeze3A_1257 : i32 to index
      %swap3A_1434 = arith.constant 32 : index
      %swap3A_1435 = tpu.vector_load %arg12[%swap3A_1433, %swap3A_1434] {strides = array<i32>} : memref<32x128xf32, #tpu.memory_space<vmem>>, vector<16xf32>,
      tpu.vector_store %arg12[%swap3A_1433, %swap3A_1434], %get3A_1342 {add = true, strides = array<i32>} : memref<32x128xf32, #tpu.memory_space<vmem>>, vector<16xf32>,
      %add3A_1436 = arith.constant 11 : i32
      %add3A_1437 = arith.addi %mul3A_37, %add3A_1436 : i32
      %get3A_1438 = arith.index_cast %add3A_1437 : i32 to index
      %get3A_1439 = arith.constant 96 : index
      %get3A_1440 = tpu.vector_load %arg7[%get3A_1438, %get3A_1439] {strides = array<i32>} : memref<256x256xf32, #tpu.memory_space<vmem>>, vector<16xf32>,
      %swap3A_1441 = arith.index_cast %squeeze3A_1257 : i32 to index
      %swap3A_1442 = arith.constant 48 : index
      %swap3A_1443 = tpu.vector_load %arg11[%swap3A_1441, %swap3A_1442] {strides = array<i32>} : memref<32x128xf32, #tpu.memory_space<vmem>>, vector<16xf32>,
      tpu.vector_store %arg11[%swap3A_1441, %swap3A_1442], %get3A_1286 {add = true, strides = array<i32>} : memref<32x128xf32, #tpu.memory_space<vmem>>, vector<16xf32>,
      %add3A_1444 = arith.constant 11 : i32
      %add3A_1445 = arith.addi %mul3A_37, %add3A_1444 : i32
      %get3A_1446 = arith.index_cast %add3A_1445 : i32 to index
      %get3A_1447 = arith.constant 112 : index
      %get3A_1448 = tpu.vector_load %arg7[%get3A_1446, %get3A_1447] {strides = array<i32>} : memref<256x256xf32, #tpu.memory_space<vmem>>, vector<16xf32>,
      %swap3A_1449 = arith.index_cast %squeeze3A_1257 : i32 to index
      %swap3A_1450 = arith.constant 48 : index
      %swap3A_1451 = tpu.vector_load %arg12[%swap3A_1449, %swap3A_1450] {strides = array<i32>} : memref<32x128xf32, #tpu.memory_space<vmem>>, vector<16xf32>,
      tpu.vector_store %arg12[%swap3A_1449, %swap3A_1450], %get3A_1350 {add = true, strides = array<i32>} : memref<32x128xf32, #tpu.memory_space<vmem>>, vector<16xf32>,
      %add3A_1452 = arith.constant 11 : i32
      %add3A_1453 = arith.addi %mul3A_37, %add3A_1452 : i32
      %get3A_1454 = arith.index_cast %add3A_1453 : i32 to index
      %get3A_1455 = arith.constant 128 : index
      %get3A_1456 = tpu.vector_load %arg7[%get3A_1454, %get3A_1455] {strides = array<i32>} : memref<256x256xf32, #tpu.memory_space<vmem>>, vector<16xf32>,
      %swap3A_1457 = arith.index_cast %squeeze3A_1257 : i32 to index
      %swap3A_1458 = arith.constant 64 : index
      %swap3A_1459 = tpu.vector_load %arg11[%swap3A_1457, %swap3A_1458] {strides = array<i32>} : memref<32x128xf32, #tpu.memory_space<vmem>>, vector<16xf32>,
      tpu.vector_store %arg11[%swap3A_1457, %swap3A_1458], %get3A_1294 {add = true, strides = array<i32>} : memref<32x128xf32, #tpu.memory_space<vmem>>, vector<16xf32>,
      %add3A_1460 = arith.constant 11 : i32
      %add3A_1461 = arith.addi %mul3A_37, %add3A_1460 : i32
      %get3A_1462 = arith.index_cast %add3A_1461 : i32 to index
      %get3A_1463 = arith.constant 144 : index
      %get3A_1464 = tpu.vector_load %arg7[%get3A_1462, %get3A_1463] {strides = array<i32>} : memref<256x256xf32, #tpu.memory_space<vmem>>, vector<16xf32>,
      %swap3A_1465 = arith.index_cast %squeeze3A_1257 : i32 to index
      %swap3A_1466 = arith.constant 64 : index
      %swap3A_1467 = tpu.vector_load %arg12[%swap3A_1465, %swap3A_1466] {strides = array<i32>} : memref<32x128xf32, #tpu.memory_space<vmem>>, vector<16xf32>,
      tpu.vector_store %arg12[%swap3A_1465, %swap3A_1466], %get3A_1358 {add = true, strides = array<i32>} : memref<32x128xf32, #tpu.memory_space<vmem>>, vector<16xf32>,
      %add3A_1468 = arith.constant 11 : i32
      %add3A_1469 = arith.addi %mul3A_37, %add3A_1468 : i32
      %get3A_1470 = arith.index_cast %add3A_1469 : i32 to index
      %get3A_1471 = arith.constant 160 : index
      %get3A_1472 = tpu.vector_load %arg7[%get3A_1470, %get3A_1471] {strides = array<i32>} : memref<256x256xf32, #tpu.memory_space<vmem>>, vector<16xf32>,
      %swap3A_1473 = arith.index_cast %squeeze3A_1257 : i32 to index
      %swap3A_1474 = arith.constant 80 : index
      %swap3A_1475 = tpu.vector_load %arg11[%swap3A_1473, %swap3A_1474] {strides = array<i32>} : memref<32x128xf32, #tpu.memory_space<vmem>>, vector<16xf32>,
      tpu.vector_store %arg11[%swap3A_1473, %swap3A_1474], %get3A_1302 {add = true, strides = array<i32>} : memref<32x128xf32, #tpu.memory_space<vmem>>, vector<16xf32>,
      %add3A_1476 = arith.constant 11 : i32
      %add3A_1477 = arith.addi %mul3A_37, %add3A_1476 : i32
      %get3A_1478 = arith.index_cast %add3A_1477 : i32 to index
      %get3A_1479 = arith.constant 176 : index
      %get3A_1480 = tpu.vector_load %arg7[%get3A_1478, %get3A_1479] {strides = array<i32>} : memref<256x256xf32, #tpu.memory_space<vmem>>, vector<16xf32>,
      %swap3A_1481 = arith.index_cast %squeeze3A_1257 : i32 to index
      %swap3A_1482 = arith.constant 80 : index
      %swap3A_1483 = tpu.vector_load %arg12[%swap3A_1481, %swap3A_1482] {strides = array<i32>} : memref<32x128xf32, #tpu.memory_space<vmem>>, vector<16xf32>,
      tpu.vector_store %arg12[%swap3A_1481, %swap3A_1482], %get3A_1366 {add = true, strides = array<i32>} : memref<32x128xf32, #tpu.memory_space<vmem>>, vector<16xf32>,
      %add3A_1484 = arith.constant 11 : i32
      %add3A_1485 = arith.addi %mul3A_37, %add3A_1484 : i32
      %get3A_1486 = arith.index_cast %add3A_1485 : i32 to index
      %get3A_1487 = arith.constant 192 : index
      %get3A_1488 = tpu.vector_load %arg7[%get3A_1486, %get3A_1487] {strides = array<i32>} : memref<256x256xf32, #tpu.memory_space<vmem>>, vector<16xf32>,
      %swap3A_1489 = arith.index_cast %squeeze3A_1257 : i32 to index
      %swap3A_1490 = arith.constant 96 : index
      %swap3A_1491 = tpu.vector_load %arg11[%swap3A_1489, %swap3A_1490] {strides = array<i32>} : memref<32x128xf32, #tpu.memory_space<vmem>>, vector<16xf32>,
      tpu.vector_store %arg11[%swap3A_1489, %swap3A_1490], %get3A_1310 {add = true, strides = array<i32>} : memref<32x128xf32, #tpu.memory_space<vmem>>, vector<16xf32>,
      %add3A_1492 = arith.constant 11 : i32
      %add3A_1493 = arith.addi %mul3A_37, %add3A_1492 : i32
      %get3A_1494 = arith.index_cast %add3A_1493 : i32 to index
      %get3A_1495 = arith.constant 208 : index
      %get3A_1496 = tpu.vector_load %arg7[%get3A_1494, %get3A_1495] {strides = array<i32>} : memref<256x256xf32, #tpu.memory_space<vmem>>, vector<16xf32>,
      %swap3A_1497 = arith.index_cast %squeeze3A_1257 : i32 to index
      %swap3A_1498 = arith.constant 96 : index
      %swap3A_1499 = tpu.vector_load %arg12[%swap3A_1497, %swap3A_1498] {strides = array<i32>} : memref<32x128xf32, #tpu.memory_space<vmem>>, vector<16xf32>,
      tpu.vector_store %arg12[%swap3A_1497, %swap3A_1498], %get3A_1374 {add = true, strides = array<i32>} : memref<32x128xf32, #tpu.memory_space<vmem>>, vector<16xf32>,
      %add3A_1500 = arith.constant 11 : i32
      %add3A_1501 = arith.addi %mul3A_37, %add3A_1500 : i32
      %get3A_1502 = arith.index_cast %add3A_1501 : i32 to index
      %get3A_1503 = arith.constant 224 : index
      %get3A_1504 = tpu.vector_load %arg7[%get3A_1502, %get3A_1503] {strides = array<i32>} : memref<256x256xf32, #tpu.memory_space<vmem>>, vector<16xf32>,
      %swap3A_1505 = arith.index_cast %squeeze3A_1257 : i32 to index
      %swap3A_1506 = arith.constant 112 : index
      %swap3A_1507 = tpu.vector_load %arg11[%swap3A_1505, %swap3A_1506] {strides = array<i32>} : memref<32x128xf32, #tpu.memory_space<vmem>>, vector<16xf32>,
      tpu.vector_store %arg11[%swap3A_1505, %swap3A_1506], %get3A_1318 {add = true, strides = array<i32>} : memref<32x128xf32, #tpu.memory_space<vmem>>, vector<16xf32>,
      %add3A_1508 = arith.constant 11 : i32
      %add3A_1509 = arith.addi %mul3A_37, %add3A_1508 : i32
      %get3A_1510 = arith.index_cast %add3A_1509 : i32 to index
      %get3A_1511 = arith.constant 240 : index
      %get3A_1512 = tpu.vector_load %arg7[%get3A_1510, %get3A_1511] {strides = array<i32>} : memref<256x256xf32, #tpu.memory_space<vmem>>, vector<16xf32>,
      %swap3A_1513 = arith.index_cast %squeeze3A_1257 : i32 to index
      %swap3A_1514 = arith.constant 112 : index
      %swap3A_1515 = tpu.vector_load %arg12[%swap3A_1513, %swap3A_1514] {strides = array<i32>} : memref<32x128xf32, #tpu.memory_space<vmem>>, vector<16xf32>,
      tpu.vector_store %arg12[%swap3A_1513, %swap3A_1514], %get3A_1382 {add = true, strides = array<i32>} : memref<32x128xf32, #tpu.memory_space<vmem>>, vector<16xf32>,
      %slice3A_1516 = vector.extract_strided_slice %get3A_35 {offsets = [12], sizes = [1], strides = [1]} : vector<16xi32> to vector<1xi32>
      %squeeze3A_1517 = vector.extract %slice3A_1516[0] : i32 from vector<1xi32>
      %add3A_1518 = arith.constant 12 : i32
      %add3A_1519 = arith.addi %mul3A_37, %add3A_1518 : i32
      %get3A_1520 = arith.index_cast %add3A_1519 : i32 to index
      %get3A_1521 = arith.constant 0 : index
      %get3A_1522 = tpu.vector_load %arg7[%get3A_1520, %get3A_1521] {strides = array<i32>} : memref<256x256xf32, #tpu.memory_space<vmem>>, vector<16xf32>,
      %swap3A_1523 = arith.index_cast %squeeze3A_1387 : i32 to index
      %swap3A_1524 = arith.constant 0 : index
      %swap3A_1525 = tpu.vector_load %arg11[%swap3A_1523, %swap3A_1524] {strides = array<i32>} : memref<32x128xf32, #tpu.memory_space<vmem>>, vector<16xf32>,
      tpu.vector_store %arg11[%swap3A_1523, %swap3A_1524], %get3A_1392 {add = true, strides = array<i32>} : memref<32x128xf32, #tpu.memory_space<vmem>>, vector<16xf32>,
      %add3A_1526 = arith.constant 12 : i32
      %add3A_1527 = arith.addi %mul3A_37, %add3A_1526 : i32
      %get3A_1528 = arith.index_cast %add3A_1527 : i32 to index
      %get3A_1529 = arith.constant 16 : index
      %get3A_1530 = tpu.vector_load %arg7[%get3A_1528, %get3A_1529] {strides = array<i32>} : memref<256x256xf32, #tpu.memory_space<vmem>>, vector<16xf32>,
      %swap3A_1531 = arith.index_cast %squeeze3A_1387 : i32 to index
      %swap3A_1532 = arith.constant 0 : index
      %swap3A_1533 = tpu.vector_load %arg12[%swap3A_1531, %swap3A_1532] {strides = array<i32>} : memref<32x128xf32, #tpu.memory_space<vmem>>, vector<16xf32>,
      tpu.vector_store %arg12[%swap3A_1531, %swap3A_1532], %get3A_1456 {add = true, strides = array<i32>} : memref<32x128xf32, #tpu.memory_space<vmem>>, vector<16xf32>,
      %add3A_1534 = arith.constant 12 : i32
      %add3A_1535 = arith.addi %mul3A_37, %add3A_1534 : i32
      %get3A_1536 = arith.index_cast %add3A_1535 : i32 to index
      %get3A_1537 = arith.constant 32 : index
      %get3A_1538 = tpu.vector_load %arg7[%get3A_1536, %get3A_1537] {strides = array<i32>} : memref<256x256xf32, #tpu.memory_space<vmem>>, vector<16xf32>,
      %swap3A_1539 = arith.index_cast %squeeze3A_1387 : i32 to index
      %swap3A_1540 = arith.constant 16 : index
      %swap3A_1541 = tpu.vector_load %arg11[%swap3A_1539, %swap3A_1540] {strides = array<i32>} : memref<32x128xf32, #tpu.memory_space<vmem>>, vector<16xf32>,
      tpu.vector_store %arg11[%swap3A_1539, %swap3A_1540], %get3A_1400 {add = true, strides = array<i32>} : memref<32x128xf32, #tpu.memory_space<vmem>>, vector<16xf32>,
      %add3A_1542 = arith.constant 12 : i32
      %add3A_1543 = arith.addi %mul3A_37, %add3A_1542 : i32
      %get3A_1544 = arith.index_cast %add3A_1543 : i32 to index
      %get3A_1545 = arith.constant 48 : index
      %get3A_1546 = tpu.vector_load %arg7[%get3A_1544, %get3A_1545] {strides = array<i32>} : memref<256x256xf32, #tpu.memory_space<vmem>>, vector<16xf32>,
      %swap3A_1547 = arith.index_cast %squeeze3A_1387 : i32 to index
      %swap3A_1548 = arith.constant 16 : index
      %swap3A_1549 = tpu.vector_load %arg12[%swap3A_1547, %swap3A_1548] {strides = array<i32>} : memref<32x128xf32, #tpu.memory_space<vmem>>, vector<16xf32>,
      tpu.vector_store %arg12[%swap3A_1547, %swap3A_1548], %get3A_1464 {add = true, strides = array<i32>} : memref<32x128xf32, #tpu.memory_space<vmem>>, vector<16xf32>,
      %add3A_1550 = arith.constant 12 : i32
      %add3A_1551 = arith.addi %mul3A_37, %add3A_1550 : i32
      %get3A_1552 = arith.index_cast %add3A_1551 : i32 to index
      %get3A_1553 = arith.constant 64 : index
      %get3A_1554 = tpu.vector_load %arg7[%get3A_1552, %get3A_1553] {strides = array<i32>} : memref<256x256xf32, #tpu.memory_space<vmem>>, vector<16xf32>,
      %swap3A_1555 = arith.index_cast %squeeze3A_1387 : i32 to index
      %swap3A_1556 = arith.constant 32 : index
      %swap3A_1557 = tpu.vector_load %arg11[%swap3A_1555, %swap3A_1556] {strides = array<i32>} : memref<32x128xf32, #tpu.memory_space<vmem>>, vector<16xf32>,
      tpu.vector_store %arg11[%swap3A_1555, %swap3A_1556], %get3A_1408 {add = true, strides = array<i32>} : memref<32x128xf32, #tpu.memory_space<vmem>>, vector<16xf32>,
      %add3A_1558 = arith.constant 12 : i32
      %add3A_1559 = arith.addi %mul3A_37, %add3A_1558 : i32
      %get3A_1560 = arith.index_cast %add3A_1559 : i32 to index
      %get3A_1561 = arith.constant 80 : index
      %get3A_1562 = tpu.vector_load %arg7[%get3A_1560, %get3A_1561] {strides = array<i32>} : memref<256x256xf32, #tpu.memory_space<vmem>>, vector<16xf32>,
      %swap3A_1563 = arith.index_cast %squeeze3A_1387 : i32 to index
      %swap3A_1564 = arith.constant 32 : index
      %swap3A_1565 = tpu.vector_load %arg12[%swap3A_1563, %swap3A_1564] {strides = array<i32>} : memref<32x128xf32, #tpu.memory_space<vmem>>, vector<16xf32>,
      tpu.vector_store %arg12[%swap3A_1563, %swap3A_1564], %get3A_1472 {add = true, strides = array<i32>} : memref<32x128xf32, #tpu.memory_space<vmem>>, vector<16xf32>,
      %add3A_1566 = arith.constant 12 : i32
      %add3A_1567 = arith.addi %mul3A_37, %add3A_1566 : i32
      %get3A_1568 = arith.index_cast %add3A_1567 : i32 to index
      %get3A_1569 = arith.constant 96 : index
      %get3A_1570 = tpu.vector_load %arg7[%get3A_1568, %get3A_1569] {strides = array<i32>} : memref<256x256xf32, #tpu.memory_space<vmem>>, vector<16xf32>,
      %swap3A_1571 = arith.index_cast %squeeze3A_1387 : i32 to index
      %swap3A_1572 = arith.constant 48 : index
      %swap3A_1573 = tpu.vector_load %arg11[%swap3A_1571, %swap3A_1572] {strides = array<i32>} : memref<32x128xf32, #tpu.memory_space<vmem>>, vector<16xf32>,
      tpu.vector_store %arg11[%swap3A_1571, %swap3A_1572], %get3A_1416 {add = true, strides = array<i32>} : memref<32x128xf32, #tpu.memory_space<vmem>>, vector<16xf32>,
      %add3A_1574 = arith.constant 12 : i32
      %add3A_1575 = arith.addi %mul3A_37, %add3A_1574 : i32
      %get3A_1576 = arith.index_cast %add3A_1575 : i32 to index
      %get3A_1577 = arith.constant 112 : index
      %get3A_1578 = tpu.vector_load %arg7[%get3A_1576, %get3A_1577] {strides = array<i32>} : memref<256x256xf32, #tpu.memory_space<vmem>>, vector<16xf32>,
      %swap3A_1579 = arith.index_cast %squeeze3A_1387 : i32 to index
      %swap3A_1580 = arith.constant 48 : index
      %swap3A_1581 = tpu.vector_load %arg12[%swap3A_1579, %swap3A_1580] {strides = array<i32>} : memref<32x128xf32, #tpu.memory_space<vmem>>, vector<16xf32>,
      tpu.vector_store %arg12[%swap3A_1579, %swap3A_1580], %get3A_1480 {add = true, strides = array<i32>} : memref<32x128xf32, #tpu.memory_space<vmem>>, vector<16xf32>,
      %add3A_1582 = arith.constant 12 : i32
      %add3A_1583 = arith.addi %mul3A_37, %add3A_1582 : i32
      %get3A_1584 = arith.index_cast %add3A_1583 : i32 to index
      %get3A_1585 = arith.constant 128 : index
      %get3A_1586 = tpu.vector_load %arg7[%get3A_1584, %get3A_1585] {strides = array<i32>} : memref<256x256xf32, #tpu.memory_space<vmem>>, vector<16xf32>,
      %swap3A_1587 = arith.index_cast %squeeze3A_1387 : i32 to index
      %swap3A_1588 = arith.constant 64 : index
      %swap3A_1589 = tpu.vector_load %arg11[%swap3A_1587, %swap3A_1588] {strides = array<i32>} : memref<32x128xf32, #tpu.memory_space<vmem>>, vector<16xf32>,
      tpu.vector_store %arg11[%swap3A_1587, %swap3A_1588], %get3A_1424 {add = true, strides = array<i32>} : memref<32x128xf32, #tpu.memory_space<vmem>>, vector<16xf32>,
      %add3A_1590 = arith.constant 12 : i32
      %add3A_1591 = arith.addi %mul3A_37, %add3A_1590 : i32
      %get3A_1592 = arith.index_cast %add3A_1591 : i32 to index
      %get3A_1593 = arith.constant 144 : index
      %get3A_1594 = tpu.vector_load %arg7[%get3A_1592, %get3A_1593] {strides = array<i32>} : memref<256x256xf32, #tpu.memory_space<vmem>>, vector<16xf32>,
      %swap3A_1595 = arith.index_cast %squeeze3A_1387 : i32 to index
      %swap3A_1596 = arith.constant 64 : index
      %swap3A_1597 = tpu.vector_load %arg12[%swap3A_1595, %swap3A_1596] {strides = array<i32>} : memref<32x128xf32, #tpu.memory_space<vmem>>, vector<16xf32>,
      tpu.vector_store %arg12[%swap3A_1595, %swap3A_1596], %get3A_1488 {add = true, strides = array<i32>} : memref<32x128xf32, #tpu.memory_space<vmem>>, vector<16xf32>,
      %add3A_1598 = arith.constant 12 : i32
      %add3A_1599 = arith.addi %mul3A_37, %add3A_1598 : i32
      %get3A_1600 = arith.index_cast %add3A_1599 : i32 to index
      %get3A_1601 = arith.constant 160 : index
      %get3A_1602 = tpu.vector_load %arg7[%get3A_1600, %get3A_1601] {strides = array<i32>} : memref<256x256xf32, #tpu.memory_space<vmem>>, vector<16xf32>,
      %swap3A_1603 = arith.index_cast %squeeze3A_1387 : i32 to index
      %swap3A_1604 = arith.constant 80 : index
      %swap3A_1605 = tpu.vector_load %arg11[%swap3A_1603, %swap3A_1604] {strides = array<i32>} : memref<32x128xf32, #tpu.memory_space<vmem>>, vector<16xf32>,
      tpu.vector_store %arg11[%swap3A_1603, %swap3A_1604], %get3A_1432 {add = true, strides = array<i32>} : memref<32x128xf32, #tpu.memory_space<vmem>>, vector<16xf32>,
      %add3A_1606 = arith.constant 12 : i32
      %add3A_1607 = arith.addi %mul3A_37, %add3A_1606 : i32
      %get3A_1608 = arith.index_cast %add3A_1607 : i32 to index
      %get3A_1609 = arith.constant 176 : index
      %get3A_1610 = tpu.vector_load %arg7[%get3A_1608, %get3A_1609] {strides = array<i32>} : memref<256x256xf32, #tpu.memory_space<vmem>>, vector<16xf32>,
      %swap3A_1611 = arith.index_cast %squeeze3A_1387 : i32 to index
      %swap3A_1612 = arith.constant 80 : index
      %swap3A_1613 = tpu.vector_load %arg12[%swap3A_1611, %swap3A_1612] {strides = array<i32>} : memref<32x128xf32, #tpu.memory_space<vmem>>, vector<16xf32>,
      tpu.vector_store %arg12[%swap3A_1611, %swap3A_1612], %get3A_1496 {add = true, strides = array<i32>} : memref<32x128xf32, #tpu.memory_space<vmem>>, vector<16xf32>,
      %add3A_1614 = arith.constant 12 : i32
      %add3A_1615 = arith.addi %mul3A_37, %add3A_1614 : i32
      %get3A_1616 = arith.index_cast %add3A_1615 : i32 to index
      %get3A_1617 = arith.constant 192 : index
      %get3A_1618 = tpu.vector_load %arg7[%get3A_1616, %get3A_1617] {strides = array<i32>} : memref<256x256xf32, #tpu.memory_space<vmem>>, vector<16xf32>,
      %swap3A_1619 = arith.index_cast %squeeze3A_1387 : i32 to index
      %swap3A_1620 = arith.constant 96 : index
      %swap3A_1621 = tpu.vector_load %arg11[%swap3A_1619, %swap3A_1620] {strides = array<i32>} : memref<32x128xf32, #tpu.memory_space<vmem>>, vector<16xf32>,
      tpu.vector_store %arg11[%swap3A_1619, %swap3A_1620], %get3A_1440 {add = true, strides = array<i32>} : memref<32x128xf32, #tpu.memory_space<vmem>>, vector<16xf32>,
      %add3A_1622 = arith.constant 12 : i32
      %add3A_1623 = arith.addi %mul3A_37, %add3A_1622 : i32
      %get3A_1624 = arith.index_cast %add3A_1623 : i32 to index
      %get3A_1625 = arith.constant 208 : index
      %get3A_1626 = tpu.vector_load %arg7[%get3A_1624, %get3A_1625] {strides = array<i32>} : memref<256x256xf32, #tpu.memory_space<vmem>>, vector<16xf32>,
      %swap3A_1627 = arith.index_cast %squeeze3A_1387 : i32 to index
      %swap3A_1628 = arith.constant 96 : index
      %swap3A_1629 = tpu.vector_load %arg12[%swap3A_1627, %swap3A_1628] {strides = array<i32>} : memref<32x128xf32, #tpu.memory_space<vmem>>, vector<16xf32>,
      tpu.vector_store %arg12[%swap3A_1627, %swap3A_1628], %get3A_1504 {add = true, strides = array<i32>} : memref<32x128xf32, #tpu.memory_space<vmem>>, vector<16xf32>,
      %add3A_1630 = arith.constant 12 : i32
      %add3A_1631 = arith.addi %mul3A_37, %add3A_1630 : i32
      %get3A_1632 = arith.index_cast %add3A_1631 : i32 to index
      %get3A_1633 = arith.constant 224 : index
      %get3A_1634 = tpu.vector_load %arg7[%get3A_1632, %get3A_1633] {strides = array<i32>} : memref<256x256xf32, #tpu.memory_space<vmem>>, vector<16xf32>,
      %swap3A_1635 = arith.index_cast %squeeze3A_1387 : i32 to index
      %swap3A_1636 = arith.constant 112 : index
      %swap3A_1637 = tpu.vector_load %arg11[%swap3A_1635, %swap3A_1636] {strides = array<i32>} : memref<32x128xf32, #tpu.memory_space<vmem>>, vector<16xf32>,
      tpu.vector_store %arg11[%swap3A_1635, %swap3A_1636], %get3A_1448 {add = true, strides = array<i32>} : memref<32x128xf32, #tpu.memory_space<vmem>>, vector<16xf32>,
      %add3A_1638 = arith.constant 12 : i32
      %add3A_1639 = arith.addi %mul3A_37, %add3A_1638 : i32
      %get3A_1640 = arith.index_cast %add3A_1639 : i32 to index
      %get3A_1641 = arith.constant 240 : index
      %get3A_1642 = tpu.vector_load %arg7[%get3A_1640, %get3A_1641] {strides = array<i32>} : memref<256x256xf32, #tpu.memory_space<vmem>>, vector<16xf32>,
      %swap3A_1643 = arith.index_cast %squeeze3A_1387 : i32 to index
      %swap3A_1644 = arith.constant 112 : index
      %swap3A_1645 = tpu.vector_load %arg12[%swap3A_1643, %swap3A_1644] {strides = array<i32>} : memref<32x128xf32, #tpu.memory_space<vmem>>, vector<16xf32>,
      tpu.vector_store %arg12[%swap3A_1643, %swap3A_1644], %get3A_1512 {add = true, strides = array<i32>} : memref<32x128xf32, #tpu.memory_space<vmem>>, vector<16xf32>,
      %slice3A_1646 = vector.extract_strided_slice %get3A_35 {offsets = [13], sizes = [1], strides = [1]} : vector<16xi32> to vector<1xi32>
      %squeeze3A_1647 = vector.extract %slice3A_1646[0] : i32 from vector<1xi32>
      %add3A_1648 = arith.constant 13 : i32
      %add3A_1649 = arith.addi %mul3A_37, %add3A_1648 : i32
      %get3A_1650 = arith.index_cast %add3A_1649 : i32 to index
      %get3A_1651 = arith.constant 0 : index
      %get3A_1652 = tpu.vector_load %arg7[%get3A_1650, %get3A_1651] {strides = array<i32>} : memref<256x256xf32, #tpu.memory_space<vmem>>, vector<16xf32>,
      %swap3A_1653 = arith.index_cast %squeeze3A_1517 : i32 to index
      %swap3A_1654 = arith.constant 0 : index
      %swap3A_1655 = tpu.vector_load %arg11[%swap3A_1653, %swap3A_1654] {strides = array<i32>} : memref<32x128xf32, #tpu.memory_space<vmem>>, vector<16xf32>,
      tpu.vector_store %arg11[%swap3A_1653, %swap3A_1654], %get3A_1522 {add = true, strides = array<i32>} : memref<32x128xf32, #tpu.memory_space<vmem>>, vector<16xf32>,
      %add3A_1656 = arith.constant 13 : i32
      %add3A_1657 = arith.addi %mul3A_37, %add3A_1656 : i32
      %get3A_1658 = arith.index_cast %add3A_1657 : i32 to index
      %get3A_1659 = arith.constant 16 : index
      %get3A_1660 = tpu.vector_load %arg7[%get3A_1658, %get3A_1659] {strides = array<i32>} : memref<256x256xf32, #tpu.memory_space<vmem>>, vector<16xf32>,
      %swap3A_1661 = arith.index_cast %squeeze3A_1517 : i32 to index
      %swap3A_1662 = arith.constant 0 : index
      %swap3A_1663 = tpu.vector_load %arg12[%swap3A_1661, %swap3A_1662] {strides = array<i32>} : memref<32x128xf32, #tpu.memory_space<vmem>>, vector<16xf32>,
      tpu.vector_store %arg12[%swap3A_1661, %swap3A_1662], %get3A_1586 {add = true, strides = array<i32>} : memref<32x128xf32, #tpu.memory_space<vmem>>, vector<16xf32>,
      %add3A_1664 = arith.constant 13 : i32
      %add3A_1665 = arith.addi %mul3A_37, %add3A_1664 : i32
      %get3A_1666 = arith.index_cast %add3A_1665 : i32 to index
      %get3A_1667 = arith.constant 32 : index
      %get3A_1668 = tpu.vector_load %arg7[%get3A_1666, %get3A_1667] {strides = array<i32>} : memref<256x256xf32, #tpu.memory_space<vmem>>, vector<16xf32>,
      %swap3A_1669 = arith.index_cast %squeeze3A_1517 : i32 to index
      %swap3A_1670 = arith.constant 16 : index
      %swap3A_1671 = tpu.vector_load %arg11[%swap3A_1669, %swap3A_1670] {strides = array<i32>} : memref<32x128xf32, #tpu.memory_space<vmem>>, vector<16xf32>,
      tpu.vector_store %arg11[%swap3A_1669, %swap3A_1670], %get3A_1530 {add = true, strides = array<i32>} : memref<32x128xf32, #tpu.memory_space<vmem>>, vector<16xf32>,
      %add3A_1672 = arith.constant 13 : i32
      %add3A_1673 = arith.addi %mul3A_37, %add3A_1672 : i32
      %get3A_1674 = arith.index_cast %add3A_1673 : i32 to index
      %get3A_1675 = arith.constant 48 : index
      %get3A_1676 = tpu.vector_load %arg7[%get3A_1674, %get3A_1675] {strides = array<i32>} : memref<256x256xf32, #tpu.memory_space<vmem>>, vector<16xf32>,
      %swap3A_1677 = arith.index_cast %squeeze3A_1517 : i32 to index
      %swap3A_1678 = arith.constant 16 : index
      %swap3A_1679 = tpu.vector_load %arg12[%swap3A_1677, %swap3A_1678] {strides = array<i32>} : memref<32x128xf32, #tpu.memory_space<vmem>>, vector<16xf32>,
      tpu.vector_store %arg12[%swap3A_1677, %swap3A_1678], %get3A_1594 {add = true, strides = array<i32>} : memref<32x128xf32, #tpu.memory_space<vmem>>, vector<16xf32>,
      %add3A_1680 = arith.constant 13 : i32
      %add3A_1681 = arith.addi %mul3A_37, %add3A_1680 : i32
      %get3A_1682 = arith.index_cast %add3A_1681 : i32 to index
      %get3A_1683 = arith.constant 64 : index
      %get3A_1684 = tpu.vector_load %arg7[%get3A_1682, %get3A_1683] {strides = array<i32>} : memref<256x256xf32, #tpu.memory_space<vmem>>, vector<16xf32>,
      %swap3A_1685 = arith.index_cast %squeeze3A_1517 : i32 to index
      %swap3A_1686 = arith.constant 32 : index
      %swap3A_1687 = tpu.vector_load %arg11[%swap3A_1685, %swap3A_1686] {strides = array<i32>} : memref<32x128xf32, #tpu.memory_space<vmem>>, vector<16xf32>,
      tpu.vector_store %arg11[%swap3A_1685, %swap3A_1686], %get3A_1538 {add = true, strides = array<i32>} : memref<32x128xf32, #tpu.memory_space<vmem>>, vector<16xf32>,
      %add3A_1688 = arith.constant 13 : i32
      %add3A_1689 = arith.addi %mul3A_37, %add3A_1688 : i32
      %get3A_1690 = arith.index_cast %add3A_1689 : i32 to index
      %get3A_1691 = arith.constant 80 : index
      %get3A_1692 = tpu.vector_load %arg7[%get3A_1690, %get3A_1691] {strides = array<i32>} : memref<256x256xf32, #tpu.memory_space<vmem>>, vector<16xf32>,
      %swap3A_1693 = arith.index_cast %squeeze3A_1517 : i32 to index
      %swap3A_1694 = arith.constant 32 : index
      %swap3A_1695 = tpu.vector_load %arg12[%swap3A_1693, %swap3A_1694] {strides = array<i32>} : memref<32x128xf32, #tpu.memory_space<vmem>>, vector<16xf32>,
      tpu.vector_store %arg12[%swap3A_1693, %swap3A_1694], %get3A_1602 {add = true, strides = array<i32>} : memref<32x128xf32, #tpu.memory_space<vmem>>, vector<16xf32>,
      %add3A_1696 = arith.constant 13 : i32
      %add3A_1697 = arith.addi %mul3A_37, %add3A_1696 : i32
      %get3A_1698 = arith.index_cast %add3A_1697 : i32 to index
      %get3A_1699 = arith.constant 96 : index
      %get3A_1700 = tpu.vector_load %arg7[%get3A_1698, %get3A_1699] {strides = array<i32>} : memref<256x256xf32, #tpu.memory_space<vmem>>, vector<16xf32>,
      %swap3A_1701 = arith.index_cast %squeeze3A_1517 : i32 to index
      %swap3A_1702 = arith.constant 48 : index
      %swap3A_1703 = tpu.vector_load %arg11[%swap3A_1701, %swap3A_1702] {strides = array<i32>} : memref<32x128xf32, #tpu.memory_space<vmem>>, vector<16xf32>,
      tpu.vector_store %arg11[%swap3A_1701, %swap3A_1702], %get3A_1546 {add = true, strides = array<i32>} : memref<32x128xf32, #tpu.memory_space<vmem>>, vector<16xf32>,
      %add3A_1704 = arith.constant 13 : i32
      %add3A_1705 = arith.addi %mul3A_37, %add3A_1704 : i32
      %get3A_1706 = arith.index_cast %add3A_1705 : i32 to index
      %get3A_1707 = arith.constant 112 : index
      %get3A_1708 = tpu.vector_load %arg7[%get3A_1706, %get3A_1707] {strides = array<i32>} : memref<256x256xf32, #tpu.memory_space<vmem>>, vector<16xf32>,
      %swap3A_1709 = arith.index_cast %squeeze3A_1517 : i32 to index
      %swap3A_1710 = arith.constant 48 : index
      %swap3A_1711 = tpu.vector_load %arg12[%swap3A_1709, %swap3A_1710] {strides = array<i32>} : memref<32x128xf32, #tpu.memory_space<vmem>>, vector<16xf32>,
      tpu.vector_store %arg12[%swap3A_1709, %swap3A_1710], %get3A_1610 {add = true, strides = array<i32>} : memref<32x128xf32, #tpu.memory_space<vmem>>, vector<16xf32>,
      %add3A_1712 = arith.constant 13 : i32
      %add3A_1713 = arith.addi %mul3A_37, %add3A_1712 : i32
      %get3A_1714 = arith.index_cast %add3A_1713 : i32 to index
      %get3A_1715 = arith.constant 128 : index
      %get3A_1716 = tpu.vector_load %arg7[%get3A_1714, %get3A_1715] {strides = array<i32>} : memref<256x256xf32, #tpu.memory_space<vmem>>, vector<16xf32>,
      %swap3A_1717 = arith.index_cast %squeeze3A_1517 : i32 to index
      %swap3A_1718 = arith.constant 64 : index
      %swap3A_1719 = tpu.vector_load %arg11[%swap3A_1717, %swap3A_1718] {strides = array<i32>} : memref<32x128xf32, #tpu.memory_space<vmem>>, vector<16xf32>,
      tpu.vector_store %arg11[%swap3A_1717, %swap3A_1718], %get3A_1554 {add = true, strides = array<i32>} : memref<32x128xf32, #tpu.memory_space<vmem>>, vector<16xf32>,
      %add3A_1720 = arith.constant 13 : i32
      %add3A_1721 = arith.addi %mul3A_37, %add3A_1720 : i32
      %get3A_1722 = arith.index_cast %add3A_1721 : i32 to index
      %get3A_1723 = arith.constant 144 : index
      %get3A_1724 = tpu.vector_load %arg7[%get3A_1722, %get3A_1723] {strides = array<i32>} : memref<256x256xf32, #tpu.memory_space<vmem>>, vector<16xf32>,
      %swap3A_1725 = arith.index_cast %squeeze3A_1517 : i32 to index
      %swap3A_1726 = arith.constant 64 : index
      %swap3A_1727 = tpu.vector_load %arg12[%swap3A_1725, %swap3A_1726] {strides = array<i32>} : memref<32x128xf32, #tpu.memory_space<vmem>>, vector<16xf32>,
      tpu.vector_store %arg12[%swap3A_1725, %swap3A_1726], %get3A_1618 {add = true, strides = array<i32>} : memref<32x128xf32, #tpu.memory_space<vmem>>, vector<16xf32>,
      %add3A_1728 = arith.constant 13 : i32
      %add3A_1729 = arith.addi %mul3A_37, %add3A_1728 : i32
      %get3A_1730 = arith.index_cast %add3A_1729 : i32 to index
      %get3A_1731 = arith.constant 160 : index
      %get3A_1732 = tpu.vector_load %arg7[%get3A_1730, %get3A_1731] {strides = array<i32>} : memref<256x256xf32, #tpu.memory_space<vmem>>, vector<16xf32>,
      %swap3A_1733 = arith.index_cast %squeeze3A_1517 : i32 to index
      %swap3A_1734 = arith.constant 80 : index
      %swap3A_1735 = tpu.vector_load %arg11[%swap3A_1733, %swap3A_1734] {strides = array<i32>} : memref<32x128xf32, #tpu.memory_space<vmem>>, vector<16xf32>,
      tpu.vector_store %arg11[%swap3A_1733, %swap3A_1734], %get3A_1562 {add = true, strides = array<i32>} : memref<32x128xf32, #tpu.memory_space<vmem>>, vector<16xf32>,
      %add3A_1736 = arith.constant 13 : i32
      %add3A_1737 = arith.addi %mul3A_37, %add3A_1736 : i32
      %get3A_1738 = arith.index_cast %add3A_1737 : i32 to index
      %get3A_1739 = arith.constant 176 : index
      %get3A_1740 = tpu.vector_load %arg7[%get3A_1738, %get3A_1739] {strides = array<i32>} : memref<256x256xf32, #tpu.memory_space<vmem>>, vector<16xf32>,
      %swap3A_1741 = arith.index_cast %squeeze3A_1517 : i32 to index
      %swap3A_1742 = arith.constant 80 : index
      %swap3A_1743 = tpu.vector_load %arg12[%swap3A_1741, %swap3A_1742] {strides = array<i32>} : memref<32x128xf32, #tpu.memory_space<vmem>>, vector<16xf32>,
      tpu.vector_store %arg12[%swap3A_1741, %swap3A_1742], %get3A_1626 {add = true, strides = array<i32>} : memref<32x128xf32, #tpu.memory_space<vmem>>, vector<16xf32>,
      %add3A_1744 = arith.constant 13 : i32
      %add3A_1745 = arith.addi %mul3A_37, %add3A_1744 : i32
      %get3A_1746 = arith.index_cast %add3A_1745 : i32 to index
      %get3A_1747 = arith.constant 192 : index
      %get3A_1748 = tpu.vector_load %arg7[%get3A_1746, %get3A_1747] {strides = array<i32>} : memref<256x256xf32, #tpu.memory_space<vmem>>, vector<16xf32>,
      %swap3A_1749 = arith.index_cast %squeeze3A_1517 : i32 to index
      %swap3A_1750 = arith.constant 96 : index
      %swap3A_1751 = tpu.vector_load %arg11[%swap3A_1749, %swap3A_1750] {strides = array<i32>} : memref<32x128xf32, #tpu.memory_space<vmem>>, vector<16xf32>,
      tpu.vector_store %arg11[%swap3A_1749, %swap3A_1750], %get3A_1570 {add = true, strides = array<i32>} : memref<32x128xf32, #tpu.memory_space<vmem>>, vector<16xf32>,
      %add3A_1752 = arith.constant 13 : i32
      %add3A_1753 = arith.addi %mul3A_37, %add3A_1752 : i32
      %get3A_1754 = arith.index_cast %add3A_1753 : i32 to index
      %get3A_1755 = arith.constant 208 : index
      %get3A_1756 = tpu.vector_load %arg7[%get3A_1754, %get3A_1755] {strides = array<i32>} : memref<256x256xf32, #tpu.memory_space<vmem>>, vector<16xf32>,
      %swap3A_1757 = arith.index_cast %squeeze3A_1517 : i32 to index
      %swap3A_1758 = arith.constant 96 : index
      %swap3A_1759 = tpu.vector_load %arg12[%swap3A_1757, %swap3A_1758] {strides = array<i32>} : memref<32x128xf32, #tpu.memory_space<vmem>>, vector<16xf32>,
      tpu.vector_store %arg12[%swap3A_1757, %swap3A_1758], %get3A_1634 {add = true, strides = array<i32>} : memref<32x128xf32, #tpu.memory_space<vmem>>, vector<16xf32>,
      %add3A_1760 = arith.constant 13 : i32
      %add3A_1761 = arith.addi %mul3A_37, %add3A_1760 : i32
      %get3A_1762 = arith.index_cast %add3A_1761 : i32 to index
      %get3A_1763 = arith.constant 224 : index
      %get3A_1764 = tpu.vector_load %arg7[%get3A_1762, %get3A_1763] {strides = array<i32>} : memref<256x256xf32, #tpu.memory_space<vmem>>, vector<16xf32>,
      %swap3A_1765 = arith.index_cast %squeeze3A_1517 : i32 to index
      %swap3A_1766 = arith.constant 112 : index
      %swap3A_1767 = tpu.vector_load %arg11[%swap3A_1765, %swap3A_1766] {strides = array<i32>} : memref<32x128xf32, #tpu.memory_space<vmem>>, vector<16xf32>,
      tpu.vector_store %arg11[%swap3A_1765, %swap3A_1766], %get3A_1578 {add = true, strides = array<i32>} : memref<32x128xf32, #tpu.memory_space<vmem>>, vector<16xf32>,
      %add3A_1768 = arith.constant 13 : i32
      %add3A_1769 = arith.addi %mul3A_37, %add3A_1768 : i32
      %get3A_1770 = arith.index_cast %add3A_1769 : i32 to index
      %get3A_1771 = arith.constant 240 : index
      %get3A_1772 = tpu.vector_load %arg7[%get3A_1770, %get3A_1771] {strides = array<i32>} : memref<256x256xf32, #tpu.memory_space<vmem>>, vector<16xf32>,
      %swap3A_1773 = arith.index_cast %squeeze3A_1517 : i32 to index
      %swap3A_1774 = arith.constant 112 : index
      %swap3A_1775 = tpu.vector_load %arg12[%swap3A_1773, %swap3A_1774] {strides = array<i32>} : memref<32x128xf32, #tpu.memory_space<vmem>>, vector<16xf32>,
      tpu.vector_store %arg12[%swap3A_1773, %swap3A_1774], %get3A_1642 {add = true, strides = array<i32>} : memref<32x128xf32, #tpu.memory_space<vmem>>, vector<16xf32>,
      %slice3A_1776 = vector.extract_strided_slice %get3A_35 {offsets = [14], sizes = [1], strides = [1]} : vector<16xi32> to vector<1xi32>
      %squeeze3A_1777 = vector.extract %slice3A_1776[0] : i32 from vector<1xi32>
      %add3A_1778 = arith.constant 14 : i32
      %add3A_1779 = arith.addi %mul3A_37, %add3A_1778 : i32
      %get3A_1780 = arith.index_cast %add3A_1779 : i32 to index
      %get3A_1781 = arith.constant 0 : index
      %get3A_1782 = tpu.vector_load %arg7[%get3A_1780, %get3A_1781] {strides = array<i32>} : memref<256x256xf32, #tpu.memory_space<vmem>>, vector<16xf32>,
      %swap3A_1783 = arith.index_cast %squeeze3A_1647 : i32 to index
      %swap3A_1784 = arith.constant 0 : index
      %swap3A_1785 = tpu.vector_load %arg11[%swap3A_1783, %swap3A_1784] {strides = array<i32>} : memref<32x128xf32, #tpu.memory_space<vmem>>, vector<16xf32>,
      tpu.vector_store %arg11[%swap3A_1783, %swap3A_1784], %get3A_1652 {add = true, strides = array<i32>} : memref<32x128xf32, #tpu.memory_space<vmem>>, vector<16xf32>,
      %add3A_1786 = arith.constant 14 : i32
      %add3A_1787 = arith.addi %mul3A_37, %add3A_1786 : i32
      %get3A_1788 = arith.index_cast %add3A_1787 : i32 to index
      %get3A_1789 = arith.constant 16 : index
      %get3A_1790 = tpu.vector_load %arg7[%get3A_1788, %get3A_1789] {strides = array<i32>} : memref<256x256xf32, #tpu.memory_space<vmem>>, vector<16xf32>,
      %swap3A_1791 = arith.index_cast %squeeze3A_1647 : i32 to index
      %swap3A_1792 = arith.constant 0 : index
      %swap3A_1793 = tpu.vector_load %arg12[%swap3A_1791, %swap3A_1792] {strides = array<i32>} : memref<32x128xf32, #tpu.memory_space<vmem>>, vector<16xf32>,
      tpu.vector_store %arg12[%swap3A_1791, %swap3A_1792], %get3A_1716 {add = true, strides = array<i32>} : memref<32x128xf32, #tpu.memory_space<vmem>>, vector<16xf32>,
      %add3A_1794 = arith.constant 14 : i32
      %add3A_1795 = arith.addi %mul3A_37, %add3A_1794 : i32
      %get3A_1796 = arith.index_cast %add3A_1795 : i32 to index
      %get3A_1797 = arith.constant 32 : index
      %get3A_1798 = tpu.vector_load %arg7[%get3A_1796, %get3A_1797] {strides = array<i32>} : memref<256x256xf32, #tpu.memory_space<vmem>>, vector<16xf32>,
      %swap3A_1799 = arith.index_cast %squeeze3A_1647 : i32 to index
      %swap3A_1800 = arith.constant 16 : index
      %swap3A_1801 = tpu.vector_load %arg11[%swap3A_1799, %swap3A_1800] {strides = array<i32>} : memref<32x128xf32, #tpu.memory_space<vmem>>, vector<16xf32>,
      tpu.vector_store %arg11[%swap3A_1799, %swap3A_1800], %get3A_1660 {add = true, strides = array<i32>} : memref<32x128xf32, #tpu.memory_space<vmem>>, vector<16xf32>,
      %add3A_1802 = arith.constant 14 : i32
      %add3A_1803 = arith.addi %mul3A_37, %add3A_1802 : i32
      %get3A_1804 = arith.index_cast %add3A_1803 : i32 to index
      %get3A_1805 = arith.constant 48 : index
      %get3A_1806 = tpu.vector_load %arg7[%get3A_1804, %get3A_1805] {strides = array<i32>} : memref<256x256xf32, #tpu.memory_space<vmem>>, vector<16xf32>,
      %swap3A_1807 = arith.index_cast %squeeze3A_1647 : i32 to index
      %swap3A_1808 = arith.constant 16 : index
      %swap3A_1809 = tpu.vector_load %arg12[%swap3A_1807, %swap3A_1808] {strides = array<i32>} : memref<32x128xf32, #tpu.memory_space<vmem>>, vector<16xf32>,
      tpu.vector_store %arg12[%swap3A_1807, %swap3A_1808], %get3A_1724 {add = true, strides = array<i32>} : memref<32x128xf32, #tpu.memory_space<vmem>>, vector<16xf32>,
      %add3A_1810 = arith.constant 14 : i32
      %add3A_1811 = arith.addi %mul3A_37, %add3A_1810 : i32
      %get3A_1812 = arith.index_cast %add3A_1811 : i32 to index
      %get3A_1813 = arith.constant 64 : index
      %get3A_1814 = tpu.vector_load %arg7[%get3A_1812, %get3A_1813] {strides = array<i32>} : memref<256x256xf32, #tpu.memory_space<vmem>>, vector<16xf32>,
      %swap3A_1815 = arith.index_cast %squeeze3A_1647 : i32 to index
      %swap3A_1816 = arith.constant 32 : index
      %swap3A_1817 = tpu.vector_load %arg11[%swap3A_1815, %swap3A_1816] {strides = array<i32>} : memref<32x128xf32, #tpu.memory_space<vmem>>, vector<16xf32>,
      tpu.vector_store %arg11[%swap3A_1815, %swap3A_1816], %get3A_1668 {add = true, strides = array<i32>} : memref<32x128xf32, #tpu.memory_space<vmem>>, vector<16xf32>,
      %add3A_1818 = arith.constant 14 : i32
      %add3A_1819 = arith.addi %mul3A_37, %add3A_1818 : i32
      %get3A_1820 = arith.index_cast %add3A_1819 : i32 to index
      %get3A_1821 = arith.constant 80 : index
      %get3A_1822 = tpu.vector_load %arg7[%get3A_1820, %get3A_1821] {strides = array<i32>} : memref<256x256xf32, #tpu.memory_space<vmem>>, vector<16xf32>,
      %swap3A_1823 = arith.index_cast %squeeze3A_1647 : i32 to index
      %swap3A_1824 = arith.constant 32 : index
      %swap3A_1825 = tpu.vector_load %arg12[%swap3A_1823, %swap3A_1824] {strides = array<i32>} : memref<32x128xf32, #tpu.memory_space<vmem>>, vector<16xf32>,
      tpu.vector_store %arg12[%swap3A_1823, %swap3A_1824], %get3A_1732 {add = true, strides = array<i32>} : memref<32x128xf32, #tpu.memory_space<vmem>>, vector<16xf32>,
      %add3A_1826 = arith.constant 14 : i32
      %add3A_1827 = arith.addi %mul3A_37, %add3A_1826 : i32
      %get3A_1828 = arith.index_cast %add3A_1827 : i32 to index
      %get3A_1829 = arith.constant 96 : index
      %get3A_1830 = tpu.vector_load %arg7[%get3A_1828, %get3A_1829] {strides = array<i32>} : memref<256x256xf32, #tpu.memory_space<vmem>>, vector<16xf32>,
      %swap3A_1831 = arith.index_cast %squeeze3A_1647 : i32 to index
      %swap3A_1832 = arith.constant 48 : index
      %swap3A_1833 = tpu.vector_load %arg11[%swap3A_1831, %swap3A_1832] {strides = array<i32>} : memref<32x128xf32, #tpu.memory_space<vmem>>, vector<16xf32>,
      tpu.vector_store %arg11[%swap3A_1831, %swap3A_1832], %get3A_1676 {add = true, strides = array<i32>} : memref<32x128xf32, #tpu.memory_space<vmem>>, vector<16xf32>,
      %add3A_1834 = arith.constant 14 : i32
      %add3A_1835 = arith.addi %mul3A_37, %add3A_1834 : i32
      %get3A_1836 = arith.index_cast %add3A_1835 : i32 to index
      %get3A_1837 = arith.constant 112 : index
      %get3A_1838 = tpu.vector_load %arg7[%get3A_1836, %get3A_1837] {strides = array<i32>} : memref<256x256xf32, #tpu.memory_space<vmem>>, vector<16xf32>,
      %swap3A_1839 = arith.index_cast %squeeze3A_1647 : i32 to index
      %swap3A_1840 = arith.constant 48 : index
      %swap3A_1841 = tpu.vector_load %arg12[%swap3A_1839, %swap3A_1840] {strides = array<i32>} : memref<32x128xf32, #tpu.memory_space<vmem>>, vector<16xf32>,
      tpu.vector_store %arg12[%swap3A_1839, %swap3A_1840], %get3A_1740 {add = true, strides = array<i32>} : memref<32x128xf32, #tpu.memory_space<vmem>>, vector<16xf32>,
      %add3A_1842 = arith.constant 14 : i32
      %add3A_1843 = arith.addi %mul3A_37, %add3A_1842 : i32
      %get3A_1844 = arith.index_cast %add3A_1843 : i32 to index
      %get3A_1845 = arith.constant 128 : index
      %get3A_1846 = tpu.vector_load %arg7[%get3A_1844, %get3A_1845] {strides = array<i32>} : memref<256x256xf32, #tpu.memory_space<vmem>>, vector<16xf32>,
      %swap3A_1847 = arith.index_cast %squeeze3A_1647 : i32 to index
      %swap3A_1848 = arith.constant 64 : index
      %swap3A_1849 = tpu.vector_load %arg11[%swap3A_1847, %swap3A_1848] {strides = array<i32>} : memref<32x128xf32, #tpu.memory_space<vmem>>, vector<16xf32>,
      tpu.vector_store %arg11[%swap3A_1847, %swap3A_1848], %get3A_1684 {add = true, strides = array<i32>} : memref<32x128xf32, #tpu.memory_space<vmem>>, vector<16xf32>,
      %add3A_1850 = arith.constant 14 : i32
      %add3A_1851 = arith.addi %mul3A_37, %add3A_1850 : i32
      %get3A_1852 = arith.index_cast %add3A_1851 : i32 to index
      %get3A_1853 = arith.constant 144 : index
      %get3A_1854 = tpu.vector_load %arg7[%get3A_1852, %get3A_1853] {strides = array<i32>} : memref<256x256xf32, #tpu.memory_space<vmem>>, vector<16xf32>,
      %swap3A_1855 = arith.index_cast %squeeze3A_1647 : i32 to index
      %swap3A_1856 = arith.constant 64 : index
      %swap3A_1857 = tpu.vector_load %arg12[%swap3A_1855, %swap3A_1856] {strides = array<i32>} : memref<32x128xf32, #tpu.memory_space<vmem>>, vector<16xf32>,
      tpu.vector_store %arg12[%swap3A_1855, %swap3A_1856], %get3A_1748 {add = true, strides = array<i32>} : memref<32x128xf32, #tpu.memory_space<vmem>>, vector<16xf32>,
      %add3A_1858 = arith.constant 14 : i32
      %add3A_1859 = arith.addi %mul3A_37, %add3A_1858 : i32
      %get3A_1860 = arith.index_cast %add3A_1859 : i32 to index
      %get3A_1861 = arith.constant 160 : index
      %get3A_1862 = tpu.vector_load %arg7[%get3A_1860, %get3A_1861] {strides = array<i32>} : memref<256x256xf32, #tpu.memory_space<vmem>>, vector<16xf32>,
      %swap3A_1863 = arith.index_cast %squeeze3A_1647 : i32 to index
      %swap3A_1864 = arith.constant 80 : index
      %swap3A_1865 = tpu.vector_load %arg11[%swap3A_1863, %swap3A_1864] {strides = array<i32>} : memref<32x128xf32, #tpu.memory_space<vmem>>, vector<16xf32>,
      tpu.vector_store %arg11[%swap3A_1863, %swap3A_1864], %get3A_1692 {add = true, strides = array<i32>} : memref<32x128xf32, #tpu.memory_space<vmem>>, vector<16xf32>,
      %add3A_1866 = arith.constant 14 : i32
      %add3A_1867 = arith.addi %mul3A_37, %add3A_1866 : i32
      %get3A_1868 = arith.index_cast %add3A_1867 : i32 to index
      %get3A_1869 = arith.constant 176 : index
      %get3A_1870 = tpu.vector_load %arg7[%get3A_1868, %get3A_1869] {strides = array<i32>} : memref<256x256xf32, #tpu.memory_space<vmem>>, vector<16xf32>,
      %swap3A_1871 = arith.index_cast %squeeze3A_1647 : i32 to index
      %swap3A_1872 = arith.constant 80 : index
      %swap3A_1873 = tpu.vector_load %arg12[%swap3A_1871, %swap3A_1872] {strides = array<i32>} : memref<32x128xf32, #tpu.memory_space<vmem>>, vector<16xf32>,
      tpu.vector_store %arg12[%swap3A_1871, %swap3A_1872], %get3A_1756 {add = true, strides = array<i32>} : memref<32x128xf32, #tpu.memory_space<vmem>>, vector<16xf32>,
      %add3A_1874 = arith.constant 14 : i32
      %add3A_1875 = arith.addi %mul3A_37, %add3A_1874 : i32
      %get3A_1876 = arith.index_cast %add3A_1875 : i32 to index
      %get3A_1877 = arith.constant 192 : index
      %get3A_1878 = tpu.vector_load %arg7[%get3A_1876, %get3A_1877] {strides = array<i32>} : memref<256x256xf32, #tpu.memory_space<vmem>>, vector<16xf32>,
      %swap3A_1879 = arith.index_cast %squeeze3A_1647 : i32 to index
      %swap3A_1880 = arith.constant 96 : index
      %swap3A_1881 = tpu.vector_load %arg11[%swap3A_1879, %swap3A_1880] {strides = array<i32>} : memref<32x128xf32, #tpu.memory_space<vmem>>, vector<16xf32>,
      tpu.vector_store %arg11[%swap3A_1879, %swap3A_1880], %get3A_1700 {add = true, strides = array<i32>} : memref<32x128xf32, #tpu.memory_space<vmem>>, vector<16xf32>,
      %add3A_1882 = arith.constant 14 : i32
      %add3A_1883 = arith.addi %mul3A_37, %add3A_1882 : i32
      %get3A_1884 = arith.index_cast %add3A_1883 : i32 to index
      %get3A_1885 = arith.constant 208 : index
      %get3A_1886 = tpu.vector_load %arg7[%get3A_1884, %get3A_1885] {strides = array<i32>} : memref<256x256xf32, #tpu.memory_space<vmem>>, vector<16xf32>,
      %swap3A_1887 = arith.index_cast %squeeze3A_1647 : i32 to index
      %swap3A_1888 = arith.constant 96 : index
      %swap3A_1889 = tpu.vector_load %arg12[%swap3A_1887, %swap3A_1888] {strides = array<i32>} : memref<32x128xf32, #tpu.memory_space<vmem>>, vector<16xf32>,
      tpu.vector_store %arg12[%swap3A_1887, %swap3A_1888], %get3A_1764 {add = true, strides = array<i32>} : memref<32x128xf32, #tpu.memory_space<vmem>>, vector<16xf32>,
      %add3A_1890 = arith.constant 14 : i32
      %add3A_1891 = arith.addi %mul3A_37, %add3A_1890 : i32
      %get3A_1892 = arith.index_cast %add3A_1891 : i32 to index
      %get3A_1893 = arith.constant 224 : index
      %get3A_1894 = tpu.vector_load %arg7[%get3A_1892, %get3A_1893] {strides = array<i32>} : memref<256x256xf32, #tpu.memory_space<vmem>>, vector<16xf32>,
      %swap3A_1895 = arith.index_cast %squeeze3A_1647 : i32 to index
      %swap3A_1896 = arith.constant 112 : index
      %swap3A_1897 = tpu.vector_load %arg11[%swap3A_1895, %swap3A_1896] {strides = array<i32>} : memref<32x128xf32, #tpu.memory_space<vmem>>, vector<16xf32>,
      tpu.vector_store %arg11[%swap3A_1895, %swap3A_1896], %get3A_1708 {add = true, strides = array<i32>} : memref<32x128xf32, #tpu.memory_space<vmem>>, vector<16xf32>,
      %add3A_1898 = arith.constant 14 : i32
      %add3A_1899 = arith.addi %mul3A_37, %add3A_1898 : i32
      %get3A_1900 = arith.index_cast %add3A_1899 : i32 to index
      %get3A_1901 = arith.constant 240 : index
      %get3A_1902 = tpu.vector_load %arg7[%get3A_1900, %get3A_1901] {strides = array<i32>} : memref<256x256xf32, #tpu.memory_space<vmem>>, vector<16xf32>,
      %swap3A_1903 = arith.index_cast %squeeze3A_1647 : i32 to index
      %swap3A_1904 = arith.constant 112 : index
      %swap3A_1905 = tpu.vector_load %arg12[%swap3A_1903, %swap3A_1904] {strides = array<i32>} : memref<32x128xf32, #tpu.memory_space<vmem>>, vector<16xf32>,
      tpu.vector_store %arg12[%swap3A_1903, %swap3A_1904], %get3A_1772 {add = true, strides = array<i32>} : memref<32x128xf32, #tpu.memory_space<vmem>>, vector<16xf32>,
      %slice3A_1906 = vector.extract_strided_slice %get3A_35 {offsets = [15], sizes = [1], strides = [1]} : vector<16xi32> to vector<1xi32>
      %squeeze3A_1907 = vector.extract %slice3A_1906[0] : i32 from vector<1xi32>
      %add3A_1908 = arith.constant 15 : i32
      %add3A_1909 = arith.addi %mul3A_37, %add3A_1908 : i32
      %get3A_1910 = arith.index_cast %add3A_1909 : i32 to index
      %get3A_1911 = arith.constant 0 : index
      %get3A_1912 = tpu.vector_load %arg7[%get3A_1910, %get3A_1911] {strides = array<i32>} : memref<256x256xf32, #tpu.memory_space<vmem>>, vector<16xf32>,
      %swap3A_1913 = arith.index_cast %squeeze3A_1777 : i32 to index
      %swap3A_1914 = arith.constant 0 : index
      %swap3A_1915 = tpu.vector_load %arg11[%swap3A_1913, %swap3A_1914] {strides = array<i32>} : memref<32x128xf32, #tpu.memory_space<vmem>>, vector<16xf32>,
      tpu.vector_store %arg11[%swap3A_1913, %swap3A_1914], %get3A_1782 {add = true, strides = array<i32>} : memref<32x128xf32, #tpu.memory_space<vmem>>, vector<16xf32>,
      %add3A_1916 = arith.constant 15 : i32
      %add3A_1917 = arith.addi %mul3A_37, %add3A_1916 : i32
      %get3A_1918 = arith.index_cast %add3A_1917 : i32 to index
      %get3A_1919 = arith.constant 16 : index
      %get3A_1920 = tpu.vector_load %arg7[%get3A_1918, %get3A_1919] {strides = array<i32>} : memref<256x256xf32, #tpu.memory_space<vmem>>, vector<16xf32>,
      %swap3A_1921 = arith.index_cast %squeeze3A_1777 : i32 to index
      %swap3A_1922 = arith.constant 0 : index
      %swap3A_1923 = tpu.vector_load %arg12[%swap3A_1921, %swap3A_1922] {strides = array<i32>} : memref<32x128xf32, #tpu.memory_space<vmem>>, vector<16xf32>,
      tpu.vector_store %arg12[%swap3A_1921, %swap3A_1922], %get3A_1846 {add = true, strides = array<i32>} : memref<32x128xf32, #tpu.memory_space<vmem>>, vector<16xf32>,
      %add3A_1924 = arith.constant 15 : i32
      %add3A_1925 = arith.addi %mul3A_37, %add3A_1924 : i32
      %get3A_1926 = arith.index_cast %add3A_1925 : i32 to index
      %get3A_1927 = arith.constant 32 : index
      %get3A_1928 = tpu.vector_load %arg7[%get3A_1926, %get3A_1927] {strides = array<i32>} : memref<256x256xf32, #tpu.memory_space<vmem>>, vector<16xf32>,
      %swap3A_1929 = arith.index_cast %squeeze3A_1777 : i32 to index
      %swap3A_1930 = arith.constant 16 : index
      %swap3A_1931 = tpu.vector_load %arg11[%swap3A_1929, %swap3A_1930] {strides = array<i32>} : memref<32x128xf32, #tpu.memory_space<vmem>>, vector<16xf32>,
      tpu.vector_store %arg11[%swap3A_1929, %swap3A_1930], %get3A_1790 {add = true, strides = array<i32>} : memref<32x128xf32, #tpu.memory_space<vmem>>, vector<16xf32>,
      %add3A_1932 = arith.constant 15 : i32
      %add3A_1933 = arith.addi %mul3A_37, %add3A_1932 : i32
      %get3A_1934 = arith.index_cast %add3A_1933 : i32 to index
      %get3A_1935 = arith.constant 48 : index
      %get3A_1936 = tpu.vector_load %arg7[%get3A_1934, %get3A_1935] {strides = array<i32>} : memref<256x256xf32, #tpu.memory_space<vmem>>, vector<16xf32>,
      %swap3A_1937 = arith.index_cast %squeeze3A_1777 : i32 to index
      %swap3A_1938 = arith.constant 16 : index
      %swap3A_1939 = tpu.vector_load %arg12[%swap3A_1937, %swap3A_1938] {strides = array<i32>} : memref<32x128xf32, #tpu.memory_space<vmem>>, vector<16xf32>,
      tpu.vector_store %arg12[%swap3A_1937, %swap3A_1938], %get3A_1854 {add = true, strides = array<i32>} : memref<32x128xf32, #tpu.memory_space<vmem>>, vector<16xf32>,
      %add3A_1940 = arith.constant 15 : i32
      %add3A_1941 = arith.addi %mul3A_37, %add3A_1940 : i32
      %get3A_1942 = arith.index_cast %add3A_1941 : i32 to index
      %get3A_1943 = arith.constant 64 : index
      %get3A_1944 = tpu.vector_load %arg7[%get3A_1942, %get3A_1943] {strides = array<i32>} : memref<256x256xf32, #tpu.memory_space<vmem>>, vector<16xf32>,
      %swap3A_1945 = arith.index_cast %squeeze3A_1777 : i32 to index
      %swap3A_1946 = arith.constant 32 : index
      %swap3A_1947 = tpu.vector_load %arg11[%swap3A_1945, %swap3A_1946] {strides = array<i32>} : memref<32x128xf32, #tpu.memory_space<vmem>>, vector<16xf32>,
      tpu.vector_store %arg11[%swap3A_1945, %swap3A_1946], %get3A_1798 {add = true, strides = array<i32>} : memref<32x128xf32, #tpu.memory_space<vmem>>, vector<16xf32>,
      %add3A_1948 = arith.constant 15 : i32
      %add3A_1949 = arith.addi %mul3A_37, %add3A_1948 : i32
      %get3A_1950 = arith.index_cast %add3A_1949 : i32 to index
      %get3A_1951 = arith.constant 80 : index
      %get3A_1952 = tpu.vector_load %arg7[%get3A_1950, %get3A_1951] {strides = array<i32>} : memref<256x256xf32, #tpu.memory_space<vmem>>, vector<16xf32>,
      %swap3A_1953 = arith.index_cast %squeeze3A_1777 : i32 to index
      %swap3A_1954 = arith.constant 32 : index
      %swap3A_1955 = tpu.vector_load %arg12[%swap3A_1953, %swap3A_1954] {strides = array<i32>} : memref<32x128xf32, #tpu.memory_space<vmem>>, vector<16xf32>,
      tpu.vector_store %arg12[%swap3A_1953, %swap3A_1954], %get3A_1862 {add = true, strides = array<i32>} : memref<32x128xf32, #tpu.memory_space<vmem>>, vector<16xf32>,
      %add3A_1956 = arith.constant 15 : i32
      %add3A_1957 = arith.addi %mul3A_37, %add3A_1956 : i32
      %get3A_1958 = arith.index_cast %add3A_1957 : i32 to index
      %get3A_1959 = arith.constant 96 : index
      %get3A_1960 = tpu.vector_load %arg7[%get3A_1958, %get3A_1959] {strides = array<i32>} : memref<256x256xf32, #tpu.memory_space<vmem>>, vector<16xf32>,
      %swap3A_1961 = arith.index_cast %squeeze3A_1777 : i32 to index
      %swap3A_1962 = arith.constant 48 : index
      %swap3A_1963 = tpu.vector_load %arg11[%swap3A_1961, %swap3A_1962] {strides = array<i32>} : memref<32x128xf32, #tpu.memory_space<vmem>>, vector<16xf32>,
      tpu.vector_store %arg11[%swap3A_1961, %swap3A_1962], %get3A_1806 {add = true, strides = array<i32>} : memref<32x128xf32, #tpu.memory_space<vmem>>, vector<16xf32>,
      %add3A_1964 = arith.constant 15 : i32
      %add3A_1965 = arith.addi %mul3A_37, %add3A_1964 : i32
      %get3A_1966 = arith.index_cast %add3A_1965 : i32 to index
      %get3A_1967 = arith.constant 112 : index
      %get3A_1968 = tpu.vector_load %arg7[%get3A_1966, %get3A_1967] {strides = array<i32>} : memref<256x256xf32, #tpu.memory_space<vmem>>, vector<16xf32>,
      %swap3A_1969 = arith.index_cast %squeeze3A_1777 : i32 to index
      %swap3A_1970 = arith.constant 48 : index
      %swap3A_1971 = tpu.vector_load %arg12[%swap3A_1969, %swap3A_1970] {strides = array<i32>} : memref<32x128xf32, #tpu.memory_space<vmem>>, vector<16xf32>,
      tpu.vector_store %arg12[%swap3A_1969, %swap3A_1970], %get3A_1870 {add = true, strides = array<i32>} : memref<32x128xf32, #tpu.memory_space<vmem>>, vector<16xf32>,
      %add3A_1972 = arith.constant 15 : i32
      %add3A_1973 = arith.addi %mul3A_37, %add3A_1972 : i32
      %get3A_1974 = arith.index_cast %add3A_1973 : i32 to index
      %get3A_1975 = arith.constant 128 : index
      %get3A_1976 = tpu.vector_load %arg7[%get3A_1974, %get3A_1975] {strides = array<i32>} : memref<256x256xf32, #tpu.memory_space<vmem>>, vector<16xf32>,
      %swap3A_1977 = arith.index_cast %squeeze3A_1777 : i32 to index
      %swap3A_1978 = arith.constant 64 : index
      %swap3A_1979 = tpu.vector_load %arg11[%swap3A_1977, %swap3A_1978] {strides = array<i32>} : memref<32x128xf32, #tpu.memory_space<vmem>>, vector<16xf32>,
      tpu.vector_store %arg11[%swap3A_1977, %swap3A_1978], %get3A_1814 {add = true, strides = array<i32>} : memref<32x128xf32, #tpu.memory_space<vmem>>, vector<16xf32>,
      %add3A_1980 = arith.constant 15 : i32
      %add3A_1981 = arith.addi %mul3A_37, %add3A_1980 : i32
      %get3A_1982 = arith.index_cast %add3A_1981 : i32 to index
      %get3A_1983 = arith.constant 144 : index
      %get3A_1984 = tpu.vector_load %arg7[%get3A_1982, %get3A_1983] {strides = array<i32>} : memref<256x256xf32, #tpu.memory_space<vmem>>, vector<16xf32>,
      %swap3A_1985 = arith.index_cast %squeeze3A_1777 : i32 to index
      %swap3A_1986 = arith.constant 64 : index
      %swap3A_1987 = tpu.vector_load %arg12[%swap3A_1985, %swap3A_1986] {strides = array<i32>} : memref<32x128xf32, #tpu.memory_space<vmem>>, vector<16xf32>,
      tpu.vector_store %arg12[%swap3A_1985, %swap3A_1986], %get3A_1878 {add = true, strides = array<i32>} : memref<32x128xf32, #tpu.memory_space<vmem>>, vector<16xf32>,
      %add3A_1988 = arith.constant 15 : i32
      %add3A_1989 = arith.addi %mul3A_37, %add3A_1988 : i32
      %get3A_1990 = arith.index_cast %add3A_1989 : i32 to index
      %get3A_1991 = arith.constant 160 : index
      %get3A_1992 = tpu.vector_load %arg7[%get3A_1990, %get3A_1991] {strides = array<i32>} : memref<256x256xf32, #tpu.memory_space<vmem>>, vector<16xf32>,
      %swap3A_1993 = arith.index_cast %squeeze3A_1777 : i32 to index
      %swap3A_1994 = arith.constant 80 : index
      %swap3A_1995 = tpu.vector_load %arg11[%swap3A_1993, %swap3A_1994] {strides = array<i32>} : memref<32x128xf32, #tpu.memory_space<vmem>>, vector<16xf32>,
      tpu.vector_store %arg11[%swap3A_1993, %swap3A_1994], %get3A_1822 {add = true, strides = array<i32>} : memref<32x128xf32, #tpu.memory_space<vmem>>, vector<16xf32>,
      %add3A_1996 = arith.constant 15 : i32
      %add3A_1997 = arith.addi %mul3A_37, %add3A_1996 : i32
      %get3A_1998 = arith.index_cast %add3A_1997 : i32 to index
      %get3A_1999 = arith.constant 176 : index
      %get3A_2000 = tpu.vector_load %arg7[%get3A_1998, %get3A_1999] {strides = array<i32>} : memref<256x256xf32, #tpu.memory_space<vmem>>, vector<16xf32>,
      %swap3A_2001 = arith.index_cast %squeeze3A_1777 : i32 to index
      %swap3A_2002 = arith.constant 80 : index
      %swap3A_2003 = tpu.vector_load %arg12[%swap3A_2001, %swap3A_2002] {strides = array<i32>} : memref<32x128xf32, #tpu.memory_space<vmem>>, vector<16xf32>,
      tpu.vector_store %arg12[%swap3A_2001, %swap3A_2002], %get3A_1886 {add = true, strides = array<i32>} : memref<32x128xf32, #tpu.memory_space<vmem>>, vector<16xf32>,
      %add3A_2004 = arith.constant 15 : i32
      %add3A_2005 = arith.addi %mul3A_37, %add3A_2004 : i32
      %get3A_2006 = arith.index_cast %add3A_2005 : i32 to index
      %get3A_2007 = arith.constant 192 : index
      %get3A_2008 = tpu.vector_load %arg7[%get3A_2006, %get3A_2007] {strides = array<i32>} : memref<256x256xf32, #tpu.memory_space<vmem>>, vector<16xf32>,
      %swap3A_2009 = arith.index_cast %squeeze3A_1777 : i32 to index
      %swap3A_2010 = arith.constant 96 : index
      %swap3A_2011 = tpu.vector_load %arg11[%swap3A_2009, %swap3A_2010] {strides = array<i32>} : memref<32x128xf32, #tpu.memory_space<vmem>>, vector<16xf32>,
      tpu.vector_store %arg11[%swap3A_2009, %swap3A_2010], %get3A_1830 {add = true, strides = array<i32>} : memref<32x128xf32, #tpu.memory_space<vmem>>, vector<16xf32>,
      %add3A_2012 = arith.constant 15 : i32
      %add3A_2013 = arith.addi %mul3A_37, %add3A_2012 : i32
      %get3A_2014 = arith.index_cast %add3A_2013 : i32 to index
      %get3A_2015 = arith.constant 208 : index
      %get3A_2016 = tpu.vector_load %arg7[%get3A_2014, %get3A_2015] {strides = array<i32>} : memref<256x256xf32, #tpu.memory_space<vmem>>, vector<16xf32>,
      %swap3A_2017 = arith.index_cast %squeeze3A_1777 : i32 to index
      %swap3A_2018 = arith.constant 96 : index
      %swap3A_2019 = tpu.vector_load %arg12[%swap3A_2017, %swap3A_2018] {strides = array<i32>} : memref<32x128xf32, #tpu.memory_space<vmem>>, vector<16xf32>,
      tpu.vector_store %arg12[%swap3A_2017, %swap3A_2018], %get3A_1894 {add = true, strides = array<i32>} : memref<32x128xf32, #tpu.memory_space<vmem>>, vector<16xf32>,
      %add3A_2020 = arith.constant 15 : i32
      %add3A_2021 = arith.addi %mul3A_37, %add3A_2020 : i32
      %get3A_2022 = arith.index_cast %add3A_2021 : i32 to index
      %get3A_2023 = arith.constant 224 : index
      %get3A_2024 = tpu.vector_load %arg7[%get3A_2022, %get3A_2023] {strides = array<i32>} : memref<256x256xf32, #tpu.memory_space<vmem>>, vector<16xf32>,
      %swap3A_2025 = arith.index_cast %squeeze3A_1777 : i32 to index
      %swap3A_2026 = arith.constant 112 : index
      %swap3A_2027 = tpu.vector_load %arg11[%swap3A_2025, %swap3A_2026] {strides = array<i32>} : memref<32x128xf32, #tpu.memory_space<vmem>>, vector<16xf32>,
      tpu.vector_store %arg11[%swap3A_2025, %swap3A_2026], %get3A_1838 {add = true, strides = array<i32>} : memref<32x128xf32, #tpu.memory_space<vmem>>, vector<16xf32>,
      %add3A_2028 = arith.constant 15 : i32
      %add3A_2029 = arith.addi %mul3A_37, %add3A_2028 : i32
      %get3A_2030 = arith.index_cast %add3A_2029 : i32 to index
      %get3A_2031 = arith.constant 240 : index
      %get3A_2032 = tpu.vector_load %arg7[%get3A_2030, %get3A_2031] {strides = array<i32>} : memref<256x256xf32, #tpu.memory_space<vmem>>, vector<16xf32>,
      %swap3A_2033 = arith.index_cast %squeeze3A_1777 : i32 to index
      %swap3A_2034 = arith.constant 112 : index
      %swap3A_2035 = tpu.vector_load %arg12[%swap3A_2033, %swap3A_2034] {strides = array<i32>} : memref<32x128xf32, #tpu.memory_space<vmem>>, vector<16xf32>,
      tpu.vector_store %arg12[%swap3A_2033, %swap3A_2034], %get3A_1902 {add = true, strides = array<i32>} : memref<32x128xf32, #tpu.memory_space<vmem>>, vector<16xf32>,
      %swap3A_2036 = arith.index_cast %squeeze3A_1907 : i32 to index
      %swap3A_2037 = arith.constant 0 : index
      %swap3A_2038 = tpu.vector_load %arg11[%swap3A_2036, %swap3A_2037] {strides = array<i32>} : memref<32x128xf32, #tpu.memory_space<vmem>>, vector<16xf32>,
      tpu.vector_store %arg11[%swap3A_2036, %swap3A_2037], %get3A_1912 {add = true, strides = array<i32>} : memref<32x128xf32, #tpu.memory_space<vmem>>, vector<16xf32>,
      %swap3A_2039 = arith.index_cast %squeeze3A_1907 : i32 to index
      %swap3A_2040 = arith.constant 0 : index
      %swap3A_2041 = tpu.vector_load %arg12[%swap3A_2039, %swap3A_2040] {strides = array<i32>} : memref<32x128xf32, #tpu.memory_space<vmem>>, vector<16xf32>,
      tpu.vector_store %arg12[%swap3A_2039, %swap3A_2040], %get3A_1976 {add = true, strides = array<i32>} : memref<32x128xf32, #tpu.memory_space<vmem>>, vector<16xf32>,
      %swap3A_2042 = arith.index_cast %squeeze3A_1907 : i32 to index
      %swap3A_2043 = arith.constant 16 : index
      %swap3A_2044 = tpu.vector_load %arg11[%swap3A_2042, %swap3A_2043] {strides = array<i32>} : memref<32x128xf32, #tpu.memory_space<vmem>>, vector<16xf32>,
      tpu.vector_store %arg11[%swap3A_2042, %swap3A_2043], %get3A_1920 {add = true, strides = array<i32>} : memref<32x128xf32, #tpu.memory_space<vmem>>, vector<16xf32>,
      %swap3A_2045 = arith.index_cast %squeeze3A_1907 : i32 to index
      %swap3A_2046 = arith.constant 16 : index
      %swap3A_2047 = tpu.vector_load %arg12[%swap3A_2045, %swap3A_2046] {strides = array<i32>} : memref<32x128xf32, #tpu.memory_space<vmem>>, vector<16xf32>,
      tpu.vector_store %arg12[%swap3A_2045, %swap3A_2046], %get3A_1984 {add = true, strides = array<i32>} : memref<32x128xf32, #tpu.memory_space<vmem>>, vector<16xf32>,
      %swap3A_2048 = arith.index_cast %squeeze3A_1907 : i32 to index
      %swap3A_2049 = arith.constant 32 : index
      %swap3A_2050 = tpu.vector_load %arg11[%swap3A_2048, %swap3A_2049] {strides = array<i32>} : memref<32x128xf32, #tpu.memory_space<vmem>>, vector<16xf32>,
      tpu.vector_store %arg11[%swap3A_2048, %swap3A_2049], %get3A_1928 {add = true, strides = array<i32>} : memref<32x128xf32, #tpu.memory_space<vmem>>, vector<16xf32>,
      %swap3A_2051 = arith.index_cast %squeeze3A_1907 : i32 to index
      %swap3A_2052 = arith.constant 32 : index
      %swap3A_2053 = tpu.vector_load %arg12[%swap3A_2051, %swap3A_2052] {strides = array<i32>} : memref<32x128xf32, #tpu.memory_space<vmem>>, vector<16xf32>,
      tpu.vector_store %arg12[%swap3A_2051, %swap3A_2052], %get3A_1992 {add = true, strides = array<i32>} : memref<32x128xf32, #tpu.memory_space<vmem>>, vector<16xf32>,
      %swap3A_2054 = arith.index_cast %squeeze3A_1907 : i32 to index
      %swap3A_2055 = arith.constant 48 : index
      %swap3A_2056 = tpu.vector_load %arg11[%swap3A_2054, %swap3A_2055] {strides = array<i32>} : memref<32x128xf32, #tpu.memory_space<vmem>>, vector<16xf32>,
      tpu.vector_store %arg11[%swap3A_2054, %swap3A_2055], %get3A_1936 {add = true, strides = array<i32>} : memref<32x128xf32, #tpu.memory_space<vmem>>, vector<16xf32>,
      %swap3A_2057 = arith.index_cast %squeeze3A_1907 : i32 to index
      %swap3A_2058 = arith.constant 48 : index
      %swap3A_2059 = tpu.vector_load %arg12[%swap3A_2057, %swap3A_2058] {strides = array<i32>} : memref<32x128xf32, #tpu.memory_space<vmem>>, vector<16xf32>,
      tpu.vector_store %arg12[%swap3A_2057, %swap3A_2058], %get3A_2000 {add = true, strides = array<i32>} : memref<32x128xf32, #tpu.memory_space<vmem>>, vector<16xf32>,
      %swap3A_2060 = arith.index_cast %squeeze3A_1907 : i32 to index
      %swap3A_2061 = arith.constant 64 : index
      %swap3A_2062 = tpu.vector_load %arg11[%swap3A_2060, %swap3A_2061] {strides = array<i32>} : memref<32x128xf32, #tpu.memory_space<vmem>>, vector<16xf32>,
      tpu.vector_store %arg11[%swap3A_2060, %swap3A_2061], %get3A_1944 {add = true, strides = array<i32>} : memref<32x128xf32, #tpu.memory_space<vmem>>, vector<16xf32>,
      %swap3A_2063 = arith.index_cast %squeeze3A_1907 : i32 to index
      %swap3A_2064 = arith.constant 64 : index
      %swap3A_2065 = tpu.vector_load %arg12[%swap3A_2063, %swap3A_2064] {strides = array<i32>} : memref<32x128xf32, #tpu.memory_space<vmem>>, vector<16xf32>,
      tpu.vector_store %arg12[%swap3A_2063, %swap3A_2064], %get3A_2008 {add = true, strides = array<i32>} : memref<32x128xf32, #tpu.memory_space<vmem>>, vector<16xf32>,
      %swap3A_2066 = arith.index_cast %squeeze3A_1907 : i32 to index
      %swap3A_2067 = arith.constant 80 : index
      %swap3A_2068 = tpu.vector_load %arg11[%swap3A_2066, %swap3A_2067] {strides = array<i32>} : memref<32x128xf32, #tpu.memory_space<vmem>>, vector<16xf32>,
      tpu.vector_store %arg11[%swap3A_2066, %swap3A_2067], %get3A_1952 {add = true, strides = array<i32>} : memref<32x128xf32, #tpu.memory_space<vmem>>, vector<16xf32>,
      %swap3A_2069 = arith.index_cast %squeeze3A_1907 : i32 to index
      %swap3A_2070 = arith.constant 80 : index
      %swap3A_2071 = tpu.vector_load %arg12[%swap3A_2069, %swap3A_2070] {strides = array<i32>} : memref<32x128xf32, #tpu.memory_space<vmem>>, vector<16xf32>,
      tpu.vector_store %arg12[%swap3A_2069, %swap3A_2070], %get3A_2016 {add = true, strides = array<i32>} : memref<32x128xf32, #tpu.memory_space<vmem>>, vector<16xf32>,
      %swap3A_2072 = arith.index_cast %squeeze3A_1907 : i32 to index
      %swap3A_2073 = arith.constant 96 : index
      %swap3A_2074 = tpu.vector_load %arg11[%swap3A_2072, %swap3A_2073] {strides = array<i32>} : memref<32x128xf32, #tpu.memory_space<vmem>>, vector<16xf32>,
      tpu.vector_store %arg11[%swap3A_2072, %swap3A_2073], %get3A_1960 {add = true, strides = array<i32>} : memref<32x128xf32, #tpu.memory_space<vmem>>, vector<16xf32>,
      %swap3A_2075 = arith.index_cast %squeeze3A_1907 : i32 to index
      %swap3A_2076 = arith.constant 96 : index
      %swap3A_2077 = tpu.vector_load %arg12[%swap3A_2075, %swap3A_2076] {strides = array<i32>} : memref<32x128xf32, #tpu.memory_space<vmem>>, vector<16xf32>,
      tpu.vector_store %arg12[%swap3A_2075, %swap3A_2076], %get3A_2024 {add = true, strides = array<i32>} : memref<32x128xf32, #tpu.memory_space<vmem>>, vector<16xf32>,
      %swap3A_2078 = arith.index_cast %squeeze3A_1907 : i32 to index
      %swap3A_2079 = arith.constant 112 : index
      %swap3A_2080 = tpu.vector_load %arg11[%swap3A_2078, %swap3A_2079] {strides = array<i32>} : memref<32x128xf32, #tpu.memory_space<vmem>>, vector<16xf32>,
      tpu.vector_store %arg11[%swap3A_2078, %swap3A_2079], %get3A_1968 {add = true, strides = array<i32>} : memref<32x128xf32, #tpu.memory_space<vmem>>, vector<16xf32>,
      %swap3A_2081 = arith.index_cast %squeeze3A_1907 : i32 to index
      %swap3A_2082 = arith.constant 112 : index
      %swap3A_2083 = tpu.vector_load %arg12[%swap3A_2081, %swap3A_2082] {strides = array<i32>} : memref<32x128xf32, #tpu.memory_space<vmem>>, vector<16xf32>,
      tpu.vector_store %arg12[%swap3A_2081, %swap3A_2082], %get3A_2032 {add = true, strides = array<i32>} : memref<32x128xf32, #tpu.memory_space<vmem>>, vector<16xf32>,
    }
    %scan3A_31 = arith.constant 16 : i32
    "tpu.region"() ({
      %run_scoped3A = tpu.sem_alloc : memref<!tpu.dma_semaphore, #tpu.memory_space<semaphore_mem>>
      %dma_start3A_32 = arith.constant 0 : i32
      %dma_start3A_33 = arith.constant 0 : i32
      %dma_start3A_34 = tpu.memref_slice %arg4[%add3A, %dma_start3A_32, %dma_start3A_33] : memref<32x32x256xf32, #tpu.memory_space<hbm>> -> memref<1x32x128xf32, #tpu.memory_space<hbm>>
      %dma_start3A_35 = tpu.memref_squeeze %dma_start3A_34 : memref<1x32x128xf32, #tpu.memory_space<hbm>> -> memref<32x128xf32, #tpu.memory_space<hbm>>
      %dma_start3A_36 = arith.constant 0 : i32
      %dma_start3A_37 = arith.constant 0 : i32
      %dma_start3A_38 = tpu.memref_slice %arg4[%add3A, %dma_start3A_36, %dma_start3A_37] : memref<32x32x256xf32, #tpu.memory_space<hbm>> -> memref<1x32x128xf32, #tpu.memory_space<hbm>>
      %dma_start3A_39 = tpu.memref_squeeze %dma_start3A_38 : memref<1x32x128xf32, #tpu.memory_space<hbm>> -> memref<32x128xf32, #tpu.memory_space<hbm>>
      tpu.enqueue_dma source(%arg11 : memref<32x128xf32, #tpu.memory_space<vmem>>) target(%dma_start3A_39 : memref<32x128xf32, #tpu.memory_space<hbm>>) target_semaphore(%run_scoped3A : memref<!tpu.dma_semaphore, #tpu.memory_space<semaphore_mem>>)
      %dma_wait3A_40 = arith.constant 0 : i32
      %dma_wait3A_41 = arith.constant 0 : i32
      %dma_wait3A_42 = tpu.memref_slice %arg4[%add3A, %dma_wait3A_40, %dma_wait3A_41] : memref<32x32x256xf32, #tpu.memory_space<hbm>> -> memref<1x32x128xf32, #tpu.memory_space<hbm>>
      %dma_wait3A_43 = tpu.memref_squeeze %dma_wait3A_42 : memref<1x32x128xf32, #tpu.memory_space<hbm>> -> memref<32x128xf32, #tpu.memory_space<hbm>>
      %dma_wait3A_44 = arith.constant 0 : i32
      %dma_wait3A_45 = arith.constant 0 : i32
      %dma_wait3A_46 = tpu.memref_slice %arg4[%add3A, %dma_wait3A_44, %dma_wait3A_45] : memref<32x32x256xf32, #tpu.memory_space<hbm>> -> memref<1x32x128xf32, #tpu.memory_space<hbm>>
      %dma_wait3A_47 = tpu.memref_squeeze %dma_wait3A_46 : memref<1x32x128xf32, #tpu.memory_space<hbm>> -> memref<32x128xf32, #tpu.memory_space<hbm>>
      tpu.wait_dma2 semaphore(%run_scoped3A : memref<!tpu.dma_semaphore, #tpu.memory_space<semaphore_mem>>) src(%arg11 : memref<32x128xf32, #tpu.memory_space<vmem>>) dst(%dma_wait3A_47 : memref<32x128xf32, #tpu.memory_space<hbm>>)
      tpu.yield
    }) : () -> ()
    "tpu.region"() ({
      %run_scoped3A = tpu.sem_alloc : memref<!tpu.dma_semaphore, #tpu.memory_space<semaphore_mem>>
      %dma_start3A_32 = arith.constant 0 : i32
      %dma_start3A_33 = arith.constant 128 : i32
      %dma_start3A_34 = tpu.memref_slice %arg4[%add3A, %dma_start3A_32, %dma_start3A_33] : memref<32x32x256xf32, #tpu.memory_space<hbm>> -> memref<1x32x128xf32, #tpu.memory_space<hbm>>
      %dma_start3A_35 = tpu.memref_squeeze %dma_start3A_34 : memref<1x32x128xf32, #tpu.memory_space<hbm>> -> memref<32x128xf32, #tpu.memory_space<hbm>>
      %dma_start3A_36 = arith.constant 0 : i32
      %dma_start3A_37 = arith.constant 128 : i32
      %dma_start3A_38 = tpu.memref_slice %arg4[%add3A, %dma_start3A_36, %dma_start3A_37] : memref<32x32x256xf32, #tpu.memory_space<hbm>> -> memref<1x32x128xf32, #tpu.memory_space<hbm>>
      %dma_start3A_39 = tpu.memref_squeeze %dma_start3A_38 : memref<1x32x128xf32, #tpu.memory_space<hbm>> -> memref<32x128xf32, #tpu.memory_space<hbm>>
      tpu.enqueue_dma source(%arg12 : memref<32x128xf32, #tpu.memory_space<vmem>>) target(%dma_start3A_39 : memref<32x128xf32, #tpu.memory_space<hbm>>) target_semaphore(%run_scoped3A : memref<!tpu.dma_semaphore, #tpu.memory_space<semaphore_mem>>)
      %dma_wait3A_40 = arith.constant 0 : i32
      %dma_wait3A_41 = arith.constant 128 : i32
      %dma_wait3A_42 = tpu.memref_slice %arg4[%add3A, %dma_wait3A_40, %dma_wait3A_41] : memref<32x32x256xf32, #tpu.memory_space<hbm>> -> memref<1x32x128xf32, #tpu.memory_space<hbm>>
      %dma_wait3A_43 = tpu.memref_squeeze %dma_wait3A_42 : memref<1x32x128xf32, #tpu.memory_space<hbm>> -> memref<32x128xf32, #tpu.memory_space<hbm>>
      %dma_wait3A_44 = arith.constant 0 : i32
      %dma_wait3A_45 = arith.constant 128 : i32
      %dma_wait3A_46 = tpu.memref_slice %arg4[%add3A, %dma_wait3A_44, %dma_wait3A_45] : memref<32x32x256xf32, #tpu.memory_space<hbm>> -> memref<1x32x128xf32, #tpu.memory_space<hbm>>
      %dma_wait3A_47 = tpu.memref_squeeze %dma_wait3A_46 : memref<1x32x128xf32, #tpu.memory_space<hbm>> -> memref<32x128xf32, #tpu.memory_space<hbm>>
      tpu.wait_dma2 semaphore(%run_scoped3A : memref<!tpu.dma_semaphore, #tpu.memory_space<semaphore_mem>>) src(%arg12 : memref<32x128xf32, #tpu.memory_space<vmem>>) dst(%dma_wait3A_47 : memref<32x128xf32, #tpu.memory_space<hbm>>)
      tpu.yield
    }) : () -> ()
    "tpu.region"() ({
      %run_scoped3A = tpu.sem_alloc : memref<!tpu.dma_semaphore, #tpu.memory_space<semaphore_mem>>
      %dma_start3A_32 = arith.constant 0 : i32
      %dma_start3A_33 = tpu.memref_slice %arg5[%add3A, %dma_start3A_32] : memref<32x32xf32, #tpu.memory_space<hbm>> -> memref<1x32xf32, #tpu.memory_space<hbm>>
      %dma_start3A_34 = tpu.memref_squeeze %dma_start3A_33 : memref<1x32xf32, #tpu.memory_space<hbm>> -> memref<32xf32, #tpu.memory_space<hbm>>
      %dma_start3A_35 = arith.constant 0 : i32
      %dma_start3A_36 = tpu.memref_slice %arg5[%add3A, %dma_start3A_35] : memref<32x32xf32, #tpu.memory_space<hbm>> -> memref<1x32xf32, #tpu.memory_space<hbm>>
      %dma_start3A_37 = tpu.memref_squeeze %dma_start3A_36 : memref<1x32xf32, #tpu.memory_space<hbm>> -> memref<32xf32, #tpu.memory_space<hbm>>
      tpu.enqueue_dma source(%arg8 : memref<32xf32, #tpu.memory_space<vmem>>) target(%dma_start3A_37 : memref<32xf32, #tpu.memory_space<hbm>>) target_semaphore(%run_scoped3A : memref<!tpu.dma_semaphore, #tpu.memory_space<semaphore_mem>>)
      %dma_wait3A_38 = arith.constant 0 : i32
      %dma_wait3A_39 = tpu.memref_slice %arg5[%add3A, %dma_wait3A_38] : memref<32x32xf32, #tpu.memory_space<hbm>> -> memref<1x32xf32, #tpu.memory_space<hbm>>
      %dma_wait3A_40 = tpu.memref_squeeze %dma_wait3A_39 : memref<1x32xf32, #tpu.memory_space<hbm>> -> memref<32xf32, #tpu.memory_space<hbm>>
      %dma_wait3A_41 = arith.constant 0 : i32
      %dma_wait3A_42 = tpu.memref_slice %arg5[%add3A, %dma_wait3A_41] : memref<32x32xf32, #tpu.memory_space<hbm>> -> memref<1x32xf32, #tpu.memory_space<hbm>>
      %dma_wait3A_43 = tpu.memref_squeeze %dma_wait3A_42 : memref<1x32xf32, #tpu.memory_space<hbm>> -> memref<32xf32, #tpu.memory_space<hbm>>
      tpu.wait_dma2 semaphore(%run_scoped3A : memref<!tpu.dma_semaphore, #tpu.memory_space<semaphore_mem>>) src(%arg8 : memref<32xf32, #tpu.memory_space<vmem>>) dst(%dma_wait3A_43 : memref<32xf32, #tpu.memory_space<hbm>>)
      tpu.yield
    }) : () -> ()
    return
  }
}

module attributes {stable_mosaic.version = 14 : i64} {
  func.func @_tc_body(%arg0: memref<32x32x256xf32, #tpu.memory_space<vmem>>, %arg1: memref<32x32xf32, #tpu.memory_space<vmem>>, %arg2: memref<32x256xf32, #tpu.memory_space<vmem>>, %arg3: memref<32xf32, #tpu.memory_space<vmem>>) attributes {dimension_semantics = [], scalar_prefetch = 0 : i64, scratch_operands = 0 : i64, tpu.core_type = #tpu.core_type<tc>} {
    %get3A = arith.constant 0 : index
    %get3A_0 = arith.constant 0 : index
    %get3A_1 = vector.load %arg1[%get3A, %get3A_0] : memref<32x32xf32, #tpu.memory_space<vmem>>, vector<32x32xf32>
    %reduce_sum3A = arith.constant dense<0.000000e+00> : vector<32xf32>
    %reduce_sum3A_2 = vector.multi_reduction <add>, %get3A_1, %reduce_sum3A [0] : vector<32x32xf32> to vector<32xf32>
    %broadcast_in_dim3A = vector.shape_cast %reduce_sum3A_2 : vector<32xf32> to vector<32x1xf32>
    %add3A = arith.constant 9.99999993E-9 : f32
    %add3A_3 = vector.broadcast %add3A : f32 to vector<32x1xf32>
    %add3A_4 = arith.addf %broadcast_in_dim3A, %add3A_3 : vector<32x1xf32>
    %div3A = arith.constant 1.000000e+00 : f32
    %div3A_5 = vector.broadcast %div3A : f32 to vector<32x1xf32>
    %div3A_6 = arith.divf %div3A_5, %add3A_4 : vector<32x1xf32>
    %get3A_7 = arith.constant 0 : index
    %get3A_8 = arith.constant 0 : index
    %get3A_9 = arith.constant 0 : index
    %get3A_10 = vector.load %arg0[%get3A_7, %get3A_8, %get3A_9] : memref<32x32x256xf32, #tpu.memory_space<vmem>>, vector<32x32x256xf32>
    %reduce_sum3A_11 = arith.constant dense<0.000000e+00> : vector<32x256xf32>
    %reduce_sum3A_12 = vector.multi_reduction <add>, %get3A_10, %reduce_sum3A_11 [0] : vector<32x32x256xf32> to vector<32x256xf32>
    %get3A_13 = arith.constant 0 : index
    %get3A_14 = arith.constant 0 : index
    %get3A_15 = vector.load %arg2[%get3A_13, %get3A_14] : memref<32x256xf32, #tpu.memory_space<vmem>>, vector<32x256xf32>
    %mul3A = vector.broadcast %broadcast_in_dim3A : vector<32x1xf32> to vector<32x256xf32>
    %mul3A_16 = arith.mulf %mul3A, %get3A_15 : vector<32x256xf32>
    %sub3A = arith.subf %reduce_sum3A_12, %mul3A_16 : vector<32x256xf32>
    %mul3A_17 = vector.broadcast %div3A_6 : vector<32x1xf32> to vector<32x256xf32>
    %mul3A_18 = arith.mulf %sub3A, %mul3A_17 : vector<32x256xf32>
    %mul3A_19 = arith.mulf %mul3A_18, %mul3A_18 : vector<32x256xf32>
    %reduce_sum3A_20 = arith.constant dense<0.000000e+00> : vector<32xf32>
    %reduce_sum3A_21 = vector.multi_reduction <add>, %mul3A_19, %reduce_sum3A_20 [1] : vector<32x256xf32> to vector<32xf32>
    %sqrt3A = math.sqrt %reduce_sum3A_21 : vector<32xf32>
    %swap3A = arith.constant 0 : index
    %swap3A_22 = vector.load %arg3[%swap3A] : memref<32xf32, #tpu.memory_space<vmem>>, vector<32xf32>
    tpu.vector_store %arg3[%swap3A], %sqrt3A {strides = array<i32>} : memref<32xf32, #tpu.memory_space<vmem>>, vector<32xf32>,
    return
  }
}

</mosaic_0001>

<sc_bundles>
// kernel: kernel.4.cloned.1.call-start
scs
__scs_entry_jumppad:
0x0: {  	(pc) =	sbr.rel $0x88, $3  }
0x1: {  	(tag) =	ssettag $0x0;
	lr =	simm.s32 $0x1  }
0x2: {  	[smem:$0x3F9E] =	sst lr;
	_ =	strace $0xD0000000  }
0x3: {  	_ = 	snop  }
0x4: {  	_ = 	snop  }
0x5: {  	_ = 	snop  }
0x6: {  	_ = 	snop  }
0x7: {  	_ = 	snop  }
__scs_overlays_trampoline_lowered:
0x8: {  	[smem:$0x3FAD] =	sst s0  }
0x9: {  	[smem:$0x3FAE] =	sst s1  }
0xa: {  	[smem:$0x3FAF] =	sst s2  }
0xb: {  	[smem:$0x3FB0] =	sst s3  }
0xc: {  	[smem:$0x3FB1] =	sst s4  }
0xd: {  	[smem:$0x3FB2] =	sst s5  }
0xe: {  	[smem:$0x3FB3] =	sst s6  }
0xf: {  	[smem:$0x3FB4] =	sst s7  }
0x10: {  	[smem:$0x3FB5] =	sst s8  }
0x11: {  	[smem:$0x3FB6] =	sst s9;
	s0 =	simm.s32 @!p0 $0x0  }
0x12: {  	s1 =	sld [smem:$0x3F9C];
	s0 =	simm.s32 @p0 $0x1  }
0x13: {  	[smem:$0x3FB7] =	sst s0;
	s0 =	simm.s32 @!p1 $0x0  }
0x14: {  	s2 =	sld [smem:$0x3F9B];
	s0 =	simm.s32 @p1 $0x1  }
0x15: {  	[smem:$0x3FB8] =	sst s0;
	s0 =	simm.s32 @!p2 $0x0  }
0x16: {  	s3 =	sld [smem:$0x3FDB];
	s0 =	simm.s32 @p2 $0x1  }
0x17: {  	s4 =	simm.s32 $0x1BF5;
	[smem:$0x3FBA] =	sst s0  }
0x18: {  	s0 =	sld [smem:$0x3F9D];
	_ =	swait.ge [sflag:s4], $0x0  }
0x19: {  	s7 =	sld [smem:$0x3F9E]  }
0x1a: {  	s8 =	sadd.s32 $0xFFFFE003, lr  }
0x1b: {  	s9 =	sadd.s32 $0xFFFFFEF7, lr;
	s5 =	simm.s32 $0xFFFFFFFF;
	p2 =	slt.u32 s8, $0xFFFFF086  }
0x1c: {  	p1 =	slt.u32 s9, $0xF7A;
	s5 =	simm.s32 @!p2 $0x0  }
0x1d: {  	s5 =	simm.s32 @p1 $0x1;
	p0 =	seq.s32 s7, s2  }
0x1e: {  	s7 =	smul.u32 @!p0 $0xF7A, s2;
	p2 =	seq.s32 @!p0 s5, $0x0  }
0x1f: {  	s9 =	smul.u32 $0xF7A, s1;
	s8 =	simm.s32 @!p0 $0x1BF5;
	p2 =	por !p2, p0  }
0x20: {  	[sflag:s8] =	ssyncset.s32 @!p0 $0xFFFFF086;
	s6 =	sadd.s32 @!p0 s3, s7;
	s7 =	simm.s32 @!p0 $0x108  }
0x21: {  	s3 =	sadd.s32 s3, s9;
	s6 =	sadd.s32 @!p0 $0x88, s6;
	s7 =	simm.s32 @p2 $0x1082  }
0x22: {  	[simem:s7], [sflag:s8] =	dma.local @!p0 [hbm:s6], $0xF7A  }
0x23: {  	s9 =	sor.u32 $0xD0000000, s2;
	s6 =	simm.s32 $0x108;
	_ =	swait.ge @!p0 [sflag:s8], $0x0  }
0x24: {  	s3 =	sadd.s32 $0x88, s3;
	s6 =	simm.s32 @!p1 $0x1082;
	[sflag:s4] =	ssyncset.s32 $0xFFFFF086  }
0x25: {  	[simem:s6], [sflag:s4] =	dma.local [hbm:s3], $0xF7A  }
0x26: {  	[smem:$0x3F9E] =	sst s1;
	(tag) =	ssettag s2;
	_ =	strace s9  }
0x27: {  	s1 =	sld [smem:$0x3FAE]  }
0x28: {  	s2 =	sld [smem:$0x3FAF]  }
0x29: {  	s4 =	sld [smem:$0x3FB1]  }
0x2a: {  	p0 =	seq.s32 s5, $0x0;
	s5 =	sld [smem:$0x3FB2]  }
0x2b: {  	s6 =	sld [smem:$0x3FB3]  }
0x2c: {  	s7 =	sld [smem:$0x3FB4]  }
0x2d: {  	s3 =	simm.s32 $0x108;
	s8 =	sld [smem:$0x3FB5]  }
0x2e: {  	s3 =	simm.s32 @!p0 $0x1082;
	s9 =	sld [smem:$0x3FB6]  }
0x2f: {  	lr =	sadd.s32 s0, s3;
	s0 =	sld [smem:$0x3FAD]  }
0x30: {  	s3 =	sld [smem:$0x3FB0]  }
0x31: {  	[smem:$0x3FB9] =	sst s10  }
0x32: {  	s10 =	sld [smem:$0x3FB7];
	_ =	sdelay $0x3  }
0x33: {  	p0 =	seq.s32 s10, $0x1;
	s10 =	sld [smem:$0x3FB9];
	_ =	sdelay $0x3  }
0x34: {  	[smem:$0x3FB9] =	sst s10  }
0x35: {  	s10 =	sld [smem:$0x3FB8];
	_ =	sdelay $0x3  }
0x36: {  	p1 =	seq.s32 s10, $0x1;
	s10 =	sld [smem:$0x3FB9];
	_ =	sdelay $0x3  }
0x37: {  	[smem:$0x3FB9] =	sst s10  }
0x38: {  	s10 =	sld [smem:$0x3FBA]  }
0x39: {  	_ = 	snop;
	(pc) =	sbr.ind lr, $3  }
0x3a: {  	_ = 	snop  }
0x3b: {  	_ = 	snop  }
0x3c: {  	p2 =	seq.s32 s10, $0x1;
	s10 =	sld [smem:$0x3FB9]  }
0x3d: {  	_ =	shalt  }
0x3e: {  	_ =	shalt  }
0x3f: {  	_ =	shalt  }
0x40: {  	_ =	shalt  }
0x41: {  	_ =	shalt  }
0x42: {  	_ =	shalt  }
0x43: {  	_ =	shalt  }
0x44: {  	_ =	shalt  }
0x45: {  	_ =	shalt  }
0x46: {  	_ =	shalt  }
0x47: {  	_ =	shalt  }
0x48: {  	_ =	shalt  }
0x49: {  	_ =	shalt  }
0x4a: {  	_ =	shalt  }
0x4b: {  	_ =	shalt  }
0x4c: {  	_ =	shalt  }
0x4d: {  	_ =	shalt  }
0x4e: {  	_ =	shalt  }
0x4f: {  	_ =	shalt  }
0x50: {  	_ =	shalt  }
0x51: {  	_ =	shalt  }
0x52: {  	_ =	shalt  }
0x53: {  	_ =	shalt  }
0x54: {  	_ =	shalt  }
0x55: {  	_ =	shalt  }
0x56: {  	_ =	shalt  }
0x57: {  	_ =	shalt  }
0x58: {  	_ =	shalt  }
0x59: {  	_ =	shalt  }
0x5a: {  	_ =	shalt  }
0x5b: {  	_ =	shalt  }
0x5c: {  	_ =	shalt  }
0x5d: {  	_ =	shalt  }
0x5e: {  	_ =	shalt  }
0x5f: {  	_ =	shalt  }
0x60: {  	_ =	shalt  }
0x61: {  	_ =	shalt  }
0x62: {  	_ =	shalt  }
0x63: {  	_ =	shalt  }
0x64: {  	_ =	shalt  }
0x65: {  	_ =	shalt  }
0x66: {  	_ =	shalt  }
0x67: {  	_ =	shalt  }
0x68: {  	_ =	shalt  }
0x69: {  	_ =	shalt  }
0x6a: {  	_ =	shalt  }
0x6b: {  	_ =	shalt  }
0x6c: {  	_ =	shalt  }
0x6d: {  	_ =	shalt  }
0x6e: {  	_ =	shalt  }
0x6f: {  	_ =	shalt  }
0x70: {  	_ =	shalt  }
0x71: {  	_ =	shalt  }
0x72: {  	_ =	shalt  }
0x73: {  	_ =	shalt  }
0x74: {  	_ =	shalt  }
0x75: {  	_ =	shalt  }
0x76: {  	_ =	shalt  }
0x77: {  	_ =	shalt  }
0x78: {  	_ =	shalt  }
0x79: {  	_ =	shalt  }
0x7a: {  	_ =	shalt  }
0x7b: {  	_ =	shalt  }
0x7c: {  	_ =	shalt  }
0x7d: {  	_ =	shalt  }
0x7e: {  	_ =	shalt  }
0x7f: {  	_ =	shalt  }
0x80: {  	_ =	shalt  }
0x81: {  	_ =	shalt  }
0x82: {  	_ =	shalt  }
0x83: {  	_ =	shalt  }
0x84: {  	_ =	shalt  }
0x85: {  	_ =	shalt  }
0x86: {  	_ =	shalt  }
0x87: {  	_ =	shalt  }
.Lfunc_end0:
.L_simem_size_0:
called_computation_lowered:
.L_overlay_start_0:
0x88: {  	s2 =	sld [smem:$0x3FD9]  }
0x89: {  	s3 =	sld [smem:$0x3FFE];
	_ =	sdelay $0x1  }
0x8a: {  	s1 =	srdreg.scid  }
0x8b: {  	s0 =	sand.u32 $0x1, s1  }
0x8c: {  	s17 =	sshll.u32 s0, $0xA;
	s2 =	sadd.s32 s3, s2  }
0x8d: {  	s2 =	sadd.s32 s2, s17  }
0x8e: {  	[smem:$0x3FC5] =	sst s2  }
0x8f: {  	_ = 	snop  }
0x90: {  	s2 =	sld [smem:$0x3FC9]  }
0x91: {  	s18 =	sld [smem:$0x3FC7];
	(tm) =	ssettm $0x1  }
0x92: {  	s4 =	sld [smem:$0x3FFB];
	_ =	sdelay $0x3  }
0x93: {  	_ =	strace s4  }
0x94: {  	s4 =	sld [smem:$0x3FFC];
	_ =	sdelay $0x3  }
0x95: {  	_ =	strace s4  }
0x96: {  	s4 =	sld [smem:$0x3FFD];
	_ =	sdelay $0x3  }
0x97: {  	_ =	strace s4  }
0x98: {  	_ =	strace $0x8FFFFFFF  }
0x99: {  	s19 =	sld [smem:$0x3FDB];
	_ =	sdelay $0x1  }
0x9a: {  	s5 =	simm.s32 $_scs_section_size  }
0x9b: {  	s6 =	simm.s32 $_size__tile_overlayer_lowered;
	s7 =	simm.s32 $_tile_overlayer_lowered  }
0x9c: {  	s22 =	simm.s32 $0x1BFF;
	s21 =	sshll.u32 s7, $0x1;
	s4 =	sadd.s32 s5, s19  }
0x9d: {  	s8 =	simm.s32 $0x0;
	s20 =	sshll.u32 s6, $0x1;
	s6 =	sadd.s32 s21, s4  }
0x9e: {  	[timem:s8], [sflag:s22] =	dma.local [hbm:s6], s20  }
0x9f: {  	_ =	swait.ge [sflag:s22], s20  }
0xa0: {  	s5 =	ssub.s32 $0x0, s20;
	[sflag:s22] =	ssyncset.done $0x0  }
0xa1: {  	[sflag:s22] =	ssyncadd.s32 s5;
	_ =	sdelay $0x1  }
0xa2: {  	s23 =	simm.s32 $0x1B8B  }
0xa3: {  	_ =	swait.ge [sflag:s23], $0x1  }
0xa4: {  	[sflag:s23] =	ssyncset.done $0x0  }
0xa5: {  	s25 =	simm.s32 $0x1B8E;
	s24 =	sld [smem:$0x3FFE];
	[sflag:s23] =	ssyncadd.s32 $0xFFFFFFFF  }
0xa6: {  	s26 =	simm.s32 $execute0_lowered;
	[smem:$0x3FD2] =	sst s25  }
0xa7: {  	s6 =	sshll.u32 s26, $0x1;
	_ =	strace $0x80000046;
	[dreg:$0x1] =	wrdreg $0xFFFFFFFF  }
0xa8: {  	s28 =	simm.s32 $_size_execute0_lowered;
	s4 =	sadd.s32 s4, s6;
	[dreg:$0x0] =	wrdreg $0x0  }
0xa9: {  	s6 =	sshll.u32 s28, $0x1;
	[dreg:$0x2] =	wrdreg s4  }
0xaa: {  	[dreg:$0x3] =	wrdreg s6  }
0xab: {  	[dreg:$0x4] =	wrdreg $0xC0  }
0xac: {  	_ =	task [dreg:s8], $0x5FFFF  }
0xad: {  	[dreg:$0x1] =	wrdreg $0xFFFFFFFF  }
0xae: {  	[dreg:$0x0] =	wrdreg $0x60  }
0xaf: {  	[dreg:$0x2] =	wrdreg s18  }
0xb0: {  	[dreg:$0x3] =	wrdreg s2  }
0xb1: {  	[dreg:$0x4] =	wrdreg s24  }
0xb2: {  	[dreg:$0x5] =	wrdreg $0x9  }
0xb3: {  	_ =	task.clear_ibuf [dreg:s8], $0x6FFFF;
	_ =	strace $0x90000046  }
0xb4: {  	s29 =	simm.s32 $0x9;
	_ =	strace $0x80000048  }
0xb5: {  	_ =	swait.ge [sflag:s29], $0x1  }
0xb6: {  	[sflag:s29] =	ssyncadd.s32 $0xFFFFFFFF  }
0xb7: {  	_ =	strace $0x90000048  }
0xb8: {  	_ =	sfence  }
0xb9: {  	s30 =	sld [smem:$0x0];
	_ =	sdelay $0x2  }
0xba: {  	s31 =	sshll.u32 s1, $0xD;
	s1 =	sshrl.u32 s1, $0x2  }
0xbb: {  	s3 =	sand.u32 $0x4000, s31;
	s1 =	sadd.s32 s1, s30  }
0xbc: {  	s0 =	sor.u32 s3, s0;
	s1 =	sshll.u32 s1, $0x11  }
0xbd: {  	s0 =	sor.u32 s1, s0  }
0xbe: {  	s0 =	sadd.s32 $0x8F2B, s0  }
0xbf: {  	[sflag:s0] =	ssyncadd.remote.s32 $0x1  }
0xc0: {  	_ =	sfence.sel $0xFFFF  }
0xc1: {  	[dreg:$0x0] =	wrdreg $0xFFFFFFFF;
	(pc) =	sbr.abs _section_cstart, $3  }
0xc2: {  	[dreg:$0x1] =	wrdreg $0xFFFFFFFF  }
0xc3: {  	_ =	task.clear_ibuf [dreg:s8], $0x2FFFF;
	_ =	strace $0x9FFFFFFF  }
0xc4: {  	(tm) =	ssettm $0x7FFFFFFF  }
0xc5: {  	_ =	shalt  }
tec
execute0_lowered:
.L_overlay_start_1:
0x0: {  	(tag) =	ssettag $0x1  }
0x1: {  	s4 =	rddreg [dreg:$0x0]  }
0x2: {  	s3 =	rddreg [dreg:$0x1]  }
0x3: {  	s5 =	rddreg [dreg:$0x2]  }
0x4: {  	s0 =	rddreg [dreg:$0x3]  }
0x5: {  	s6 =	srdreg.scid;
	s1 =	stileid.u32;
	s2 =	simm.s32 $0x0  }
0x6: {  	s12 =	simm.s32 $0x2;
	s13 =	simm.s32 $0x12000;
	s14 =	simm.s32 $0x1  }
0x7: {  	s15 =	simm.s32 $0x400;
	s16 =	simm.s32 $0x12180;
	s17 =	simm.s32 $0x13180  }
0x8: {  	s6 =	sand.u32 $0x1, s6;
	s7 =	sshll.u32 s1, $0x1;
	[smem:$0x7FF] =	sst s2  }
0x9: {  	s18 =	simm.s32 $0x0;
	s7 =	sor.u32 s6, s7;
	_ =	strace $0x80000047  }
0xa: {  	s6 =	ssub.s32 $0x2, s6;
	s8 =	sshll.u32 s7, $0xA;
	s9 =	sshll.u32 s7, $0x4  }
0xb: {  	s30 =	sshrl.u32 s6, $0x1;
	s10 =	sshll.u32 s7, $0xD;
	s31 =	sshll.u32 s7, $0x8  }
0xc: {  	s8 =	sadd.s32 s8, s5;
	s9 =	sadd.s32 s9, s5;
	s11 =	ssub.s32 s6, s30  }
0xd: {  	s3 =	sadd.s32 s3, s10;
	s4 =	sadd.s32 s4, s31;
	s10 =	simm.s32 $0x800  }
0xe: {  	s5 =	sadd.s32 $0xE00, s8;
	s6 =	sadd.s32 $0xE80, s8;
	s7 =	sadd.s32 $0x8E00, s9  }
0xf: {  	v0 =	vimm.f32 $0.0e+00;
	v1 =	vimm.s32 $0x0;
	v2 =	vimm.f32 $1.000000000e+00;
	s8 =	smax.u32 s11, $0x1;
	s9 =	simm.s32 $0x2000;
	s11 =	simm.s32 $0x10000  }
.LBB2_1:
0x10: {  	[tilespmem:s9], [sflag:$0x1] =	stream.linear.gather [hbm4b:s3+s2], $0x10000, $0x38;
	[tilespmem:$0x14180] =	vst v63  }
0x11: {  	_ = 	snop  }
0x12: {  	[tilespmem:s2], [sflag:$0x2] =	stream.strided.gather [hbm4b:s4+s10], $0x2000, s11, s10, $0x38;
	[tilespmem:$0x14180] =	vst v63  }
0x13: {  	_ =	swait.ge [sflag:s12], $0x2000  }
0x14: {  	[sflag:s12] =	ssyncset.done $0x0  }
0x15: {  	s19 =	simm.s32 $0x0;
	s20 =	simm.s32 $0x200;
	[sflag:s12] =	ssyncadd.s32 $0xFFFFE000  }
.LBB2_2:
0x16: {  	p0 =	sne.s32 s20, $0x3E00;
	[tilespmem:s19+$0x131F0] =	vst v0  }
0x17: {  	[tilespmem:s19+$0x12180] =	vst v0  }
0x18: {  	[tilespmem:s19+$0x12190] =	vst v0  }
0x19: {  	[tilespmem:s19+$0x121A0] =	vst v0  }
0x1a: {  	[tilespmem:s19+$0x121B0] =	vst v0  }
0x1b: {  	[tilespmem:s19+$0x121C0] =	vst v0  }
0x1c: {  	[tilespmem:s19+$0x121D0] =	vst v0  }
0x1d: {  	[tilespmem:s19+$0x121E0] =	vst v0  }
0x1e: {  	[tilespmem:s19+$0x121F0] =	vst v0  }
0x1f: {  	[tilespmem:s19+$0x13180] =	vst v0  }
0x20: {  	[tilespmem:s19+$0x13190] =	vst v0  }
.Ltmp0:
0x21: {  	[tilespmem:s19+$0x131A0] =	vst v0;
	(pc) =	sbr.rel @p0 .LBB2_2-.Ltmp0, $4  }
0x22: {  	[tilespmem:s19+$0x131B0] =	vst v0  }
0x23: {  	[tilespmem:s19+$0x131C0] =	vst v0  }
0x24: {  	[tilespmem:s19+$0x131D0] =	vst v0  }
0x25: {  	[tilespmem:s19+$0x131E0] =	vst v0;
	s19 =	sshra.s32 s20, $0x2;
	s20 =	sadd.s32 $0x200, s20  }
0x26: {  	[tilespmem:s19+$0x131F0] =	vst v0  }
0x27: {  	[tilespmem:s19+$0x12180] =	vst v0  }
0x28: {  	[tilespmem:s19+$0x12190] =	vst v0  }
0x29: {  	[tilespmem:s19+$0x121A0] =	vst v0  }
0x2a: {  	[tilespmem:s19+$0x121B0] =	vst v0  }
0x2b: {  	[tilespmem:s19+$0x121C0] =	vst v0  }
0x2c: {  	[tilespmem:s19+$0x121D0] =	vst v0  }
0x2d: {  	[tilespmem:s19+$0x121E0] =	vst v0  }
0x2e: {  	[tilespmem:s19+$0x121F0] =	vst v0  }
0x2f: {  	[tilespmem:s19+$0x13180] =	vst v0  }
0x30: {  	[tilespmem:s19+$0x13190] =	vst v0  }
0x31: {  	[tilespmem:s19+$0x131A0] =	vst v0  }
0x32: {  	[tilespmem:s19+$0x131B0] =	vst v0  }
0x33: {  	[tilespmem:s19+$0x131C0] =	vst v0  }
0x34: {  	[tilespmem:s19+$0x131D0] =	vst v0  }
0x35: {  	[tilespmem:s19+$0x131E0] =	vst v0;
	s30 =	simm.s32 $0x0  }
0x36: {  	[tilespmem:$0x12000] =	vst v0;
	s20 =	sand.u32 $0x70, s30;
	s19 =	sand.u32 $0x400, s30  }
0x37: {  	[tilespmem:$0x12010] =	vst v0;
	s19 =	sor.u32 s20, s19  }
0x38: {  	v3 =	vld [tilespmem:s19+$0x80]  }
0x39: {  	v4 =	vld [tilespmem:s19+$0x0];
	_ =	sdelay $0x1  }
0x3a: {  	v5 =	vld [tilespmem:s19+$0x100];
	_ =	sdelay $0x1  }
0x3b: {  	v6 =	vld [tilespmem:s19+$0x180]  }
0x3c: {  	vm0 =	vgt.f32 v3, v4  }
0x3d: {  	v35 =	vld [tilespmem:s19+$0x200];
	v3 =	vsel vm0, v3, v4  }
0x3e: {  	vm1 =	vgt.f32 v5, v3  }
0x3f: {  	v36 =	vld [tilespmem:s19+$0x280];
	v3 =	vsel vm1, v5, v3  }
0x40: {  	vm2 =	vgt.f32 v6, v3  }
0x41: {  	v37 =	vld [tilespmem:s19+$0x300];
	v3 =	vsel vm2, v6, v3  }
0x42: {  	vm3 =	vgt.f32 v35, v3  }
0x43: {  	v38 =	vld [tilespmem:s19+$0x380];
	v3 =	vsel vm3, v35, v3  }
0x44: {  	vm4 =	vgt.f32 v36, v3  }
0x45: {  	v39 =	vld [tilespmem:s19+$0x800];
	v3 =	vsel vm4, v36, v3  }
0x46: {  	vm5 =	vgt.f32 v37, v3  }
0x47: {  	v40 =	vld [tilespmem:s19+$0x880];
	v3 =	vsel vm5, v37, v3  }
0x48: {  	vm6 =	vgt.f32 v38, v3  }
0x49: {  	v41 =	vld [tilespmem:s19+$0x900];
	v3 =	vsel vm6, v38, v3  }
0x4a: {  	vm7 =	vgt.f32 v39, v3  }
0x4b: {  	v42 =	vld [tilespmem:s19+$0x980];
	v3 =	vsel vm7, v39, v3  }
0x4c: {  	vm8 =	vgt.f32 v40, v3  }
0x4d: {  	v43 =	vld [tilespmem:s19+$0xA00];
	v3 =	vsel vm8, v40, v3  }
0x4e: {  	vm9 =	vgt.f32 v41, v3  }
0x4f: {  	v44 =	vld [tilespmem:s19+$0xA80];
	v3 =	vsel vm9, v41, v3  }
0x50: {  	vm10 =	vgt.f32 v42, v3  }
0x51: {  	v45 =	vld [tilespmem:s19+$0xB00];
	v3 =	vsel vm10, v42, v3  }
0x52: {  	vm11 =	vgt.f32 v43, v3  }
0x53: {  	v46 =	vld [tilespmem:s19+$0xB80];
	v3 =	vsel vm11, v43, v3  }
0x54: {  	vm12 =	vgt.f32 v44, v3  }
0x55: {  	v47 =	vld [tilespmem:s19+$0x1000];
	v3 =	vsel vm12, v44, v3  }
0x56: {  	vm13 =	vgt.f32 v45, v3  }
0x57: {  	v48 =	vld [tilespmem:s19+$0x1080];
	v3 =	vsel vm13, v45, v3  }
0x58: {  	vm14 =	vgt.f32 v46, v3  }
0x59: {  	v49 =	vld [tilespmem:s19+$0x1100];
	v3 =	vsel vm14, v46, v3  }
0x5a: {  	vm15 =	vgt.f32 v47, v3  }
0x5b: {  	v50 =	vld [tilespmem:s19+$0x1180];
	v7 =	vsel vm0, $0x1, v1;
	v3 =	vsel vm15, v47, v3  }
0x5c: {  	v7 =	vsel vm1, $0x2, v7;
	vm0 =	vgt.f32 v48, v3  }
0x5d: {  	v51 =	vld [tilespmem:s19+$0x1200];
	v7 =	vsel vm2, $0x3, v7;
	v3 =	vsel vm0, v48, v3  }
0x5e: {  	v7 =	vsel vm3, $0x4, v7;
	vm1 =	vgt.f32 v49, v3  }
0x5f: {  	v52 =	vld [tilespmem:s19+$0x1280];
	v7 =	vsel vm4, $0x5, v7;
	v3 =	vsel vm1, v49, v3  }
0x60: {  	v7 =	vsel vm5, $0x6, v7;
	vm2 =	vgt.f32 v50, v3  }
0x61: {  	v53 =	vld [tilespmem:s19+$0x1300];
	v7 =	vsel vm6, $0x7, v7;
	v3 =	vsel vm2, v50, v3  }
0x62: {  	v7 =	vsel vm7, $0x8, v7;
	vm3 =	vgt.f32 v51, v3  }
0x63: {  	v54 =	vld [tilespmem:s19+$0x1380];
	v7 =	vsel vm8, $0x9, v7;
	v3 =	vsel vm3, v51, v3  }
0x64: {  	v7 =	vsel vm9, $0xA, v7;
	vm4 =	vgt.f32 v52, v3  }
0x65: {  	v55 =	vld [tilespmem:s19+$0x1800];
	v7 =	vsel vm10, $0xB, v7;
	v3 =	vsel vm4, v52, v3  }
0x66: {  	v7 =	vsel vm11, $0xC, v7;
	vm11 =	vgt.f32 v53, v3  }
0x67: {  	v56 =	vld [tilespmem:s19+$0x1880];
	v7 =	vsel vm12, $0xD, v7;
	v3 =	vsel vm11, v53, v3  }
0x68: {  	v7 =	vsel vm13, $0xE, v7;
	vm13 =	vgt.f32 v54, v3  }
0x69: {  	v57 =	vld [tilespmem:s19+$0x1900];
	v7 =	vsel vm14, $0xF, v7;
	v3 =	vsel vm13, v54, v3  }
0x6a: {  	v7 =	vsel vm15, $0x10, v7;
	vm15 =	vgt.f32 v55, v3  }
0x6b: {  	v58 =	vld [tilespmem:s19+$0x1980];
	v7 =	vsel vm0, $0x11, v7;
	v3 =	vsel vm15, v55, v3  }
0x6c: {  	v7 =	vsel vm1, $0x12, v7;
	vm9 =	vgt.f32 v56, v3  }
0x6d: {  	v59 =	vld [tilespmem:s19+$0x1A00];
	v7 =	vsel vm2, $0x13, v7;
	v3 =	vsel vm9, v56, v3  }
0x6e: {  	v7 =	vsel vm3, $0x14, v7;
	vm10 =	vgt.f32 v57, v3  }
0x6f: {  	v60 =	vld [tilespmem:s19+$0x1A80];
	v7 =	vsel vm4, $0x15, v7;
	v3 =	vsel vm10, v57, v3  }
0x70: {  	v7 =	vsel vm11, $0x16, v7;
	vm11 =	vgt.f32 v58, v3  }
0x71: {  	v61 =	vld [tilespmem:s19+$0x1B00];
	v7 =	vsel vm13, $0x17, v7;
	v3 =	vsel vm11, v58, v3  }
0x72: {  	v7 =	vsel vm15, $0x18, v7;
	vm12 =	vgt.f32 v59, v3  }
0x73: {  	v62 =	vld [tilespmem:s19+$0x1B80];
	v7 =	vsel vm9, $0x19, v7;
	v3 =	vsel vm12, v59, v3  }
0x74: {  	v7 =	vsel vm10, $0x1A, v7;
	vm13 =	vgt.f32 v60, v3  }
0x75: {  	v7 =	vsel vm11, $0x1B, v7;
	v3 =	vsel vm13, v60, v3  }
0x76: {  	v63 =	vsel vm12, $0x1C, v7;
	vm14 =	vgt.f32 v61, v3  }
0x77: {  	v5 =	vsel vm13, $0x1D, v63;
	v3 =	vsel vm14, v61, v3  }
0x78: {  	v5 =	vsel vm14, $0x1E, v5;
	vm15 =	vgt.f32 v62, v3  }
0x79: {  	v3 =	vsel vm15, $0x1F, v5;
	_ =	sdelay $0x2  }
0x7a: {  	s31 =	simm.s32 $0x10;
	s21 =	simm.s32 $0x80;
	s19 =	simm.s32 $0x12080  }
0x7b: {  	s22 =	sand.u32 $0x400, s21;
	s20 =	sand.u32 $0x70, s31;
	[tilespmem:s19+$0x0] =	vst v3  }
0x7c: {  	s20 =	sor.u32 s20, s22;
	s22 =	simm.s32 $0x20;
	[tilespmem:v3+s13+$0x0] =	vst.idx.add.f32.msk $0xffff, v2  }
.LBB2_4:
0x7d: {  	p0 =	sne.s32 s22, $0xF0;
	v3 =	vld [tilespmem:s20+$0x80]  }
0x7e: {  	v4 =	vld [tilespmem:s20+$0x0];
	_ =	sdelay $0x1  }
0x7f: {  	v5 =	vld [tilespmem:s20+$0x100];
	_ =	sdelay $0x1  }
0x80: {  	v6 =	vld [tilespmem:s20+$0x180]  }
0x81: {  	vm0 =	vgt.f32 v3, v4  }
0x82: {  	v3 =	vsel vm0, v3, v4;
	v4 =	vld [tilespmem:s20+$0x200]  }
0x83: {  	vm1 =	vgt.f32 v5, v3  }
0x84: {  	v3 =	vsel vm1, v5, v3;
	v5 =	vld [tilespmem:s20+$0x280]  }
0x85: {  	vm2 =	vgt.f32 v6, v3  }
0x86: {  	v3 =	vsel vm2, v6, v3;
	v6 =	vld [tilespmem:s20+$0x300]  }
0x87: {  	vm3 =	vgt.f32 v4, v3  }
0x88: {  	v3 =	vsel vm3, v4, v3;
	v4 =	vld [tilespmem:s20+$0x380]  }
0x89: {  	vm4 =	vgt.f32 v5, v3  }
0x8a: {  	v3 =	vsel vm4, v5, v3;
	v5 =	vld [tilespmem:s20+$0x800]  }
0x8b: {  	vm5 =	vgt.f32 v6, v3  }
0x8c: {  	v3 =	vsel vm5, v6, v3;
	v6 =	vld [tilespmem:s20+$0x880]  }
0x8d: {  	vm6 =	vgt.f32 v4, v3  }
0x8e: {  	v3 =	vsel vm6, v4, v3;
	v4 =	vld [tilespmem:s20+$0x900]  }
0x8f: {  	vm7 =	vgt.f32 v5, v3  }
0x90: {  	v3 =	vsel vm7, v5, v3;
	v5 =	vld [tilespmem:s20+$0x980]  }
0x91: {  	vm8 =	vgt.f32 v6, v3  }
0x92: {  	v3 =	vsel vm8, v6, v3;
	v6 =	vld [tilespmem:s20+$0xA00]  }
0x93: {  	vm9 =	vgt.f32 v4, v3  }
0x94: {  	v3 =	vsel vm9, v4, v3;
	v4 =	vld [tilespmem:s20+$0xA80]  }
0x95: {  	vm10 =	vgt.f32 v5, v3  }
0x96: {  	v3 =	vsel vm10, v5, v3;
	v5 =	vld [tilespmem:s20+$0xB00]  }
0x97: {  	vm11 =	vgt.f32 v6, v3  }
0x98: {  	v3 =	vsel vm11, v6, v3;
	v6 =	vld [tilespmem:s20+$0xB80]  }
0x99: {  	vm12 =	vgt.f32 v4, v3  }
0x9a: {  	v3 =	vsel vm12, v4, v3;
	v4 =	vld [tilespmem:s20+$0x1000]  }
0x9b: {  	vm13 =	vgt.f32 v5, v3  }
0x9c: {  	v3 =	vsel vm13, v5, v3;
	v5 =	vld [tilespmem:s20+$0x1080]  }
0x9d: {  	vm14 =	vgt.f32 v6, v3  }
0x9e: {  	v3 =	vsel vm14, v6, v3;
	v6 =	vld [tilespmem:s20+$0x1100]  }
0x9f: {  	vm15 =	vgt.f32 v4, v3  }
0xa0: {  	v7 =	vsel vm0, $0x1, v1;
	v3 =	vsel vm15, v4, v3;
	v4 =	vld [tilespmem:s20+$0x1180]  }
0xa1: {  	v7 =	vsel vm1, $0x2, v7;
	vm0 =	vgt.f32 v5, v3  }
0xa2: {  	v7 =	vsel vm2, $0x3, v7;
	v3 =	vsel vm0, v5, v3;
	v5 =	vld [tilespmem:s20+$0x1200]  }
0xa3: {  	v7 =	vsel vm3, $0x4, v7;
	vm1 =	vgt.f32 v6, v3  }
0xa4: {  	v7 =	vsel vm4, $0x5, v7;
	v3 =	vsel vm1, v6, v3;
	v6 =	vld [tilespmem:s20+$0x1280]  }
0xa5: {  	v7 =	vsel vm5, $0x6, v7;
	vm2 =	vgt.f32 v4, v3  }
0xa6: {  	v7 =	vsel vm6, $0x7, v7;
	v3 =	vsel vm2, v4, v3;
	v4 =	vld [tilespmem:s20+$0x1300]  }
0xa7: {  	v7 =	vsel vm7, $0x8, v7;
	vm3 =	vgt.f32 v5, v3  }
0xa8: {  	v7 =	vsel vm8, $0x9, v7;
	v3 =	vsel vm3, v5, v3;
	v5 =	vld [tilespmem:s20+$0x1380]  }
0xa9: {  	v7 =	vsel vm9, $0xA, v7;
	vm4 =	vgt.f32 v6, v3  }
0xaa: {  	v7 =	vsel vm10, $0xB, v7;
	v3 =	vsel vm4, v6, v3;
	v6 =	vld [tilespmem:s20+$0x1800]  }
0xab: {  	v7 =	vsel vm11, $0xC, v7;
	vm5 =	vgt.f32 v4, v3  }
0xac: {  	v7 =	vsel vm12, $0xD, v7;
	v3 =	vsel vm5, v4, v3;
	v4 =	vld [tilespmem:s20+$0x1880]  }
0xad: {  	v7 =	vsel vm13, $0xE, v7;
	vm6 =	vgt.f32 v5, v3  }
0xae: {  	v7 =	vsel vm14, $0xF, v7;
	v3 =	vsel vm6, v5, v3;
	v5 =	vld [tilespmem:s20+$0x1900]  }
0xaf: {  	v7 =	vsel vm15, $0x10, v7;
	vm7 =	vgt.f32 v6, v3  }
0xb0: {  	v7 =	vsel vm0, $0x11, v7;
	v3 =	vsel vm7, v6, v3;
	v6 =	vld [tilespmem:s20+$0x1980]  }
0xb1: {  	v7 =	vsel vm1, $0x12, v7;
	vm0 =	vgt.f32 v4, v3  }
0xb2: {  	v7 =	vsel vm2, $0x13, v7;
	v3 =	vsel vm0, v4, v3;
	v4 =	vld [tilespmem:s20+$0x1A00]  }
0xb3: {  	v7 =	vsel vm3, $0x14, v7;
	vm1 =	vgt.f32 v5, v3  }
0xb4: {  	v7 =	vsel vm4, $0x15, v7;
	v3 =	vsel vm1, v5, v3;
	v5 =	vld [tilespmem:s20+$0x1A80]  }
0xb5: {  	v7 =	vsel vm5, $0x16, v7;
	vm2 =	vgt.f32 v6, v3  }
0xb6: {  	v7 =	vsel vm6, $0x17, v7;
	v3 =	vsel vm2, v6, v3;
	v6 =	vld [tilespmem:s20+$0x1B00]  }
0xb7: {  	v7 =	vsel vm7, $0x18, v7;
	vm3 =	vgt.f32 v4, v3  }
0xb8: {  	v7 =	vsel vm0, $0x19, v7;
	v3 =	vsel vm3, v4, v3;
	v4 =	vld [tilespmem:s20+$0x1B80]  }
0xb9: {  	v7 =	vsel vm1, $0x1A, v7;
	vm0 =	vgt.f32 v5, v3  }
0xba: {  	v7 =	vsel vm2, $0x1B, v7;
	v3 =	vsel vm0, v5, v3  }
0xbb: {  	v5 =	vsel vm3, $0x1C, v7;
	vm1 =	vgt.f32 v6, v3  }
0xbc: {  	v5 =	vsel vm0, $0x1D, v5;
	v3 =	vsel vm1, v6, v3  }
0xbd: {  	v5 =	vsel vm1, $0x1E, v5;
	vm0 =	vgt.f32 v4, v3  }
0xbe: {  	v3 =	vsel vm0, $0x1F, v5  }
.Ltmp1:
0xbf: {  	(pc) =	sbr.rel @p0 .LBB2_4-.Ltmp1, $4  }
0xc0: {  	_ = 	snop  }
0xc1: {  	s21 =	sadd.s32 $0x80, s21;
	s19 =	sadd.s32 $0x10, s19  }
0xc2: {  	s23 =	sand.u32 $0x400, s21;
	s20 =	sand.u32 $0x70, s22;
	[tilespmem:s19+$0x0] =	vst v3  }
0xc3: {  	s22 =	sadd.s32 $0x10, s22;
	s20 =	sor.u32 s20, s23;
	[tilespmem:v3+s13+$0x0] =	vst.idx.add.f32.msk $0xffff, v2  }
0xc4: {  	v3 =	vld [tilespmem:s20+$0x80]  }
0xc5: {  	v4 =	vld [tilespmem:s20+$0x0];
	_ =	sdelay $0x1  }
0xc6: {  	v5 =	vld [tilespmem:s20+$0x100];
	_ =	sdelay $0x1  }
0xc7: {  	v6 =	vld [tilespmem:s20+$0x180]  }
0xc8: {  	vm0 =	vgt.f32 v3, v4  }
0xc9: {  	v35 =	vld [tilespmem:s20+$0x200];
	v3 =	vsel vm0, v3, v4  }
0xca: {  	vm1 =	vgt.f32 v5, v3  }
0xcb: {  	v36 =	vld [tilespmem:s20+$0x280];
	v3 =	vsel vm1, v5, v3  }
0xcc: {  	vm2 =	vgt.f32 v6, v3  }
0xcd: {  	v37 =	vld [tilespmem:s20+$0x300];
	v3 =	vsel vm2, v6, v3  }
0xce: {  	vm3 =	vgt.f32 v35, v3  }
0xcf: {  	v38 =	vld [tilespmem:s20+$0x380];
	v3 =	vsel vm3, v35, v3  }
0xd0: {  	vm4 =	vgt.f32 v36, v3  }
0xd1: {  	v39 =	vld [tilespmem:s20+$0x800];
	v3 =	vsel vm4, v36, v3  }
0xd2: {  	vm5 =	vgt.f32 v37, v3  }
0xd3: {  	v40 =	vld [tilespmem:s20+$0x880];
	v3 =	vsel vm5, v37, v3  }
0xd4: {  	vm6 =	vgt.f32 v38, v3  }
0xd5: {  	v41 =	vld [tilespmem:s20+$0x900];
	v3 =	vsel vm6, v38, v3  }
0xd6: {  	vm7 =	vgt.f32 v39, v3  }
0xd7: {  	v42 =	vld [tilespmem:s20+$0x980];
	v3 =	vsel vm7, v39, v3  }
0xd8: {  	vm8 =	vgt.f32 v40, v3  }
0xd9: {  	v43 =	vld [tilespmem:s20+$0xA00];
	v3 =	vsel vm8, v40, v3  }
0xda: {  	vm9 =	vgt.f32 v41, v3  }
0xdb: {  	v44 =	vld [tilespmem:s20+$0xA80];
	v3 =	vsel vm9, v41, v3  }
0xdc: {  	vm10 =	vgt.f32 v42, v3  }
0xdd: {  	v45 =	vld [tilespmem:s20+$0xB00];
	v3 =	vsel vm10, v42, v3  }
0xde: {  	vm11 =	vgt.f32 v43, v3  }
0xdf: {  	v46 =	vld [tilespmem:s20+$0xB80];
	v3 =	vsel vm11, v43, v3  }
0xe0: {  	vm12 =	vgt.f32 v44, v3  }
0xe1: {  	v47 =	vld [tilespmem:s20+$0x1000];
	v3 =	vsel vm12, v44, v3  }
0xe2: {  	vm13 =	vgt.f32 v45, v3  }
0xe3: {  	v48 =	vld [tilespmem:s20+$0x1080];
	v3 =	vsel vm13, v45, v3  }
0xe4: {  	vm14 =	vgt.f32 v46, v3  }
0xe5: {  	v49 =	vld [tilespmem:s20+$0x1100];
	v3 =	vsel vm14, v46, v3  }
0xe6: {  	vm15 =	vgt.f32 v47, v3  }
0xe7: {  	v50 =	vld [tilespmem:s20+$0x1180];
	v7 =	vsel vm0, $0x1, v1;
	v3 =	vsel vm15, v47, v3  }
0xe8: {  	v7 =	vsel vm1, $0x2, v7;
	vm0 =	vgt.f32 v48, v3  }
0xe9: {  	v51 =	vld [tilespmem:s20+$0x1200];
	v7 =	vsel vm2, $0x3, v7;
	v3 =	vsel vm0, v48, v3  }
0xea: {  	v7 =	vsel vm3, $0x4, v7;
	vm1 =	vgt.f32 v49, v3  }
0xeb: {  	v52 =	vld [tilespmem:s20+$0x1280];
	v7 =	vsel vm4, $0x5, v7;
	v3 =	vsel vm1, v49, v3  }
0xec: {  	v7 =	vsel vm5, $0x6, v7;
	vm2 =	vgt.f32 v50, v3  }
0xed: {  	v53 =	vld [tilespmem:s20+$0x1300];
	v7 =	vsel vm6, $0x7, v7;
	v3 =	vsel vm2, v50, v3  }
0xee: {  	v7 =	vsel vm7, $0x8, v7;
	vm3 =	vgt.f32 v51, v3  }
0xef: {  	v54 =	vld [tilespmem:s20+$0x1380];
	v7 =	vsel vm8, $0x9, v7;
	v3 =	vsel vm3, v51, v3  }
0xf0: {  	v7 =	vsel vm9, $0xA, v7;
	vm4 =	vgt.f32 v52, v3  }
0xf1: {  	v55 =	vld [tilespmem:s20+$0x1800];
	v7 =	vsel vm10, $0xB, v7;
	v3 =	vsel vm4, v52, v3  }
0xf2: {  	v7 =	vsel vm11, $0xC, v7;
	vm11 =	vgt.f32 v53, v3  }
0xf3: {  	v56 =	vld [tilespmem:s20+$0x1880];
	v7 =	vsel vm12, $0xD, v7;
	v3 =	vsel vm11, v53, v3  }
0xf4: {  	v7 =	vsel vm13, $0xE, v7;
	vm13 =	vgt.f32 v54, v3  }
0xf5: {  	v57 =	vld [tilespmem:s20+$0x1900];
	v7 =	vsel vm14, $0xF, v7;
	v3 =	vsel vm13, v54, v3  }
0xf6: {  	v7 =	vsel vm15, $0x10, v7;
	vm15 =	vgt.f32 v55, v3  }
0xf7: {  	v58 =	vld [tilespmem:s20+$0x1980];
	v7 =	vsel vm0, $0x11, v7;
	v3 =	vsel vm15, v55, v3  }
0xf8: {  	v7 =	vsel vm1, $0x12, v7;
	vm9 =	vgt.f32 v56, v3  }
0xf9: {  	v59 =	vld [tilespmem:s20+$0x1A00];
	v7 =	vsel vm2, $0x13, v7;
	v3 =	vsel vm9, v56, v3  }
0xfa: {  	v7 =	vsel vm3, $0x14, v7;
	vm10 =	vgt.f32 v57, v3  }
0xfb: {  	v60 =	vld [tilespmem:s20+$0x1A80];
	v7 =	vsel vm4, $0x15, v7;
	v3 =	vsel vm10, v57, v3  }
0xfc: {  	v7 =	vsel vm11, $0x16, v7;
	vm11 =	vgt.f32 v58, v3  }
0xfd: {  	v61 =	vld [tilespmem:s20+$0x1B00];
	v7 =	vsel vm13, $0x17, v7;
	v3 =	vsel vm11, v58, v3  }
0xfe: {  	v7 =	vsel vm15, $0x18, v7;
	vm12 =	vgt.f32 v59, v3  }
0xff: {  	v62 =	vld [tilespmem:s20+$0x1B80];
	v7 =	vsel vm9, $0x19, v7;
	v3 =	vsel vm12, v59, v3  }
0x100: {  	v7 =	vsel vm10, $0x1A, v7;
	vm13 =	vgt.f32 v60, v3  }
0x101: {  	v7 =	vsel vm11, $0x1B, v7;
	v3 =	vsel vm13, v60, v3  }
0x102: {  	v63 =	vsel vm12, $0x1C, v7;
	vm14 =	vgt.f32 v61, v3  }
0x103: {  	v5 =	vsel vm13, $0x1D, v63;
	v3 =	vsel vm14, v61, v3  }
0x104: {  	v5 =	vsel vm14, $0x1E, v5;
	vm15 =	vgt.f32 v62, v3  }
0x105: {  	v3 =	vsel vm15, $0x1F, v5;
	_ =	sdelay $0x2  }
0x106: {  	s19 =	sadd.s32 $0x10, s19  }
0x107: {  	[tilespmem:s19+$0x0] =	vst v3  }
0x108: {  	[tilespmem:v3+s13+$0x0] =	vst.idx.add.f32.msk $0xffff, v2  }
0x109: {  	_ =	swait.ge [sflag:s14], $0x10000  }
0x10a: {  	[sflag:s14] =	ssyncset.done $0x0  }
0x10b: {  	s19 =	simm.s32 $0x0;
	[sflag:s14] =	ssyncadd.s32 $0xFFFF0000  }
.LBB2_6:
0x10c: {  	s20 =	sshll.u32 s19, $0x4  }
0x10d: {  	s20 =	sand.u32 $0x3FFFFFF0, s20  }
0x10e: {  	v3 =	vld [tilespmem:s20+$0x12080];
	_ =	sdelay $0x2  }
0x10f: {  	s24 =	sshll.u32 s19, $0xC  }
0x110: {  	s20 =	sand.u32 $0x3FFFF000, s24  }
0x111: {  	v4 =	vld [tilespmem:s20+$0x2000];
	v3 =	vshll.u32 v3, $0x7  }
0x112: {  	v5 =	vld [tilespmem:s20+$0x2010];
	(v2sf) =	vpush v3, $0x0  }
0x113: {  	v6 =	vld [tilespmem:s20+$0x2020]  }
0x114: {  	v7 =	vld [tilespmem:s20+$0x2030]  }
0x115: {  	v8 =	vld [tilespmem:s20+$0x2040]  }
0x116: {  	v9 =	vld [tilespmem:s20+$0x2050]  }
0x117: {  	v10 =	vld [tilespmem:s20+$0x2060]  }
0x118: {  	v11 =	vld [tilespmem:s20+$0x2070]  }
0x119: {  	v12 =	vld [tilespmem:s20+$0x2400]  }
0x11a: {  	v13 =	vld [tilespmem:s20+$0x2410]  }
0x11b: {  	v14 =	vld [tilespmem:s20+$0x2420]  }
0x11c: {  	v15 =	vld [tilespmem:s20+$0x2430]  }
0x11d: {  	v16 =	vld [tilespmem:s20+$0x2440]  }
0x11e: {  	v17 =	vld [tilespmem:s20+$0x2450]  }
0x11f: {  	v18 =	vld [tilespmem:s20+$0x2460]  }
0x120: {  	v19 =	vld [tilespmem:s20+$0x2470]  }
0x121: {  	v20 =	vld [tilespmem:s20+$0x2080];
	s21 =	spop (v2sf)  }
0x122: {  	[tilespmem:s21+$0x12180] =	vst.add.f32.msk $0xffff, v4  }
0x123: {  	v4 =	vld [tilespmem:s20+$0x2090]  }
0x124: {  	[tilespmem:s21+$0x13180] =	vst.add.f32.msk $0xffff, v12  }
0x125: {  	v12 =	vld [tilespmem:s20+$0x20A0]  }
0x126: {  	[tilespmem:s21+$0x12190] =	vst.add.f32.msk $0xffff, v5  }
0x127: {  	v5 =	vld [tilespmem:s20+$0x20B0]  }
0x128: {  	[tilespmem:s21+$0x13190] =	vst.add.f32.msk $0xffff, v13  }
0x129: {  	v13 =	vld [tilespmem:s20+$0x20C0]  }
0x12a: {  	[tilespmem:s21+$0x121A0] =	vst.add.f32.msk $0xffff, v6  }
0x12b: {  	v6 =	vld [tilespmem:s20+$0x20D0]  }
0x12c: {  	[tilespmem:s21+$0x131A0] =	vst.add.f32.msk $0xffff, v14  }
0x12d: {  	v14 =	vld [tilespmem:s20+$0x20E0]  }
0x12e: {  	[tilespmem:s21+$0x121B0] =	vst.add.f32.msk $0xffff, v7  }
0x12f: {  	v7 =	vld [tilespmem:s20+$0x20F0]  }
0x130: {  	[tilespmem:s21+$0x131B0] =	vst.add.f32.msk $0xffff, v15  }
0x131: {  	v15 =	vld [tilespmem:s20+$0x2480]  }
0x132: {  	[tilespmem:s21+$0x121C0] =	vst.add.f32.msk $0xffff, v8  }
0x133: {  	v8 =	vld [tilespmem:s20+$0x2490]  }
0x134: {  	[tilespmem:s21+$0x131C0] =	vst.add.f32.msk $0xffff, v16  }
0x135: {  	v16 =	vld [tilespmem:s20+$0x24A0]  }
0x136: {  	[tilespmem:s21+$0x121D0] =	vst.add.f32.msk $0xffff, v9  }
0x137: {  	v9 =	vld [tilespmem:s20+$0x24B0]  }
0x138: {  	[tilespmem:s21+$0x131D0] =	vst.add.f32.msk $0xffff, v17  }
0x139: {  	v17 =	vld [tilespmem:s20+$0x24C0]  }
0x13a: {  	[tilespmem:s21+$0x121E0] =	vst.add.f32.msk $0xffff, v10  }
0x13b: {  	v10 =	vld [tilespmem:s20+$0x24D0];
	(v2sf) =	vpush v3, $0x1;
	_ =	sdelay $0x9  }
0x13c: {  	[tilespmem:s21+$0x131E0] =	vst.add.f32.msk $0xffff, v18  }
0x13d: {  	v18 =	vld [tilespmem:s20+$0x24E0]  }
0x13e: {  	[tilespmem:s21+$0x121F0] =	vst.add.f32.msk $0xffff, v11  }
0x13f: {  	v11 =	vld [tilespmem:s20+$0x24F0]  }
0x140: {  	[tilespmem:s21+$0x131F0] =	vst.add.f32.msk $0xffff, v19  }
0x141: {  	v19 =	vld [tilespmem:s20+$0x2100];
	s25 =	spop (v2sf)  }
0x142: {  	[tilespmem:s25+$0x12180] =	vst.add.f32.msk $0xffff, v20  }
0x143: {  	v20 =	vld [tilespmem:s20+$0x2110]  }
0x144: {  	[tilespmem:s25+$0x13180] =	vst.add.f32.msk $0xffff, v15  }
0x145: {  	v15 =	vld [tilespmem:s20+$0x2120]  }
0x146: {  	[tilespmem:s25+$0x12190] =	vst.add.f32.msk $0xffff, v4  }
0x147: {  	v4 =	vld [tilespmem:s20+$0x2130]  }
0x148: {  	[tilespmem:s25+$0x13190] =	vst.add.f32.msk $0xffff, v8  }
0x149: {  	v8 =	vld [tilespmem:s20+$0x2140]  }
0x14a: {  	[tilespmem:s25+$0x121A0] =	vst.add.f32.msk $0xffff, v12  }
0x14b: {  	v12 =	vld [tilespmem:s20+$0x2150]  }
0x14c: {  	[tilespmem:s25+$0x131A0] =	vst.add.f32.msk $0xffff, v16  }
0x14d: {  	v16 =	vld [tilespmem:s20+$0x2160]  }
0x14e: {  	[tilespmem:s25+$0x121B0] =	vst.add.f32.msk $0xffff, v5  }
0x14f: {  	v5 =	vld [tilespmem:s20+$0x2170]  }
0x150: {  	[tilespmem:s25+$0x131B0] =	vst.add.f32.msk $0xffff, v9  }
0x151: {  	v9 =	vld [tilespmem:s20+$0x2500]  }
0x152: {  	(v2sf) =	vpush v3, $0x2;
	[tilespmem:s25+$0x121C0] =	vst.add.f32.msk $0xffff, v13  }
0x153: {  	v13 =	vld [tilespmem:s20+$0x2510]  }
0x154: {  	[tilespmem:s25+$0x131C0] =	vst.add.f32.msk $0xffff, v17  }
0x155: {  	v17 =	vld [tilespmem:s20+$0x2520]  }
0x156: {  	[tilespmem:s25+$0x121D0] =	vst.add.f32.msk $0xffff, v6  }
0x157: {  	v6 =	vld [tilespmem:s20+$0x2530]  }
0x158: {  	[tilespmem:s25+$0x131D0] =	vst.add.f32.msk $0xffff, v10  }
0x159: {  	v10 =	vld [tilespmem:s20+$0x2540]  }
0x15a: {  	[tilespmem:s25+$0x121E0] =	vst.add.f32.msk $0xffff, v14  }
0x15b: {  	v14 =	vld [tilespmem:s20+$0x2550]  }
0x15c: {  	[tilespmem:s25+$0x131E0] =	vst.add.f32.msk $0xffff, v18  }
0x15d: {  	v18 =	vld [tilespmem:s20+$0x2560]  }
0x15e: {  	[tilespmem:s25+$0x121F0] =	vst.add.f32.msk $0xffff, v7  }
0x15f: {  	v7 =	vld [tilespmem:s20+$0x2570]  }
0x160: {  	[tilespmem:s25+$0x131F0] =	vst.add.f32.msk $0xffff, v11  }
0x161: {  	s26 =	spop (v2sf);
	v11 =	vld [tilespmem:s20+$0x2180]  }
0x162: {  	[tilespmem:s26+$0x12180] =	vst.add.f32.msk $0xffff, v19  }
0x163: {  	v19 =	vld [tilespmem:s20+$0x2190]  }
0x164: {  	[tilespmem:s26+$0x13180] =	vst.add.f32.msk $0xffff, v9  }
0x165: {  	v9 =	vld [tilespmem:s20+$0x21A0]  }
0x166: {  	[tilespmem:s26+$0x12190] =	vst.add.f32.msk $0xffff, v20  }
0x167: {  	v20 =	vld [tilespmem:s20+$0x21B0]  }
0x168: {  	[tilespmem:s26+$0x13190] =	vst.add.f32.msk $0xffff, v13  }
0x169: {  	v13 =	vld [tilespmem:s20+$0x21C0]  }
0x16a: {  	[tilespmem:s26+$0x121A0] =	vst.add.f32.msk $0xffff, v15  }
0x16b: {  	v15 =	vld [tilespmem:s20+$0x21D0]  }
0x16c: {  	[tilespmem:s26+$0x131A0] =	vst.add.f32.msk $0xffff, v17  }
0x16d: {  	v17 =	vld [tilespmem:s20+$0x21E0]  }
0x16e: {  	[tilespmem:s26+$0x121B0] =	vst.add.f32.msk $0xffff, v4  }
0x16f: {  	v4 =	vld [tilespmem:s20+$0x21F0]  }
0x170: {  	[tilespmem:s26+$0x131B0] =	vst.add.f32.msk $0xffff, v6  }
0x171: {  	v6 =	vld [tilespmem:s20+$0x2580]  }
0x172: {  	(v2sf) =	vpush v3, $0x3;
	[tilespmem:s26+$0x121C0] =	vst.add.f32.msk $0xffff, v8  }
0x173: {  	v8 =	vld [tilespmem:s20+$0x2590]  }
0x174: {  	[tilespmem:s26+$0x131C0] =	vst.add.f32.msk $0xffff, v10  }
0x175: {  	v10 =	vld [tilespmem:s20+$0x25A0]  }
0x176: {  	[tilespmem:s26+$0x121D0] =	vst.add.f32.msk $0xffff, v12  }
0x177: {  	v12 =	vld [tilespmem:s20+$0x25B0]  }
0x178: {  	[tilespmem:s26+$0x131D0] =	vst.add.f32.msk $0xffff, v14  }
0x179: {  	v14 =	vld [tilespmem:s20+$0x25C0]  }
0x17a: {  	[tilespmem:s26+$0x121E0] =	vst.add.f32.msk $0xffff, v16  }
0x17b: {  	v16 =	vld [tilespmem:s20+$0x25D0]  }
0x17c: {  	[tilespmem:s26+$0x131E0] =	vst.add.f32.msk $0xffff, v18  }
0x17d: {  	v18 =	vld [tilespmem:s20+$0x25E0]  }
0x17e: {  	[tilespmem:s26+$0x121F0] =	vst.add.f32.msk $0xffff, v5  }
0x17f: {  	v5 =	vld [tilespmem:s20+$0x25F0]  }
0x180: {  	[tilespmem:s26+$0x131F0] =	vst.add.f32.msk $0xffff, v7  }
0x181: {  	s28 =	spop (v2sf);
	v7 =	vld [tilespmem:s20+$0x2200]  }
0x182: {  	[tilespmem:s28+$0x12180] =	vst.add.f32.msk $0xffff, v11  }
0x183: {  	v11 =	vld [tilespmem:s20+$0x2210]  }
0x184: {  	[tilespmem:s28+$0x13180] =	vst.add.f32.msk $0xffff, v6  }
0x185: {  	v6 =	vld [tilespmem:s20+$0x2220]  }
0x186: {  	[tilespmem:s28+$0x12190] =	vst.add.f32.msk $0xffff, v19  }
0x187: {  	v19 =	vld [tilespmem:s20+$0x2230]  }
0x188: {  	[tilespmem:s28+$0x13190] =	vst.add.f32.msk $0xffff, v8  }
0x189: {  	v8 =	vld [tilespmem:s20+$0x2240]  }
0x18a: {  	[tilespmem:s28+$0x121A0] =	vst.add.f32.msk $0xffff, v9  }
0x18b: {  	v9 =	vld [tilespmem:s20+$0x2250]  }
0x18c: {  	[tilespmem:s28+$0x131A0] =	vst.add.f32.msk $0xffff, v10  }
0x18d: {  	v10 =	vld [tilespmem:s20+$0x2260]  }
0x18e: {  	[tilespmem:s28+$0x121B0] =	vst.add.f32.msk $0xffff, v20  }
0x18f: {  	v20 =	vld [tilespmem:s20+$0x2270]  }
0x190: {  	[tilespmem:s28+$0x131B0] =	vst.add.f32.msk $0xffff, v12  }
0x191: {  	v12 =	vld [tilespmem:s20+$0x2600]  }
0x192: {  	(v2sf) =	vpush v3, $0x4;
	[tilespmem:s28+$0x121C0] =	vst.add.f32.msk $0xffff, v13  }
0x193: {  	v13 =	vld [tilespmem:s20+$0x2610]  }
0x194: {  	[tilespmem:s28+$0x131C0] =	vst.add.f32.msk $0xffff, v14  }
0x195: {  	v14 =	vld [tilespmem:s20+$0x2620]  }
0x196: {  	[tilespmem:s28+$0x121D0] =	vst.add.f32.msk $0xffff, v15  }
0x197: {  	v15 =	vld [tilespmem:s20+$0x2630]  }
0x198: {  	[tilespmem:s28+$0x131D0] =	vst.add.f32.msk $0xffff, v16  }
0x199: {  	v16 =	vld [tilespmem:s20+$0x2640]  }
0x19a: {  	[tilespmem:s28+$0x121E0] =	vst.add.f32.msk $0xffff, v17  }
0x19b: {  	v17 =	vld [tilespmem:s20+$0x2650]  }
0x19c: {  	[tilespmem:s28+$0x131E0] =	vst.add.f32.msk $0xffff, v18  }
0x19d: {  	v18 =	vld [tilespmem:s20+$0x2660]  }
0x19e: {  	[tilespmem:s28+$0x121F0] =	vst.add.f32.msk $0xffff, v4  }
0x19f: {  	v4 =	vld [tilespmem:s20+$0x2670]  }
0x1a0: {  	[tilespmem:s28+$0x131F0] =	vst.add.f32.msk $0xffff, v5  }
0x1a1: {  	s29 =	spop (v2sf);
	v5 =	vld [tilespmem:s20+$0x2280]  }
0x1a2: {  	[tilespmem:s29+$0x12180] =	vst.add.f32.msk $0xffff, v7  }
0x1a3: {  	v7 =	vld [tilespmem:s20+$0x2290]  }
0x1a4: {  	[tilespmem:s29+$0x13180] =	vst.add.f32.msk $0xffff, v12  }
0x1a5: {  	v12 =	vld [tilespmem:s20+$0x22A0]  }
0x1a6: {  	[tilespmem:s29+$0x12190] =	vst.add.f32.msk $0xffff, v11  }
0x1a7: {  	v11 =	vld [tilespmem:s20+$0x22B0]  }
0x1a8: {  	[tilespmem:s29+$0x13190] =	vst.add.f32.msk $0xffff, v13  }
0x1a9: {  	v13 =	vld [tilespmem:s20+$0x22C0]  }
0x1aa: {  	[tilespmem:s29+$0x121A0] =	vst.add.f32.msk $0xffff, v6  }
0x1ab: {  	v6 =	vld [tilespmem:s20+$0x22D0]  }
0x1ac: {  	[tilespmem:s29+$0x131A0] =	vst.add.f32.msk $0xffff, v14  }
0x1ad: {  	v14 =	vld [tilespmem:s20+$0x22E0]  }
0x1ae: {  	[tilespmem:s29+$0x121B0] =	vst.add.f32.msk $0xffff, v19  }
0x1af: {  	v19 =	vld [tilespmem:s20+$0x22F0]  }
0x1b0: {  	[tilespmem:s29+$0x131B0] =	vst.add.f32.msk $0xffff, v15  }
0x1b1: {  	v15 =	vld [tilespmem:s20+$0x2680]  }
0x1b2: {  	(v2sf) =	vpush v3, $0x5;
	[tilespmem:s29+$0x121C0] =	vst.add.f32.msk $0xffff, v8  }
0x1b3: {  	v8 =	vld [tilespmem:s20+$0x2690]  }
0x1b4: {  	[tilespmem:s29+$0x131C0] =	vst.add.f32.msk $0xffff, v16  }
0x1b5: {  	v16 =	vld [tilespmem:s20+$0x26A0]  }
0x1b6: {  	[tilespmem:s29+$0x121D0] =	vst.add.f32.msk $0xffff, v9  }
0x1b7: {  	v9 =	vld [tilespmem:s20+$0x26B0]  }
0x1b8: {  	[tilespmem:s29+$0x131D0] =	vst.add.f32.msk $0xffff, v17  }
0x1b9: {  	v17 =	vld [tilespmem:s20+$0x26C0]  }
0x1ba: {  	[tilespmem:s29+$0x121E0] =	vst.add.f32.msk $0xffff, v10  }
0x1bb: {  	v10 =	vld [tilespmem:s20+$0x26D0]  }
0x1bc: {  	[tilespmem:s29+$0x131E0] =	vst.add.f32.msk $0xffff, v18  }
0x1bd: {  	v18 =	vld [tilespmem:s20+$0x26E0]  }
0x1be: {  	[tilespmem:s29+$0x121F0] =	vst.add.f32.msk $0xffff, v20  }
0x1bf: {  	v20 =	vld [tilespmem:s20+$0x26F0]  }
0x1c0: {  	[tilespmem:s29+$0x131F0] =	vst.add.f32.msk $0xffff, v4  }
0x1c1: {  	s30 =	spop (v2sf);
	v4 =	vld [tilespmem:s20+$0x2300]  }
0x1c2: {  	[tilespmem:s30+$0x12180] =	vst.add.f32.msk $0xffff, v5  }
0x1c3: {  	v5 =	vld [tilespmem:s20+$0x2310]  }
0x1c4: {  	[tilespmem:s30+$0x13180] =	vst.add.f32.msk $0xffff, v15  }
0x1c5: {  	v15 =	vld [tilespmem:s20+$0x2320]  }
0x1c6: {  	[tilespmem:s30+$0x12190] =	vst.add.f32.msk $0xffff, v7  }
0x1c7: {  	v7 =	vld [tilespmem:s20+$0x2330]  }
0x1c8: {  	[tilespmem:s30+$0x13190] =	vst.add.f32.msk $0xffff, v8  }
0x1c9: {  	v8 =	vld [tilespmem:s20+$0x2340]  }
0x1ca: {  	[tilespmem:s30+$0x121A0] =	vst.add.f32.msk $0xffff, v12  }
0x1cb: {  	v12 =	vld [tilespmem:s20+$0x2350]  }
0x1cc: {  	[tilespmem:s30+$0x131A0] =	vst.add.f32.msk $0xffff, v16  }
0x1cd: {  	v16 =	vld [tilespmem:s20+$0x2360]  }
0x1ce: {  	[tilespmem:s30+$0x121B0] =	vst.add.f32.msk $0xffff, v11  }
0x1cf: {  	v11 =	vld [tilespmem:s20+$0x2370]  }
0x1d0: {  	[tilespmem:s30+$0x131B0] =	vst.add.f32.msk $0xffff, v9  }
0x1d1: {  	v9 =	vld [tilespmem:s20+$0x2700]  }
0x1d2: {  	(v2sf) =	vpush v3, $0x6;
	[tilespmem:s30+$0x121C0] =	vst.add.f32.msk $0xffff, v13  }
0x1d3: {  	v13 =	vld [tilespmem:s20+$0x2710]  }
0x1d4: {  	[tilespmem:s30+$0x131C0] =	vst.add.f32.msk $0xffff, v17  }
0x1d5: {  	v17 =	vld [tilespmem:s20+$0x2720]  }
0x1d6: {  	[tilespmem:s30+$0x121D0] =	vst.add.f32.msk $0xffff, v6  }
0x1d7: {  	v6 =	vld [tilespmem:s20+$0x2730]  }
0x1d8: {  	[tilespmem:s30+$0x131D0] =	vst.add.f32.msk $0xffff, v10  }
0x1d9: {  	v10 =	vld [tilespmem:s20+$0x2740]  }
0x1da: {  	[tilespmem:s30+$0x121E0] =	vst.add.f32.msk $0xffff, v14  }
0x1db: {  	v14 =	vld [tilespmem:s20+$0x2750]  }
0x1dc: {  	[tilespmem:s30+$0x131E0] =	vst.add.f32.msk $0xffff, v18  }
0x1dd: {  	v18 =	vld [tilespmem:s20+$0x2760]  }
0x1de: {  	[tilespmem:s30+$0x121F0] =	vst.add.f32.msk $0xffff, v19  }
0x1df: {  	v19 =	vld [tilespmem:s20+$0x2770]  }
0x1e0: {  	[tilespmem:s30+$0x131F0] =	vst.add.f32.msk $0xffff, v20  }
0x1e1: {  	s31 =	spop (v2sf);
	v20 =	vld [tilespmem:s20+$0x2380]  }
0x1e2: {  	[tilespmem:s31+$0x12180] =	vst.add.f32.msk $0xffff, v4  }
0x1e3: {  	v4 =	vld [tilespmem:s20+$0x2390]  }
0x1e4: {  	[tilespmem:s31+$0x13180] =	vst.add.f32.msk $0xffff, v9  }
0x1e5: {  	v9 =	vld [tilespmem:s20+$0x23A0]  }
0x1e6: {  	[tilespmem:s31+$0x12190] =	vst.add.f32.msk $0xffff, v5  }
0x1e7: {  	v5 =	vld [tilespmem:s20+$0x23B0]  }
0x1e8: {  	[tilespmem:s31+$0x13190] =	vst.add.f32.msk $0xffff, v13  }
0x1e9: {  	v13 =	vld [tilespmem:s20+$0x23C0]  }
0x1ea: {  	[tilespmem:s31+$0x121A0] =	vst.add.f32.msk $0xffff, v15  }
0x1eb: {  	v15 =	vld [tilespmem:s20+$0x23D0]  }
0x1ec: {  	[tilespmem:s31+$0x131A0] =	vst.add.f32.msk $0xffff, v17  }
0x1ed: {  	v17 =	vld [tilespmem:s20+$0x23E0]  }
0x1ee: {  	[tilespmem:s31+$0x121B0] =	vst.add.f32.msk $0xffff, v7  }
0x1ef: {  	v7 =	vld [tilespmem:s20+$0x23F0]  }
0x1f0: {  	[tilespmem:s31+$0x131B0] =	vst.add.f32.msk $0xffff, v6  }
0x1f1: {  	v6 =	vld [tilespmem:s20+$0x2780]  }
0x1f2: {  	(v2sf) =	vpush v3, $0x7;
	[tilespmem:s31+$0x121C0] =	vst.add.f32.msk $0xffff, v8  }
0x1f3: {  	v8 =	vld [tilespmem:s20+$0x2790]  }
0x1f4: {  	[tilespmem:s31+$0x131C0] =	vst.add.f32.msk $0xffff, v10  }
0x1f5: {  	v10 =	vld [tilespmem:s20+$0x27A0]  }
0x1f6: {  	[tilespmem:s31+$0x121D0] =	vst.add.f32.msk $0xffff, v12  }
0x1f7: {  	v12 =	vld [tilespmem:s20+$0x27B0]  }
0x1f8: {  	[tilespmem:s31+$0x131D0] =	vst.add.f32.msk $0xffff, v14  }
0x1f9: {  	v14 =	vld [tilespmem:s20+$0x27C0]  }
0x1fa: {  	[tilespmem:s31+$0x121E0] =	vst.add.f32.msk $0xffff, v16  }
0x1fb: {  	v16 =	vld [tilespmem:s20+$0x27D0]  }
0x1fc: {  	[tilespmem:s31+$0x131E0] =	vst.add.f32.msk $0xffff, v18  }
0x1fd: {  	v18 =	vld [tilespmem:s20+$0x27E0]  }
0x1fe: {  	[tilespmem:s31+$0x121F0] =	vst.add.f32.msk $0xffff, v11  }
0x1ff: {  	v11 =	vld [tilespmem:s20+$0x27F0]  }
0x200: {  	[tilespmem:s31+$0x131F0] =	vst.add.f32.msk $0xffff, v19  }
0x201: {  	s22 =	spop (v2sf);
	v19 =	vld [tilespmem:s20+$0x2800]  }
0x202: {  	[tilespmem:s22+$0x12180] =	vst.add.f32.msk $0xffff, v20  }
0x203: {  	v20 =	vld [tilespmem:s20+$0x2810]  }
0x204: {  	[tilespmem:s22+$0x13180] =	vst.add.f32.msk $0xffff, v6  }
0x205: {  	v6 =	vld [tilespmem:s20+$0x2820]  }
0x206: {  	[tilespmem:s22+$0x12190] =	vst.add.f32.msk $0xffff, v4  }
0x207: {  	v4 =	vld [tilespmem:s20+$0x2830]  }
0x208: {  	[tilespmem:s22+$0x13190] =	vst.add.f32.msk $0xffff, v8  }
0x209: {  	v8 =	vld [tilespmem:s20+$0x2840]  }
0x20a: {  	[tilespmem:s22+$0x121A0] =	vst.add.f32.msk $0xffff, v9  }
0x20b: {  	v9 =	vld [tilespmem:s20+$0x2850]  }
0x20c: {  	[tilespmem:s22+$0x131A0] =	vst.add.f32.msk $0xffff, v10  }
0x20d: {  	v10 =	vld [tilespmem:s20+$0x2860]  }
0x20e: {  	[tilespmem:s22+$0x121B0] =	vst.add.f32.msk $0xffff, v5  }
0x20f: {  	v5 =	vld [tilespmem:s20+$0x2870]  }
0x210: {  	[tilespmem:s22+$0x131B0] =	vst.add.f32.msk $0xffff, v12  }
0x211: {  	v12 =	vld [tilespmem:s20+$0x2C00]  }
0x212: {  	(v2sf) =	vpush v3, $0x8;
	[tilespmem:s22+$0x121C0] =	vst.add.f32.msk $0xffff, v13  }
0x213: {  	v13 =	vld [tilespmem:s20+$0x2C10]  }
0x214: {  	[tilespmem:s22+$0x131C0] =	vst.add.f32.msk $0xffff, v14  }
0x215: {  	v14 =	vld [tilespmem:s20+$0x2C20]  }
0x216: {  	[tilespmem:s22+$0x121D0] =	vst.add.f32.msk $0xffff, v15  }
0x217: {  	v15 =	vld [tilespmem:s20+$0x2C30]  }
0x218: {  	[tilespmem:s22+$0x131D0] =	vst.add.f32.msk $0xffff, v16  }
0x219: {  	v16 =	vld [tilespmem:s20+$0x2C40]  }
0x21a: {  	[tilespmem:s22+$0x121E0] =	vst.add.f32.msk $0xffff, v17  }
0x21b: {  	v17 =	vld [tilespmem:s20+$0x2C50]  }
0x21c: {  	[tilespmem:s22+$0x131E0] =	vst.add.f32.msk $0xffff, v18  }
0x21d: {  	v18 =	vld [tilespmem:s20+$0x2C60]  }
0x21e: {  	[tilespmem:s22+$0x121F0] =	vst.add.f32.msk $0xffff, v7  }
0x21f: {  	v7 =	vld [tilespmem:s20+$0x2C70]  }
0x220: {  	[tilespmem:s22+$0x131F0] =	vst.add.f32.msk $0xffff, v11  }
0x221: {  	s23 =	spop (v2sf);
	v11 =	vld [tilespmem:s20+$0x2880]  }
0x222: {  	[tilespmem:s23+$0x12180] =	vst.add.f32.msk $0xffff, v19  }
0x223: {  	v19 =	vld [tilespmem:s20+$0x2890]  }
0x224: {  	[tilespmem:s23+$0x13180] =	vst.add.f32.msk $0xffff, v12  }
0x225: {  	v12 =	vld [tilespmem:s20+$0x28A0]  }
0x226: {  	[tilespmem:s23+$0x12190] =	vst.add.f32.msk $0xffff, v20  }
0x227: {  	v20 =	vld [tilespmem:s20+$0x28B0]  }
0x228: {  	[tilespmem:s23+$0x13190] =	vst.add.f32.msk $0xffff, v13  }
0x229: {  	v13 =	vld [tilespmem:s20+$0x28C0]  }
0x22a: {  	[tilespmem:s23+$0x121A0] =	vst.add.f32.msk $0xffff, v6  }
0x22b: {  	v6 =	vld [tilespmem:s20+$0x28D0]  }
0x22c: {  	[tilespmem:s23+$0x131A0] =	vst.add.f32.msk $0xffff, v14  }
0x22d: {  	v14 =	vld [tilespmem:s20+$0x28E0]  }
0x22e: {  	[tilespmem:s23+$0x121B0] =	vst.add.f32.msk $0xffff, v4  }
0x22f: {  	v4 =	vld [tilespmem:s20+$0x28F0]  }
0x230: {  	[tilespmem:s23+$0x131B0] =	vst.add.f32.msk $0xffff, v15  }
0x231: {  	v15 =	vld [tilespmem:s20+$0x2C80]  }
0x232: {  	(v2sf) =	vpush v3, $0x9;
	[tilespmem:s23+$0x121C0] =	vst.add.f32.msk $0xffff, v8  }
0x233: {  	v8 =	vld [tilespmem:s20+$0x2C90]  }
0x234: {  	[tilespmem:s23+$0x131C0] =	vst.add.f32.msk $0xffff, v16  }
0x235: {  	v16 =	vld [tilespmem:s20+$0x2CA0]  }
0x236: {  	[tilespmem:s23+$0x121D0] =	vst.add.f32.msk $0xffff, v9  }
0x237: {  	v9 =	vld [tilespmem:s20+$0x2CB0]  }
0x238: {  	[tilespmem:s23+$0x131D0] =	vst.add.f32.msk $0xffff, v17  }
0x239: {  	v17 =	vld [tilespmem:s20+$0x2CC0]  }
0x23a: {  	[tilespmem:s23+$0x121E0] =	vst.add.f32.msk $0xffff, v10  }
0x23b: {  	v10 =	vld [tilespmem:s20+$0x2CD0]  }
0x23c: {  	[tilespmem:s23+$0x131E0] =	vst.add.f32.msk $0xffff, v18  }
0x23d: {  	v18 =	vld [tilespmem:s20+$0x2CE0]  }
0x23e: {  	[tilespmem:s23+$0x121F0] =	vst.add.f32.msk $0xffff, v5  }
0x23f: {  	v5 =	vld [tilespmem:s20+$0x2CF0]  }
0x240: {  	[tilespmem:s23+$0x131F0] =	vst.add.f32.msk $0xffff, v7  }
0x241: {  	s24 =	spop (v2sf);
	v7 =	vld [tilespmem:s20+$0x2900]  }
0x242: {  	[tilespmem:s24+$0x12180] =	vst.add.f32.msk $0xffff, v11  }
0x243: {  	v11 =	vld [tilespmem:s20+$0x2910]  }
0x244: {  	[tilespmem:s24+$0x13180] =	vst.add.f32.msk $0xffff, v15  }
0x245: {  	v15 =	vld [tilespmem:s20+$0x2920]  }
0x246: {  	[tilespmem:s24+$0x12190] =	vst.add.f32.msk $0xffff, v19  }
0x247: {  	v19 =	vld [tilespmem:s20+$0x2930]  }
0x248: {  	[tilespmem:s24+$0x13190] =	vst.add.f32.msk $0xffff, v8  }
0x249: {  	v8 =	vld [tilespmem:s20+$0x2940]  }
0x24a: {  	[tilespmem:s24+$0x121A0] =	vst.add.f32.msk $0xffff, v12  }
0x24b: {  	v12 =	vld [tilespmem:s20+$0x2950]  }
0x24c: {  	[tilespmem:s24+$0x131A0] =	vst.add.f32.msk $0xffff, v16  }
0x24d: {  	v16 =	vld [tilespmem:s20+$0x2960]  }
0x24e: {  	[tilespmem:s24+$0x121B0] =	vst.add.f32.msk $0xffff, v20  }
0x24f: {  	v20 =	vld [tilespmem:s20+$0x2970]  }
0x250: {  	[tilespmem:s24+$0x131B0] =	vst.add.f32.msk $0xffff, v9  }
0x251: {  	v9 =	vld [tilespmem:s20+$0x2D00]  }
0x252: {  	(v2sf) =	vpush v3, $0xA;
	[tilespmem:s24+$0x121C0] =	vst.add.f32.msk $0xffff, v13  }
0x253: {  	v13 =	vld [tilespmem:s20+$0x2D10]  }
0x254: {  	[tilespmem:s24+$0x131C0] =	vst.add.f32.msk $0xffff, v17  }
0x255: {  	v17 =	vld [tilespmem:s20+$0x2D20]  }
0x256: {  	[tilespmem:s24+$0x121D0] =	vst.add.f32.msk $0xffff, v6  }
0x257: {  	v6 =	vld [tilespmem:s20+$0x2D30]  }
0x258: {  	[tilespmem:s24+$0x131D0] =	vst.add.f32.msk $0xffff, v10  }
0x259: {  	v10 =	vld [tilespmem:s20+$0x2D40]  }
0x25a: {  	[tilespmem:s24+$0x121E0] =	vst.add.f32.msk $0xffff, v14  }
0x25b: {  	v14 =	vld [tilespmem:s20+$0x2D50]  }
0x25c: {  	[tilespmem:s24+$0x131E0] =	vst.add.f32.msk $0xffff, v18  }
0x25d: {  	v18 =	vld [tilespmem:s20+$0x2D60]  }
0x25e: {  	[tilespmem:s24+$0x121F0] =	vst.add.f32.msk $0xffff, v4  }
0x25f: {  	v4 =	vld [tilespmem:s20+$0x2D70]  }
0x260: {  	[tilespmem:s24+$0x131F0] =	vst.add.f32.msk $0xffff, v5  }
0x261: {  	s25 =	spop (v2sf);
	v5 =	vld [tilespmem:s20+$0x2980]  }
0x262: {  	[tilespmem:s25+$0x12180] =	vst.add.f32.msk $0xffff, v7  }
0x263: {  	v7 =	vld [tilespmem:s20+$0x2990]  }
0x264: {  	[tilespmem:s25+$0x13180] =	vst.add.f32.msk $0xffff, v9  }
0x265: {  	v9 =	vld [tilespmem:s20+$0x29A0]  }
0x266: {  	[tilespmem:s25+$0x12190] =	vst.add.f32.msk $0xffff, v11  }
0x267: {  	v11 =	vld [tilespmem:s20+$0x29B0]  }
0x268: {  	[tilespmem:s25+$0x13190] =	vst.add.f32.msk $0xffff, v13  }
0x269: {  	v13 =	vld [tilespmem:s20+$0x29C0]  }
0x26a: {  	[tilespmem:s25+$0x121A0] =	vst.add.f32.msk $0xffff, v15  }
0x26b: {  	v15 =	vld [tilespmem:s20+$0x29D0]  }
0x26c: {  	[tilespmem:s25+$0x131A0] =	vst.add.f32.msk $0xffff, v17  }
0x26d: {  	v17 =	vld [tilespmem:s20+$0x29E0]  }
0x26e: {  	[tilespmem:s25+$0x121B0] =	vst.add.f32.msk $0xffff, v19  }
0x26f: {  	v19 =	vld [tilespmem:s20+$0x29F0]  }
0x270: {  	[tilespmem:s25+$0x131B0] =	vst.add.f32.msk $0xffff, v6  }
0x271: {  	v6 =	vld [tilespmem:s20+$0x2D80]  }
0x272: {  	(v2sf) =	vpush v3, $0xB;
	[tilespmem:s25+$0x121C0] =	vst.add.f32.msk $0xffff, v8  }
0x273: {  	v8 =	vld [tilespmem:s20+$0x2D90]  }
0x274: {  	[tilespmem:s25+$0x131C0] =	vst.add.f32.msk $0xffff, v10  }
0x275: {  	v10 =	vld [tilespmem:s20+$0x2DA0]  }
0x276: {  	[tilespmem:s25+$0x121D0] =	vst.add.f32.msk $0xffff, v12  }
0x277: {  	v12 =	vld [tilespmem:s20+$0x2DB0]  }
0x278: {  	[tilespmem:s25+$0x131D0] =	vst.add.f32.msk $0xffff, v14  }
0x279: {  	v14 =	vld [tilespmem:s20+$0x2DC0]  }
0x27a: {  	[tilespmem:s25+$0x121E0] =	vst.add.f32.msk $0xffff, v16  }
0x27b: {  	v16 =	vld [tilespmem:s20+$0x2DD0]  }
0x27c: {  	[tilespmem:s25+$0x131E0] =	vst.add.f32.msk $0xffff, v18  }
0x27d: {  	v18 =	vld [tilespmem:s20+$0x2DE0]  }
0x27e: {  	[tilespmem:s25+$0x121F0] =	vst.add.f32.msk $0xffff, v20  }
0x27f: {  	v20 =	vld [tilespmem:s20+$0x2DF0]  }
0x280: {  	[tilespmem:s25+$0x131F0] =	vst.add.f32.msk $0xffff, v4  }
0x281: {  	s26 =	spop (v2sf);
	v4 =	vld [tilespmem:s20+$0x2A00]  }
0x282: {  	[tilespmem:s26+$0x12180] =	vst.add.f32.msk $0xffff, v5  }
0x283: {  	v5 =	vld [tilespmem:s20+$0x2A10]  }
0x284: {  	[tilespmem:s26+$0x13180] =	vst.add.f32.msk $0xffff, v6  }
0x285: {  	v6 =	vld [tilespmem:s20+$0x2A20]  }
0x286: {  	[tilespmem:s26+$0x12190] =	vst.add.f32.msk $0xffff, v7  }
0x287: {  	v7 =	vld [tilespmem:s20+$0x2A30]  }
0x288: {  	[tilespmem:s26+$0x13190] =	vst.add.f32.msk $0xffff, v8  }
0x289: {  	v8 =	vld [tilespmem:s20+$0x2A40]  }
0x28a: {  	[tilespmem:s26+$0x121A0] =	vst.add.f32.msk $0xffff, v9  }
0x28b: {  	v9 =	vld [tilespmem:s20+$0x2A50]  }
0x28c: {  	[tilespmem:s26+$0x131A0] =	vst.add.f32.msk $0xffff, v10  }
0x28d: {  	v10 =	vld [tilespmem:s20+$0x2A60]  }
0x28e: {  	[tilespmem:s26+$0x121B0] =	vst.add.f32.msk $0xffff, v11  }
0x28f: {  	v11 =	vld [tilespmem:s20+$0x2A70]  }
0x290: {  	[tilespmem:s26+$0x131B0] =	vst.add.f32.msk $0xffff, v12  }
0x291: {  	v12 =	vld [tilespmem:s20+$0x2E00]  }
0x292: {  	(v2sf) =	vpush v3, $0xC;
	[tilespmem:s26+$0x121C0] =	vst.add.f32.msk $0xffff, v13  }
0x293: {  	v13 =	vld [tilespmem:s20+$0x2E10]  }
0x294: {  	[tilespmem:s26+$0x131C0] =	vst.add.f32.msk $0xffff, v14  }
0x295: {  	v14 =	vld [tilespmem:s20+$0x2E20]  }
0x296: {  	[tilespmem:s26+$0x121D0] =	vst.add.f32.msk $0xffff, v15  }
0x297: {  	v15 =	vld [tilespmem:s20+$0x2E30]  }
0x298: {  	[tilespmem:s26+$0x131D0] =	vst.add.f32.msk $0xffff, v16  }
0x299: {  	v16 =	vld [tilespmem:s20+$0x2E40]  }
0x29a: {  	[tilespmem:s26+$0x121E0] =	vst.add.f32.msk $0xffff, v17  }
0x29b: {  	v17 =	vld [tilespmem:s20+$0x2E50]  }
0x29c: {  	[tilespmem:s26+$0x131E0] =	vst.add.f32.msk $0xffff, v18  }
0x29d: {  	v18 =	vld [tilespmem:s20+$0x2E60]  }
0x29e: {  	[tilespmem:s26+$0x121F0] =	vst.add.f32.msk $0xffff, v19  }
0x29f: {  	v19 =	vld [tilespmem:s20+$0x2E70]  }
0x2a0: {  	[tilespmem:s26+$0x131F0] =	vst.add.f32.msk $0xffff, v20  }
0x2a1: {  	s28 =	spop (v2sf);
	v20 =	vld [tilespmem:s20+$0x2A80]  }
0x2a2: {  	[tilespmem:s28+$0x12180] =	vst.add.f32.msk $0xffff, v4  }
0x2a3: {  	v4 =	vld [tilespmem:s20+$0x2A90]  }
0x2a4: {  	[tilespmem:s28+$0x13180] =	vst.add.f32.msk $0xffff, v12  }
0x2a5: {  	v12 =	vld [tilespmem:s20+$0x2AA0]  }
0x2a6: {  	[tilespmem:s28+$0x12190] =	vst.add.f32.msk $0xffff, v5  }
0x2a7: {  	v5 =	vld [tilespmem:s20+$0x2AB0]  }
0x2a8: {  	[tilespmem:s28+$0x13190] =	vst.add.f32.msk $0xffff, v13  }
0x2a9: {  	v13 =	vld [tilespmem:s20+$0x2AC0]  }
0x2aa: {  	[tilespmem:s28+$0x121A0] =	vst.add.f32.msk $0xffff, v6  }
0x2ab: {  	v6 =	vld [tilespmem:s20+$0x2AD0]  }
0x2ac: {  	[tilespmem:s28+$0x131A0] =	vst.add.f32.msk $0xffff, v14  }
0x2ad: {  	v14 =	vld [tilespmem:s20+$0x2AE0]  }
0x2ae: {  	[tilespmem:s28+$0x121B0] =	vst.add.f32.msk $0xffff, v7  }
0x2af: {  	v7 =	vld [tilespmem:s20+$0x2AF0]  }
0x2b0: {  	[tilespmem:s28+$0x131B0] =	vst.add.f32.msk $0xffff, v15  }
0x2b1: {  	v15 =	vld [tilespmem:s20+$0x2E80]  }
0x2b2: {  	(v2sf) =	vpush v3, $0xD;
	[tilespmem:s28+$0x121C0] =	vst.add.f32.msk $0xffff, v8  }
0x2b3: {  	v8 =	vld [tilespmem:s20+$0x2E90]  }
0x2b4: {  	[tilespmem:s28+$0x131C0] =	vst.add.f32.msk $0xffff, v16  }
0x2b5: {  	v16 =	vld [tilespmem:s20+$0x2EA0]  }
0x2b6: {  	[tilespmem:s28+$0x121D0] =	vst.add.f32.msk $0xffff, v9  }
0x2b7: {  	v9 =	vld [tilespmem:s20+$0x2EB0]  }
0x2b8: {  	[tilespmem:s28+$0x131D0] =	vst.add.f32.msk $0xffff, v17  }
0x2b9: {  	v17 =	vld [tilespmem:s20+$0x2EC0]  }
0x2ba: {  	[tilespmem:s28+$0x121E0] =	vst.add.f32.msk $0xffff, v10  }
0x2bb: {  	v10 =	vld [tilespmem:s20+$0x2ED0]  }
0x2bc: {  	[tilespmem:s28+$0x131E0] =	vst.add.f32.msk $0xffff, v18  }
0x2bd: {  	v18 =	vld [tilespmem:s20+$0x2EE0]  }
0x2be: {  	[tilespmem:s28+$0x121F0] =	vst.add.f32.msk $0xffff, v11  }
0x2bf: {  	v11 =	vld [tilespmem:s20+$0x2EF0]  }
0x2c0: {  	[tilespmem:s28+$0x131F0] =	vst.add.f32.msk $0xffff, v19  }
0x2c1: {  	s29 =	spop (v2sf);
	v19 =	vld [tilespmem:s20+$0x2B00]  }
0x2c2: {  	[tilespmem:s29+$0x12180] =	vst.add.f32.msk $0xffff, v20  }
0x2c3: {  	v20 =	vld [tilespmem:s20+$0x2B10]  }
0x2c4: {  	[tilespmem:s29+$0x13180] =	vst.add.f32.msk $0xffff, v15  }
0x2c5: {  	v15 =	vld [tilespmem:s20+$0x2B20]  }
0x2c6: {  	[tilespmem:s29+$0x12190] =	vst.add.f32.msk $0xffff, v4  }
0x2c7: {  	v4 =	vld [tilespmem:s20+$0x2B30]  }
0x2c8: {  	[tilespmem:s29+$0x13190] =	vst.add.f32.msk $0xffff, v8  }
0x2c9: {  	v8 =	vld [tilespmem:s20+$0x2B40]  }
0x2ca: {  	[tilespmem:s29+$0x121A0] =	vst.add.f32.msk $0xffff, v12  }
0x2cb: {  	v12 =	vld [tilespmem:s20+$0x2B50]  }
0x2cc: {  	[tilespmem:s29+$0x131A0] =	vst.add.f32.msk $0xffff, v16  }
0x2cd: {  	v16 =	vld [tilespmem:s20+$0x2B60]  }
0x2ce: {  	[tilespmem:s29+$0x121B0] =	vst.add.f32.msk $0xffff, v5  }
0x2cf: {  	v5 =	vld [tilespmem:s20+$0x2B70]  }
0x2d0: {  	[tilespmem:s29+$0x131B0] =	vst.add.f32.msk $0xffff, v9  }
0x2d1: {  	v9 =	vld [tilespmem:s20+$0x2F00]  }
0x2d2: {  	(v2sf) =	vpush v3, $0xE;
	[tilespmem:s29+$0x121C0] =	vst.add.f32.msk $0xffff, v13  }
0x2d3: {  	v13 =	vld [tilespmem:s20+$0x2F10]  }
0x2d4: {  	[tilespmem:s29+$0x131C0] =	vst.add.f32.msk $0xffff, v17  }
0x2d5: {  	v17 =	vld [tilespmem:s20+$0x2F20]  }
0x2d6: {  	[tilespmem:s29+$0x121D0] =	vst.add.f32.msk $0xffff, v6  }
0x2d7: {  	v6 =	vld [tilespmem:s20+$0x2F30]  }
0x2d8: {  	[tilespmem:s29+$0x131D0] =	vst.add.f32.msk $0xffff, v10  }
0x2d9: {  	v10 =	vld [tilespmem:s20+$0x2F40]  }
0x2da: {  	[tilespmem:s29+$0x121E0] =	vst.add.f32.msk $0xffff, v14  }
0x2db: {  	v14 =	vld [tilespmem:s20+$0x2F50]  }
0x2dc: {  	[tilespmem:s29+$0x131E0] =	vst.add.f32.msk $0xffff, v18  }
0x2dd: {  	v18 =	vld [tilespmem:s20+$0x2F60]  }
0x2de: {  	[tilespmem:s29+$0x121F0] =	vst.add.f32.msk $0xffff, v7  }
0x2df: {  	v7 =	vld [tilespmem:s20+$0x2F70]  }
0x2e0: {  	[tilespmem:s29+$0x131F0] =	vst.add.f32.msk $0xffff, v11  }
0x2e1: {  	s30 =	spop (v2sf);
	v11 =	vld [tilespmem:s20+$0x2B80]  }
0x2e2: {  	[tilespmem:s30+$0x12180] =	vst.add.f32.msk $0xffff, v19  }
0x2e3: {  	v19 =	vld [tilespmem:s20+$0x2B90]  }
0x2e4: {  	[tilespmem:s30+$0x13180] =	vst.add.f32.msk $0xffff, v9  }
0x2e5: {  	v9 =	vld [tilespmem:s20+$0x2BA0]  }
0x2e6: {  	[tilespmem:s30+$0x12190] =	vst.add.f32.msk $0xffff, v20  }
0x2e7: {  	v20 =	vld [tilespmem:s20+$0x2BB0]  }
0x2e8: {  	[tilespmem:s30+$0x13190] =	vst.add.f32.msk $0xffff, v13  }
0x2e9: {  	v13 =	vld [tilespmem:s20+$0x2BC0]  }
0x2ea: {  	[tilespmem:s30+$0x121A0] =	vst.add.f32.msk $0xffff, v15  }
0x2eb: {  	v15 =	vld [tilespmem:s20+$0x2BD0]  }
0x2ec: {  	[tilespmem:s30+$0x131A0] =	vst.add.f32.msk $0xffff, v17  }
0x2ed: {  	v17 =	vld [tilespmem:s20+$0x2BE0]  }
0x2ee: {  	[tilespmem:s30+$0x121B0] =	vst.add.f32.msk $0xffff, v4  }
0x2ef: {  	v4 =	vld [tilespmem:s20+$0x2BF0]  }
0x2f0: {  	[tilespmem:s30+$0x131B0] =	vst.add.f32.msk $0xffff, v6  }
0x2f1: {  	(v2sf) =	vpush v3, $0xF;
	v6 =	vld [tilespmem:s20+$0x2F80]  }
0x2f2: {  	[tilespmem:s30+$0x121C0] =	vst.add.f32.msk $0xffff, v8  }
0x2f3: {  	v3 =	vld [tilespmem:s20+$0x2F90]  }
0x2f4: {  	[tilespmem:s30+$0x131C0] =	vst.add.f32.msk $0xffff, v10  }
0x2f5: {  	v8 =	vld [tilespmem:s20+$0x2FA0]  }
0x2f6: {  	[tilespmem:s30+$0x121D0] =	vst.add.f32.msk $0xffff, v12  }
0x2f7: {  	v10 =	vld [tilespmem:s20+$0x2FB0]  }
0x2f8: {  	[tilespmem:s30+$0x131D0] =	vst.add.f32.msk $0xffff, v14  }
0x2f9: {  	v12 =	vld [tilespmem:s20+$0x2FC0]  }
0x2fa: {  	[tilespmem:s30+$0x121E0] =	vst.add.f32.msk $0xffff, v16  }
0x2fb: {  	v14 =	vld [tilespmem:s20+$0x2FD0]  }
0x2fc: {  	[tilespmem:s30+$0x131E0] =	vst.add.f32.msk $0xffff, v18  }
0x2fd: {  	v16 =	vld [tilespmem:s20+$0x2FE0]  }
0x2fe: {  	[tilespmem:s30+$0x121F0] =	vst.add.f32.msk $0xffff, v5  }
0x2ff: {  	v5 =	vld [tilespmem:s20+$0x2FF0]  }
0x300: {  	s31 =	spop (v2sf);
	[tilespmem:s30+$0x131F0] =	vst.add.f32.msk $0xffff, v7  }
0x301: {  	[tilespmem:s31+$0x12180] =	vst.add.f32.msk $0xffff, v11  }
0x302: {  	[tilespmem:s31+$0x13180] =	vst.add.f32.msk $0xffff, v6  }
0x303: {  	[tilespmem:s31+$0x12190] =	vst.add.f32.msk $0xffff, v19  }
0x304: {  	[tilespmem:s31+$0x13190] =	vst.add.f32.msk $0xffff, v3  }
0x305: {  	[tilespmem:s31+$0x121A0] =	vst.add.f32.msk $0xffff, v9  }
0x306: {  	[tilespmem:s31+$0x131A0] =	vst.add.f32.msk $0xffff, v8  }
0x307: {  	[tilespmem:s31+$0x121B0] =	vst.add.f32.msk $0xffff, v20  }
0x308: {  	[tilespmem:s31+$0x131B0] =	vst.add.f32.msk $0xffff, v10  }
0x309: {  	[tilespmem:s31+$0x121C0] =	vst.add.f32.msk $0xffff, v13  }
0x30a: {  	[tilespmem:s31+$0x121D0] =	vst.add.f32.msk $0xffff, v15  }
0x30b: {  	p0 =	sne.s32 s19, $0xF;
	[tilespmem:s31+$0x121E0] =	vst.add.f32.msk $0xffff, v17  }
.Ltmp2:
0x30c: {  	[tilespmem:s31+$0x121F0] =	vst.add.f32.msk $0xffff, v4;
	(pc) =	sbr.rel @p0 .LBB2_6-.Ltmp2, $4  }
0x30d: {  	[tilespmem:s31+$0x131C0] =	vst.add.f32.msk $0xffff, v12  }
0x30e: {  	[tilespmem:s31+$0x131D0] =	vst.add.f32.msk $0xffff, v14  }
0x30f: {  	[tilespmem:s31+$0x131E0] =	vst.add.f32.msk $0xffff, v16  }
0x310: {  	s19 =	sadd.s32 $0x1, s19;
	[tilespmem:s31+$0x131F0] =	vst.add.f32.msk $0xffff, v5  }
0x311: {  	[hbm4b:s5+s15] =	stream.strided.scatter [tilespmem:s16], [sflag:$0x2], $0x1000, s10, s15, $0x38;
	[tilespmem:$0x14180] =	vst v63  }
0x312: {  	_ =	swait.ge [sflag:s12], $0x1000  }
0x313: {  	[sflag:s12] =	ssyncset.done $0x0  }
0x314: {  	[sflag:s12] =	ssyncadd.s32 $0xFFFFF000  }
0x315: {  	[hbm4b:s6+s15] =	stream.strided.scatter [tilespmem:s17], [sflag:$0x2], $0x1000, s10, s15, $0x38;
	[tilespmem:$0x14180] =	vst v63  }
0x316: {  	s18 =	sadd.s32 $0x1, s18;
	_ =	swait.ge [sflag:s12], $0x1000  }
0x317: {  	p0 =	sne.s32 s18, s8;
	[sflag:s12] =	ssyncset.done $0x0  }
.Ltmp3:
0x318: {  	[sflag:s12] =	ssyncadd.s32 $0xFFFFF000;
	(pc) =	sbr.rel @p0 .LBB2_1-.Ltmp3, $4  }
0x319: {  	[hbm4b:s7+s2] =	stream.linear.scatter [tilespmem:s13], [sflag:$0x2], $0x80, $0x38;
	[tilespmem:$0x14180] =	vst v63  }
0x31a: {  	_ =	swait.ge [sflag:s12], $0x80  }
0x31b: {  	[sflag:s12] =	ssyncset.done $0x0  }
0x31c: {  	[sflag:s12] =	ssyncadd.s32 $0xFFFFFF80  }
0x31d: {  	_ =	sfence.sel $0x180000  }
0x31e: {  	[bflag:$0x0] =	sbarrier.arrive $0xFFFF  }
0x31f: {  	p0 =	sne.s32 s1, $0x0;
	_ =	strace $0x90000047  }
0x320: {  	s0 =	sadd.s32 @!p0 $0x100000, s0;
	[bflag:$0x2] =	sbarrier.arrive $0xFFFF  }
0x321: {  	[sflag:s0] =	ssyncadd.tile.s32 @!p0 $0x1;
	_ =	shalt  }
.Lfunc_end2:
_tile_overlayer_lowered:
.L_overlay_start_2:
0x322: {  	(tag) =	ssettag $0x2  }
0x323: {  	s0 =	rddreg [dreg:$0x0];
	s2 =	stileid.u32  }
0x324: {  	s1 =	rddreg [dreg:$0x1];
	p0 =	sne.s32 s2, $0x0  }
0x325: {  	s3 =	rddreg [dreg:$0x2];
	[bflag:$0x3] =	sbarrier.arrive $0xFFFF;
	s2 =	simm.s32 @!p0 $0x1C02  }
0x326: {  	[timem:s3], [sflag:s2] =	dma.local @!p0 [hbm:s0], s1  }
0x327: {  	s0 =	simm.s32 @!p0 $0x2  }
0x328: {  	_ =	swait.ge @!p0 [sflag:s0], s1  }
0x329: {  	s1 =	ssub.s32 @!p0 $0x0, s1;
	[sflag:s0] =	ssyncset.done @!p0 $0x0  }
0x32a: {  	[sflag:s0] =	ssyncadd.s32 @!p0 s1  }
0x32b: {  	[bflag:$0x3] =	sbarrier.arrive $0xFFFF  }
0x32c: {  	_ =	shalt  }

</sc_bundles>
